<compile_context>
chip_gen: v7x
topology: tpu7x:2x2x1
jax: 0.10.2.dev20260603
libtpu: 0.0.44.dev20260713+nightly
codegen_flags: <defaults>
</compile_context>

<pallas_src>
import jax
import jax.numpy as jnp
from jax import lax
from jax.experimental import pallas as pl
from jax.experimental.pallas import tpu as pltpu
from jax.experimental.pallas import tpu_sc as plsc

N = 10000
D = 128
E = 320000
NLAYERS = 3
NC = 2
NS = 16
NW = NC * NS
CHUNK = 120
CPT = 84
EPAD = NW * CPT * CHUNK
NPAD = 10112
RPT = NPAD // NS

_mesh = plsc.VectorSubcoreMesh(
    core_axis_name="c", subcore_axis_name="s", num_cores=NC, num_subcores=NS)


def _ign(ref):
    return plsc.Indices(ref, ignored_value=-1)


def _deg_body(colp_hbm, ones_hbm, zeros_hbm, out_hbm, col_v, ones_v, acc_sh, sem):
    cid = lax.axis_index("c")
    sid = lax.axis_index("s")
    wid = sid * NC + cid
    r0 = sid * RPT
    pltpu.sync_copy(zeros_hbm.at[pl.ds(r0, RPT)], acc_sh.at[pl.ds(r0, RPT)])
    pltpu.sync_copy(colp_hbm.at[wid], col_v)
    pltpu.sync_copy(ones_hbm, ones_v)
    plsc.subcore_barrier()

    def fire(j, carry):
        pltpu.async_copy(ones_v, acc_sh.at[_ign(col_v.at[j])], sem, add=True)
        return carry

    lax.fori_loop(0, CPT, fire, 0)

    def drain(j, carry):
        pltpu.make_async_copy(ones_v, acc_sh.at[_ign(col_v.at[j])], sem).wait()
        return carry

    lax.fori_loop(0, CPT, drain, 0)
    plsc.subcore_barrier()
    pltpu.sync_copy(acc_sh.at[pl.ds(r0, RPT)], out_hbm.at[cid, pl.ds(r0, RPT)])


_deg_call = pl.kernel(
    _deg_body,
    out_type=jax.ShapeDtypeStruct((NC, NPAD, D), jnp.float32),
    mesh=_mesh,
    scratch_types=[
        pltpu.VMEM((CPT, CHUNK), jnp.int32),
        pltpu.VMEM((CHUNK, D), jnp.float32),
        pltpu.VMEM_SHARED((NPAD, D), jnp.float32),
        pltpu.SemaphoreType.DMA,
    ],
)


def _prop_body(u_hbm, rowp_hbm, colp_hbm, zeros_hbm, out_hbm,
               idx_v, gbuf, acc_sh, rsem, csem, gsem, ssem):
    cid = lax.axis_index("c")
    sid = lax.axis_index("s")
    wid = sid * NC + cid
    r0 = sid * RPT
    pltpu.sync_copy(zeros_hbm.at[pl.ds(r0, RPT)], acc_sh.at[pl.ds(r0, RPT)])
    plsc.subcore_barrier()

    def start_idx(j):
        b = lax.rem(j, 4)
        pltpu.async_copy(rowp_hbm.at[wid, j], idx_v.at[b], rsem.at[b])
        pltpu.async_copy(colp_hbm.at[wid, j], idx_v.at[4 + b], csem.at[b])

    def wait_idx(j):
        b = lax.rem(j, 4)
        pltpu.make_async_copy(rowp_hbm.at[wid, j], idx_v.at[b], rsem.at[b]).wait()
        pltpu.make_async_copy(colp_hbm.at[wid, j], idx_v.at[4 + b], csem.at[b]).wait()

    def start_gather(j):
        b = lax.rem(j, 3)
        pltpu.async_copy(u_hbm.at[_ign(idx_v.at[lax.rem(j, 4)])],
                         gbuf.at[b], gsem.at[b])

    def wait_gather(j):
        b = lax.rem(j, 3)
        pltpu.make_async_copy(u_hbm.at[_ign(idx_v.at[lax.rem(j, 4)])],
                              gbuf.at[b], gsem.at[b]).wait()

    def start_scatter(j):
        b = lax.rem(j, 3)
        pltpu.async_copy(gbuf.at[b], acc_sh.at[_ign(idx_v.at[4 + lax.rem(j, 4)])],
                         ssem.at[b], add=True)

    def wait_scatter(j):
        b = lax.rem(j, 3)
        pltpu.make_async_copy(gbuf.at[b],
                              acc_sh.at[_ign(idx_v.at[4 + lax.rem(j, 4)])],
                              ssem.at[b]).wait()

    start_idx(0)
    start_idx(1)
    wait_idx(0)
    start_gather(0)

    def body(j, carry):
        @pl.when(j >= 2)
        def _():
            wait_scatter(j - 2)

        @pl.when(j + 2 < CPT)
        def _():
            start_idx(j + 2)

        @pl.when(j + 1 < CPT)
        def _():
            wait_idx(j + 1)
            start_gather(j + 1)

        wait_gather(j)
        start_scatter(j)
        return carry

    lax.fori_loop(0, CPT, body, 0)
    wait_scatter(CPT - 2)
    wait_scatter(CPT - 1)
    plsc.subcore_barrier()
    pltpu.sync_copy(acc_sh.at[pl.ds(r0, RPT)], out_hbm.at[cid, pl.ds(r0, RPT)])


_prop_call = pl.kernel(
    _prop_body,
    out_type=jax.ShapeDtypeStruct((NC, NPAD, D), jnp.float32),
    mesh=_mesh,
    scratch_types=[
        pltpu.VMEM((8, CHUNK), jnp.int32),
        pltpu.VMEM((3, CHUNK, D), jnp.float32),
        pltpu.VMEM_SHARED((NPAD, D), jnp.float32),
        pltpu.SemaphoreType.DMA((4,)),
        pltpu.SemaphoreType.DMA((4,)),
        pltpu.SemaphoreType.DMA((3,)),
        pltpu.SemaphoreType.DMA((3,)),
    ],
)


BLK = 1264


def _prologue_tc(d0_ref, d1_ref, x0_ref, u0_ref, s2_ref):
    deg = d0_ref[:, 0:1] + d1_ref[:, 0:1]
    s = jnp.where(deg > 0.0, lax.rsqrt(deg), 0.0)
    s2 = jnp.broadcast_to(s, (BLK, D))
    s2_ref[...] = s2
    u0_ref[...] = s2 * x0_ref[...]


_prologue_call = pl.pallas_call(
    _prologue_tc,
    grid=(NPAD // BLK,),
    in_specs=[
        pl.BlockSpec((BLK, D), lambda i: (i, 0)),
        pl.BlockSpec((BLK, D), lambda i: (i, 0)),
        pl.BlockSpec((BLK, D), lambda i: (i, 0)),
    ],
    out_specs=[
        pl.BlockSpec((BLK, D), lambda i: (i, 0)),
        pl.BlockSpec((BLK, D), lambda i: (i, 0)),
    ],
    out_shape=[
        jax.ShapeDtypeStruct((NPAD, D), jnp.float32),
        jax.ShapeDtypeStruct((NPAD, D), jnp.float32),
    ],
)


def _layer_tc(a0_ref, a1_ref, s2_ref, sm_ref, sm_out, u_out):
    x = s2_ref[...] * (a0_ref[...] + a1_ref[...])
    sm_out[...] = sm_ref[...] + x
    u_out[...] = s2_ref[...] * x


_layer_call = pl.pallas_call(
    _layer_tc,
    grid=(NPAD // BLK,),
    in_specs=[pl.BlockSpec((BLK, D), lambda i: (i, 0))] * 4,
    out_specs=[pl.BlockSpec((BLK, D), lambda i: (i, 0))] * 2,
    out_shape=[
        jax.ShapeDtypeStruct((NPAD, D), jnp.float32),
        jax.ShapeDtypeStruct((NPAD, D), jnp.float32),
    ],
)


def _final_tc(a0_ref, a1_ref, s2_ref, sm_ref, out_ref):
    x = s2_ref[...] * (a0_ref[...] + a1_ref[...])
    out_ref[...] = (sm_ref[...] + x) * 0.25


_final_call = pl.pallas_call(
    _final_tc,
    grid=(NPAD // BLK,),
    in_specs=[pl.BlockSpec((BLK, D), lambda i: (i, 0))] * 4,
    out_specs=pl.BlockSpec((BLK, D), lambda i: (i, 0)),
    out_shape=jax.ShapeDtypeStruct((NPAD, D), jnp.float32),
)


def kernel(embedding_weight, edge_index):
    x0 = embedding_weight.astype(jnp.float32)
    ei = edge_index.astype(jnp.int32)
    pad_ids = jnp.full((EPAD - E,), -1, jnp.int32)
    rowp = jnp.concatenate([ei[0], pad_ids]).reshape(NW, CPT, CHUNK)
    colp = jnp.concatenate([ei[1], pad_ids]).reshape(NW, CPT, CHUNK)
    x0p = jnp.pad(x0, ((0, NPAD - N), (0, 0)))
    z128 = jnp.zeros((NPAD, D), jnp.float32)
    ones128 = jnp.ones((CHUNK, D), jnp.float32)

    degp = _deg_call(colp, ones128, z128)
    u, s2 = _prologue_call(degp[0], degp[1], x0p)
    sm = x0p
    out = None
    for layer in range(NLAYERS):
        acc = _prop_call(u, rowp, colp, z128)
        if layer < NLAYERS - 1:
            sm, u = _layer_call(acc[0], acc[1], s2, sm)
        else:
            out = _final_call(acc[0], acc[1], s2, sm)
    return out[:N]

# --- scband reference (transcript-rebuilt; emitter-appended) ---
"""Pipeline reference for scband-light-gcnmodel-12068858102251 (READ-ONLY COPY).

The authoritative reference and input builder live on the scoring server;
editing this copy changes nothing except your own understanding.
"""

import jax, jax.numpy as jnp
import numpy as np

NUM_NODES = 10000
EMB = 128
NUM_LAYERS = 3
NUM_EDGES = 320000


def lightgcn_conv(x, edge_index):
    row = edge_index[0]
    col = edge_index[1]
    n = x.shape[0]
    deg = jax.ops.segment_sum(jnp.ones((row.shape[0],), dtype=x.dtype), col, num_segments=n)
    safe_deg = jnp.where(deg > 0, deg, 1.0)
    deg_inv_sqrt = jnp.where(deg > 0, jax.lax.rsqrt(safe_deg), 0.0)
    norm = deg_inv_sqrt[row] * deg_inv_sqrt[col]
    msg = norm[:, None] * x[row]
    return jax.ops.segment_sum(msg, col, num_segments=n)


def setup_inputs(seed: int = 0) -> dict:
    key = jax.random.key(seed)
    k1, k2 = jax.random.split(key)
    edge_index = jax.random.randint(k1, (2, NUM_EDGES), 0, NUM_NODES)
    embedding_weight = jax.random.normal(k2, (NUM_NODES, EMB), dtype=jnp.float32) * 0.1
    return {"embedding_weight": embedding_weight, "edge_index": edge_index}


def reference(embedding_weight, edge_index):
    x = embedding_weight
    all_layer_embeddings = [x]
    for _ in range(NUM_LAYERS):
        x = lightgcn_conv(x, edge_index)
        all_layer_embeddings.append(x)
    return jnp.mean(jnp.stack(all_layer_embeddings, axis=0), axis=0)

if __name__ == "__main__":
    import jax
    _d = setup_inputs()
    print(jax.jit(kernel)(*tuple(_d.values())))

</pallas_src>

<mosaic_0001>
#map = affine_map<(d0, d1) -> (0, 0)>
#map1 = affine_map<(d0, d1) -> (0, 0, 0)>
module attributes {stable_mosaic.version = 14 : i64} {
  func.func @_prop_body(%arg0: i32, %arg1: i32, %arg2: memref<10112x128xf32, #tpu.memory_space<hbm>>, %arg3: memref<32x84x120xi32, #tpu.memory_space<hbm>>, %arg4: memref<32x84x120xi32, #tpu.memory_space<hbm>>, %arg5: memref<10112x128xf32, #tpu.memory_space<hbm>>, %arg6: memref<2x10112x128xf32, #tpu.memory_space<hbm>>, %arg7: memref<8x120xi32, #tpu.memory_space<vmem>>, %arg8: memref<3x120x128xf32, #tpu.memory_space<vmem>>, %arg9: memref<10112x128xf32, #tpu.memory_space<vmem_shared>>, %arg10: memref<4x!tpu.dma_semaphore, #tpu.memory_space<semaphore_mem>>, %arg11: memref<4x!tpu.dma_semaphore, #tpu.memory_space<semaphore_mem>>, %arg12: memref<3x!tpu.dma_semaphore, #tpu.memory_space<semaphore_mem>>, %arg13: memref<3x!tpu.dma_semaphore, #tpu.memory_space<semaphore_mem>>) attributes {dimension_semantics = [#tpu.dimension_semantics<core_parallel>, #tpu.dimension_semantics<subcore_parallel>], iteration_bounds = array<i64: 2, 16>, scalar_prefetch = 0 : i64, scratch_operands = 7 : i64, tpu.core_type = #tpu.core_type<sc_vector_subcore>, window_params = [{transform_indices = #map}, {transform_indices = #map1}, {transform_indices = #map1}, {transform_indices = #map}, {transform_indices = #map1}]} {
    %mul3A = arith.constant 2 : i32
    %mul3A_0 = arith.muli %arg1, %mul3A : i32
    %add3A = arith.addi %mul3A_0, %arg0 : i32
    %mul3A_1 = arith.constant 632 : i32
    %mul3A_2 = arith.muli %arg1, %mul3A_1 : i32
    "tpu.region"() ({
      %run_scoped3A = tpu.sem_alloc : memref<!tpu.dma_semaphore, #tpu.memory_space<semaphore_mem>>
      %dma_start3A_170 = arith.constant 0 : i32
      %dma_start3A_171 = tpu.memref_slice %arg9[%mul3A_2, %dma_start3A_170] : memref<10112x128xf32, #tpu.memory_space<vmem_shared>> -> memref<632x128xf32, #tpu.memory_space<vmem_shared>>
      %dma_start3A_172 = arith.constant 0 : i32
      %dma_start3A_173 = tpu.memref_slice %arg5[%mul3A_2, %dma_start3A_172] : memref<10112x128xf32, #tpu.memory_space<hbm>> -> memref<632x128xf32, #tpu.memory_space<hbm>>
      tpu.enqueue_dma source(%dma_start3A_173 : memref<632x128xf32, #tpu.memory_space<hbm>>) target(%dma_start3A_171 : memref<632x128xf32, #tpu.memory_space<vmem_shared>>) target_semaphore(%run_scoped3A : memref<!tpu.dma_semaphore, #tpu.memory_space<semaphore_mem>>)
      %dma_wait3A_174 = arith.constant 0 : i32
      %dma_wait3A_175 = tpu.memref_slice %arg9[%mul3A_2, %dma_wait3A_174] : memref<10112x128xf32, #tpu.memory_space<vmem_shared>> -> memref<632x128xf32, #tpu.memory_space<vmem_shared>>
      %dma_wait3A_176 = arith.constant 0 : i32
      %dma_wait3A_177 = tpu.memref_slice %arg5[%mul3A_2, %dma_wait3A_176] : memref<10112x128xf32, #tpu.memory_space<hbm>> -> memref<632x128xf32, #tpu.memory_space<hbm>>
      tpu.wait_dma2 semaphore(%run_scoped3A : memref<!tpu.dma_semaphore, #tpu.memory_space<semaphore_mem>>) src(%dma_wait3A_177 : memref<632x128xf32, #tpu.memory_space<hbm>>) dst(%dma_wait3A_175 : memref<632x128xf32, #tpu.memory_space<vmem_shared>>)
      tpu.yield
    }) : () -> ()
    %barrier3A = arith.constant 0 : index
    tpu.barrier barrier_id(%barrier3A)
    %rem3A = arith.constant 0 : i32
    %rem3A_3 = arith.constant 4 : i32
    %rem3A_4 = arith.remsi %rem3A, %rem3A_3 : i32
    %dma_start3A = arith.constant 0 : i32
    %dma_start3A_5 = arith.constant 0 : i32
    %dma_start3A_6 = tpu.memref_slice %arg7[%rem3A_4, %dma_start3A_5] : memref<8x120xi32, #tpu.memory_space<vmem>> -> memref<1x120xi32, #tpu.memory_space<vmem>>
    %dma_start3A_7 = tpu.memref_squeeze %dma_start3A_6 : memref<1x120xi32, #tpu.memory_space<vmem>> -> memref<120xi32, #tpu.memory_space<vmem>>
    %dma_start3A_8 = arith.constant 0 : i32
    %dma_start3A_9 = tpu.memref_slice %arg3[%add3A, %dma_start3A, %dma_start3A_8] : memref<32x84x120xi32, #tpu.memory_space<hbm>> -> memref<1x1x120xi32, #tpu.memory_space<hbm>>
    %dma_start3A_10 = tpu.memref_squeeze %dma_start3A_9 : memref<1x1x120xi32, #tpu.memory_space<hbm>> -> memref<120xi32, #tpu.memory_space<hbm>>
    %dma_start3A_11 = tpu.memref_slice %arg10[%rem3A_4] : memref<4x!tpu.dma_semaphore, #tpu.memory_space<semaphore_mem>> -> memref<1x!tpu.dma_semaphore, #tpu.memory_space<semaphore_mem>>
    %dma_start3A_12 = tpu.memref_squeeze %dma_start3A_11 : memref<1x!tpu.dma_semaphore, #tpu.memory_space<semaphore_mem>> -> memref<!tpu.dma_semaphore, #tpu.memory_space<semaphore_mem>>
    %dma_start3A_13 = arith.constant 0 : i32
    %dma_start3A_14 = tpu.memref_slice %arg7[%rem3A_4, %dma_start3A_13] : memref<8x120xi32, #tpu.memory_space<vmem>> -> memref<1x120xi32, #tpu.memory_space<vmem>>
    %dma_start3A_15 = tpu.memref_squeeze %dma_start3A_14 : memref<1x120xi32, #tpu.memory_space<vmem>> -> memref<120xi32, #tpu.memory_space<vmem>>
    %dma_start3A_16 = arith.constant 0 : i32
    %dma_start3A_17 = tpu.memref_slice %arg3[%add3A, %dma_start3A, %dma_start3A_16] : memref<32x84x120xi32, #tpu.memory_space<hbm>> -> memref<1x1x120xi32, #tpu.memory_space<hbm>>
    %dma_start3A_18 = tpu.memref_squeeze %dma_start3A_17 : memref<1x1x120xi32, #tpu.memory_space<hbm>> -> memref<120xi32, #tpu.memory_space<hbm>>
    tpu.enqueue_dma source(%dma_start3A_18 : memref<120xi32, #tpu.memory_space<hbm>>) target(%dma_start3A_15 : memref<120xi32, #tpu.memory_space<vmem>>) target_semaphore(%dma_start3A_12 : memref<!tpu.dma_semaphore, #tpu.memory_space<semaphore_mem>>)
    %add3A_19 = arith.constant 4 : i32
    %add3A_20 = arith.addi %add3A_19, %rem3A_4 : i32
    %dma_start3A_21 = arith.constant 0 : i32
    %dma_start3A_22 = arith.constant 0 : i32
    %dma_start3A_23 = tpu.memref_slice %arg7[%add3A_20, %dma_start3A_22] : memref<8x120xi32, #tpu.memory_space<vmem>> -> memref<1x120xi32, #tpu.memory_space<vmem>>
    %dma_start3A_24 = tpu.memref_squeeze %dma_start3A_23 : memref<1x120xi32, #tpu.memory_space<vmem>> -> memref<120xi32, #tpu.memory_space<vmem>>
    %dma_start3A_25 = arith.constant 0 : i32
    %dma_start3A_26 = tpu.memref_slice %arg4[%add3A, %dma_start3A_21, %dma_start3A_25] : memref<32x84x120xi32, #tpu.memory_space<hbm>> -> memref<1x1x120xi32, #tpu.memory_space<hbm>>
    %dma_start3A_27 = tpu.memref_squeeze %dma_start3A_26 : memref<1x1x120xi32, #tpu.memory_space<hbm>> -> memref<120xi32, #tpu.memory_space<hbm>>
    %dma_start3A_28 = tpu.memref_slice %arg11[%rem3A_4] : memref<4x!tpu.dma_semaphore, #tpu.memory_space<semaphore_mem>> -> memref<1x!tpu.dma_semaphore, #tpu.memory_space<semaphore_mem>>
    %dma_start3A_29 = tpu.memref_squeeze %dma_start3A_28 : memref<1x!tpu.dma_semaphore, #tpu.memory_space<semaphore_mem>> -> memref<!tpu.dma_semaphore, #tpu.memory_space<semaphore_mem>>
    %dma_start3A_30 = arith.constant 0 : i32
    %dma_start3A_31 = tpu.memref_slice %arg7[%add3A_20, %dma_start3A_30] : memref<8x120xi32, #tpu.memory_space<vmem>> -> memref<1x120xi32, #tpu.memory_space<vmem>>
    %dma_start3A_32 = tpu.memref_squeeze %dma_start3A_31 : memref<1x120xi32, #tpu.memory_space<vmem>> -> memref<120xi32, #tpu.memory_space<vmem>>
    %dma_start3A_33 = arith.constant 0 : i32
    %dma_start3A_34 = tpu.memref_slice %arg4[%add3A, %dma_start3A_21, %dma_start3A_33] : memref<32x84x120xi32, #tpu.memory_space<hbm>> -> memref<1x1x120xi32, #tpu.memory_space<hbm>>
    %dma_start3A_35 = tpu.memref_squeeze %dma_start3A_34 : memref<1x1x120xi32, #tpu.memory_space<hbm>> -> memref<120xi32, #tpu.memory_space<hbm>>
    tpu.enqueue_dma source(%dma_start3A_35 : memref<120xi32, #tpu.memory_space<hbm>>) target(%dma_start3A_32 : memref<120xi32, #tpu.memory_space<vmem>>) target_semaphore(%dma_start3A_29 : memref<!tpu.dma_semaphore, #tpu.memory_space<semaphore_mem>>)
    %rem3A_36 = arith.constant 1 : i32
    %rem3A_37 = arith.constant 4 : i32
    %rem3A_38 = arith.remsi %rem3A_36, %rem3A_37 : i32
    %dma_start3A_39 = arith.constant 1 : i32
    %dma_start3A_40 = arith.constant 0 : i32
    %dma_start3A_41 = tpu.memref_slice %arg7[%rem3A_38, %dma_start3A_40] : memref<8x120xi32, #tpu.memory_space<vmem>> -> memref<1x120xi32, #tpu.memory_space<vmem>>
    %dma_start3A_42 = tpu.memref_squeeze %dma_start3A_41 : memref<1x120xi32, #tpu.memory_space<vmem>> -> memref<120xi32, #tpu.memory_space<vmem>>
    %dma_start3A_43 = arith.constant 0 : i32
    %dma_start3A_44 = tpu.memref_slice %arg3[%add3A, %dma_start3A_39, %dma_start3A_43] : memref<32x84x120xi32, #tpu.memory_space<hbm>> -> memref<1x1x120xi32, #tpu.memory_space<hbm>>
    %dma_start3A_45 = tpu.memref_squeeze %dma_start3A_44 : memref<1x1x120xi32, #tpu.memory_space<hbm>> -> memref<120xi32, #tpu.memory_space<hbm>>
    %dma_start3A_46 = tpu.memref_slice %arg10[%rem3A_38] : memref<4x!tpu.dma_semaphore, #tpu.memory_space<semaphore_mem>> -> memref<1x!tpu.dma_semaphore, #tpu.memory_space<semaphore_mem>>
    %dma_start3A_47 = tpu.memref_squeeze %dma_start3A_46 : memref<1x!tpu.dma_semaphore, #tpu.memory_space<semaphore_mem>> -> memref<!tpu.dma_semaphore, #tpu.memory_space<semaphore_mem>>
    %dma_start3A_48 = arith.constant 0 : i32
    %dma_start3A_49 = tpu.memref_slice %arg7[%rem3A_38, %dma_start3A_48] : memref<8x120xi32, #tpu.memory_space<vmem>> -> memref<1x120xi32, #tpu.memory_space<vmem>>
    %dma_start3A_50 = tpu.memref_squeeze %dma_start3A_49 : memref<1x120xi32, #tpu.memory_space<vmem>> -> memref<120xi32, #tpu.memory_space<vmem>>
    %dma_start3A_51 = arith.constant 0 : i32
    %dma_start3A_52 = tpu.memref_slice %arg3[%add3A, %dma_start3A_39, %dma_start3A_51] : memref<32x84x120xi32, #tpu.memory_space<hbm>> -> memref<1x1x120xi32, #tpu.memory_space<hbm>>
    %dma_start3A_53 = tpu.memref_squeeze %dma_start3A_52 : memref<1x1x120xi32, #tpu.memory_space<hbm>> -> memref<120xi32, #tpu.memory_space<hbm>>
    tpu.enqueue_dma source(%dma_start3A_53 : memref<120xi32, #tpu.memory_space<hbm>>) target(%dma_start3A_50 : memref<120xi32, #tpu.memory_space<vmem>>) target_semaphore(%dma_start3A_47 : memref<!tpu.dma_semaphore, #tpu.memory_space<semaphore_mem>>)
    %add3A_54 = arith.constant 4 : i32
    %add3A_55 = arith.addi %add3A_54, %rem3A_38 : i32
    %dma_start3A_56 = arith.constant 1 : i32
    %dma_start3A_57 = arith.constant 0 : i32
    %dma_start3A_58 = tpu.memref_slice %arg7[%add3A_55, %dma_start3A_57] : memref<8x120xi32, #tpu.memory_space<vmem>> -> memref<1x120xi32, #tpu.memory_space<vmem>>
    %dma_start3A_59 = tpu.memref_squeeze %dma_start3A_58 : memref<1x120xi32, #tpu.memory_space<vmem>> -> memref<120xi32, #tpu.memory_space<vmem>>
    %dma_start3A_60 = arith.constant 0 : i32
    %dma_start3A_61 = tpu.memref_slice %arg4[%add3A, %dma_start3A_56, %dma_start3A_60] : memref<32x84x120xi32, #tpu.memory_space<hbm>> -> memref<1x1x120xi32, #tpu.memory_space<hbm>>
    %dma_start3A_62 = tpu.memref_squeeze %dma_start3A_61 : memref<1x1x120xi32, #tpu.memory_space<hbm>> -> memref<120xi32, #tpu.memory_space<hbm>>
    %dma_start3A_63 = tpu.memref_slice %arg11[%rem3A_38] : memref<4x!tpu.dma_semaphore, #tpu.memory_space<semaphore_mem>> -> memref<1x!tpu.dma_semaphore, #tpu.memory_space<semaphore_mem>>
    %dma_start3A_64 = tpu.memref_squeeze %dma_start3A_63 : memref<1x!tpu.dma_semaphore, #tpu.memory_space<semaphore_mem>> -> memref<!tpu.dma_semaphore, #tpu.memory_space<semaphore_mem>>
    %dma_start3A_65 = arith.constant 0 : i32
    %dma_start3A_66 = tpu.memref_slice %arg7[%add3A_55, %dma_start3A_65] : memref<8x120xi32, #tpu.memory_space<vmem>> -> memref<1x120xi32, #tpu.memory_space<vmem>>
    %dma_start3A_67 = tpu.memref_squeeze %dma_start3A_66 : memref<1x120xi32, #tpu.memory_space<vmem>> -> memref<120xi32, #tpu.memory_space<vmem>>
    %dma_start3A_68 = arith.constant 0 : i32
    %dma_start3A_69 = tpu.memref_slice %arg4[%add3A, %dma_start3A_56, %dma_start3A_68] : memref<32x84x120xi32, #tpu.memory_space<hbm>> -> memref<1x1x120xi32, #tpu.memory_space<hbm>>
    %dma_start3A_70 = tpu.memref_squeeze %dma_start3A_69 : memref<1x1x120xi32, #tpu.memory_space<hbm>> -> memref<120xi32, #tpu.memory_space<hbm>>
    tpu.enqueue_dma source(%dma_start3A_70 : memref<120xi32, #tpu.memory_space<hbm>>) target(%dma_start3A_67 : memref<120xi32, #tpu.memory_space<vmem>>) target_semaphore(%dma_start3A_64 : memref<!tpu.dma_semaphore, #tpu.memory_space<semaphore_mem>>)
    %rem3A_71 = arith.constant 0 : i32
    %rem3A_72 = arith.constant 4 : i32
    %rem3A_73 = arith.remsi %rem3A_71, %rem3A_72 : i32
    %dma_wait3A = arith.constant 0 : i32
    %dma_wait3A_74 = arith.constant 0 : i32
    %dma_wait3A_75 = tpu.memref_slice %arg7[%rem3A_73, %dma_wait3A_74] : memref<8x120xi32, #tpu.memory_space<vmem>> -> memref<1x120xi32, #tpu.memory_space<vmem>>
    %dma_wait3A_76 = tpu.memref_squeeze %dma_wait3A_75 : memref<1x120xi32, #tpu.memory_space<vmem>> -> memref<120xi32, #tpu.memory_space<vmem>>
    %dma_wait3A_77 = arith.constant 0 : i32
    %dma_wait3A_78 = tpu.memref_slice %arg3[%add3A, %dma_wait3A, %dma_wait3A_77] : memref<32x84x120xi32, #tpu.memory_space<hbm>> -> memref<1x1x120xi32, #tpu.memory_space<hbm>>
    %dma_wait3A_79 = tpu.memref_squeeze %dma_wait3A_78 : memref<1x1x120xi32, #tpu.memory_space<hbm>> -> memref<120xi32, #tpu.memory_space<hbm>>
    %dma_wait3A_80 = tpu.memref_slice %arg10[%rem3A_73] : memref<4x!tpu.dma_semaphore, #tpu.memory_space<semaphore_mem>> -> memref<1x!tpu.dma_semaphore, #tpu.memory_space<semaphore_mem>>
    %dma_wait3A_81 = tpu.memref_squeeze %dma_wait3A_80 : memref<1x!tpu.dma_semaphore, #tpu.memory_space<semaphore_mem>> -> memref<!tpu.dma_semaphore, #tpu.memory_space<semaphore_mem>>
    %dma_wait3A_82 = arith.constant 0 : i32
    %dma_wait3A_83 = tpu.memref_slice %arg7[%rem3A_73, %dma_wait3A_82] : memref<8x120xi32, #tpu.memory_space<vmem>> -> memref<1x120xi32, #tpu.memory_space<vmem>>
    %dma_wait3A_84 = tpu.memref_squeeze %dma_wait3A_83 : memref<1x120xi32, #tpu.memory_space<vmem>> -> memref<120xi32, #tpu.memory_space<vmem>>
    %dma_wait3A_85 = arith.constant 0 : i32
    %dma_wait3A_86 = tpu.memref_slice %arg3[%add3A, %dma_wait3A, %dma_wait3A_85] : memref<32x84x120xi32, #tpu.memory_space<hbm>> -> memref<1x1x120xi32, #tpu.memory_space<hbm>>
    %dma_wait3A_87 = tpu.memref_squeeze %dma_wait3A_86 : memref<1x1x120xi32, #tpu.memory_space<hbm>> -> memref<120xi32, #tpu.memory_space<hbm>>
    tpu.wait_dma2 semaphore(%dma_wait3A_81 : memref<!tpu.dma_semaphore, #tpu.memory_space<semaphore_mem>>) src(%dma_wait3A_87 : memref<120xi32, #tpu.memory_space<hbm>>) dst(%dma_wait3A_84 : memref<120xi32, #tpu.memory_space<vmem>>)
    %add3A_88 = arith.constant 4 : i32
    %add3A_89 = arith.addi %add3A_88, %rem3A_73 : i32
    %dma_wait3A_90 = arith.constant 0 : i32
    %dma_wait3A_91 = arith.constant 0 : i32
    %dma_wait3A_92 = tpu.memref_slice %arg7[%add3A_89, %dma_wait3A_91] : memref<8x120xi32, #tpu.memory_space<vmem>> -> memref<1x120xi32, #tpu.memory_space<vmem>>
    %dma_wait3A_93 = tpu.memref_squeeze %dma_wait3A_92 : memref<1x120xi32, #tpu.memory_space<vmem>> -> memref<120xi32, #tpu.memory_space<vmem>>
    %dma_wait3A_94 = arith.constant 0 : i32
    %dma_wait3A_95 = tpu.memref_slice %arg4[%add3A, %dma_wait3A_90, %dma_wait3A_94] : memref<32x84x120xi32, #tpu.memory_space<hbm>> -> memref<1x1x120xi32, #tpu.memory_space<hbm>>
    %dma_wait3A_96 = tpu.memref_squeeze %dma_wait3A_95 : memref<1x1x120xi32, #tpu.memory_space<hbm>> -> memref<120xi32, #tpu.memory_space<hbm>>
    %dma_wait3A_97 = tpu.memref_slice %arg11[%rem3A_73] : memref<4x!tpu.dma_semaphore, #tpu.memory_space<semaphore_mem>> -> memref<1x!tpu.dma_semaphore, #tpu.memory_space<semaphore_mem>>
    %dma_wait3A_98 = tpu.memref_squeeze %dma_wait3A_97 : memref<1x!tpu.dma_semaphore, #tpu.memory_space<semaphore_mem>> -> memref<!tpu.dma_semaphore, #tpu.memory_space<semaphore_mem>>
    %dma_wait3A_99 = arith.constant 0 : i32
    %dma_wait3A_100 = tpu.memref_slice %arg7[%add3A_89, %dma_wait3A_99] : memref<8x120xi32, #tpu.memory_space<vmem>> -> memref<1x120xi32, #tpu.memory_space<vmem>>
    %dma_wait3A_101 = tpu.memref_squeeze %dma_wait3A_100 : memref<1x120xi32, #tpu.memory_space<vmem>> -> memref<120xi32, #tpu.memory_space<vmem>>
    %dma_wait3A_102 = arith.constant 0 : i32
    %dma_wait3A_103 = tpu.memref_slice %arg4[%add3A, %dma_wait3A_90, %dma_wait3A_102] : memref<32x84x120xi32, #tpu.memory_space<hbm>> -> memref<1x1x120xi32, #tpu.memory_space<hbm>>
    %dma_wait3A_104 = tpu.memref_squeeze %dma_wait3A_103 : memref<1x1x120xi32, #tpu.memory_space<hbm>> -> memref<120xi32, #tpu.memory_space<hbm>>
    tpu.wait_dma2 semaphore(%dma_wait3A_98 : memref<!tpu.dma_semaphore, #tpu.memory_space<semaphore_mem>>) src(%dma_wait3A_104 : memref<120xi32, #tpu.memory_space<hbm>>) dst(%dma_wait3A_101 : memref<120xi32, #tpu.memory_space<vmem>>)
    %rem3A_105 = arith.constant 0 : i32
    %rem3A_106 = arith.constant 3 : i32
    %rem3A_107 = arith.remsi %rem3A_105, %rem3A_106 : i32
    %rem3A_108 = arith.constant 0 : i32
    %rem3A_109 = arith.constant 4 : i32
    %rem3A_110 = arith.remsi %rem3A_108, %rem3A_109 : i32
    %dma_start3A_111 = arith.constant 0 : i32
    %dma_start3A_112 = arith.constant 0 : i32
    %dma_start3A_113 = tpu.memref_slice %arg8[%rem3A_107, %dma_start3A_111, %dma_start3A_112] : memref<3x120x128xf32, #tpu.memory_space<vmem>> -> memref<1x120x128xf32, #tpu.memory_space<vmem>>
    %dma_start3A_114 = tpu.memref_squeeze %dma_start3A_113 : memref<1x120x128xf32, #tpu.memory_space<vmem>> -> memref<120x128xf32, #tpu.memory_space<vmem>>
    %dma_start3A_115 = arith.constant 0 : i32
    %dma_start3A_116 = tpu.memref_slice %arg7[%rem3A_110, %dma_start3A_115] : memref<8x120xi32, #tpu.memory_space<vmem>> -> memref<1x120xi32, #tpu.memory_space<vmem>>
    %dma_start3A_117 = tpu.memref_squeeze %dma_start3A_116 : memref<1x120xi32, #tpu.memory_space<vmem>> -> memref<120xi32, #tpu.memory_space<vmem>>
    %dma_start3A_118 = arith.constant 0 : i32
    %dma_start3A_119 = arith.constant 0 : i32
    %dma_start3A_120 = tpu.memref_slice %arg2[%dma_start3A_118, %dma_start3A_119] : memref<10112x128xf32, #tpu.memory_space<hbm>> -> memref<10112x128xf32, #tpu.memory_space<hbm>>
    %dma_start3A_121 = arith.constant -1 : i32
    %dma_start3A_122 = tpu.memref_slice %arg12[%rem3A_107] : memref<3x!tpu.dma_semaphore, #tpu.memory_space<semaphore_mem>> -> memref<1x!tpu.dma_semaphore, #tpu.memory_space<semaphore_mem>>
    %dma_start3A_123 = tpu.memref_squeeze %dma_start3A_122 : memref<1x!tpu.dma_semaphore, #tpu.memory_space<semaphore_mem>> -> memref<!tpu.dma_semaphore, #tpu.memory_space<semaphore_mem>>
    tpu.enqueue_indirect_dma source(%dma_start3A_120 : memref<10112x128xf32, #tpu.memory_space<hbm>>) target(%dma_start3A_114 : memref<120x128xf32, #tpu.memory_space<vmem>>) offsets(%dma_start3A_117 : memref<120xi32, #tpu.memory_space<vmem>>) offset_filter(%dma_start3A_121) semaphore(%dma_start3A_123 : memref<!tpu.dma_semaphore, #tpu.memory_space<semaphore_mem>>)
    %scan3A = arith.constant 0 : i32
    %scan3A_124 = arith.constant 0 : i32
    %scan3A_125 = arith.constant 84 : i32
    %scan3A_126 = arith.addi %scan3A_124, %scan3A_125 : i32
    %scan3A_127 = arith.constant 1 : i32
    scf.for %scan3A_170 = %scan3A_124 to %scan3A_126 step %scan3A_127  : i32 {
      %ge3A = arith.constant 2 : i32
      %ge3A_171 = arith.cmpi sge, %scan3A_170, %ge3A : i32
      %convert_element_type3A = arith.extui %ge3A_171 : i1 to i32
      %cond3A = arith.constant 0 : i32
      %cond3A_172 = arith.cmpi ne, %convert_element_type3A, %cond3A : i32
      scf.if %cond3A_172 {
        %sub3A = arith.constant 2 : i32
        %sub3A_221 = arith.subi %scan3A_170, %sub3A : i32
        %rem3A_222 = arith.constant 3 : i32
        %rem3A_223 = arith.remsi %sub3A_221, %rem3A_222 : i32
        %rem3A_224 = arith.constant 4 : i32
        %rem3A_225 = arith.remsi %sub3A_221, %rem3A_224 : i32
        %add3A_226 = arith.constant 4 : i32
        %add3A_227 = arith.addi %add3A_226, %rem3A_225 : i32
        %dma_wait3A_228 = arith.constant 0 : i32
        %dma_wait3A_229 = arith.constant 0 : i32
        %dma_wait3A_230 = tpu.memref_slice %arg8[%rem3A_223, %dma_wait3A_228, %dma_wait3A_229] : memref<3x120x128xf32, #tpu.memory_space<vmem>> -> memref<1x120x128xf32, #tpu.memory_space<vmem>>
        %dma_wait3A_231 = tpu.memref_squeeze %dma_wait3A_230 : memref<1x120x128xf32, #tpu.memory_space<vmem>> -> memref<120x128xf32, #tpu.memory_space<vmem>>
        %dma_wait3A_232 = arith.constant 0 : i32
        %dma_wait3A_233 = tpu.memref_slice %arg7[%add3A_227, %dma_wait3A_232] : memref<8x120xi32, #tpu.memory_space<vmem>> -> memref<1x120xi32, #tpu.memory_space<vmem>>
        %dma_wait3A_234 = tpu.memref_squeeze %dma_wait3A_233 : memref<1x120xi32, #tpu.memory_space<vmem>> -> memref<120xi32, #tpu.memory_space<vmem>>
        %dma_wait3A_235 = arith.constant 0 : i32
        %dma_wait3A_236 = arith.constant 0 : i32
        %dma_wait3A_237 = tpu.memref_slice %arg9[%dma_wait3A_235, %dma_wait3A_236] : memref<10112x128xf32, #tpu.memory_space<vmem_shared>> -> memref<10112x128xf32, #tpu.memory_space<vmem_shared>>
        %dma_wait3A_238 = tpu.memref_slice %arg13[%rem3A_223] : memref<3x!tpu.dma_semaphore, #tpu.memory_space<semaphore_mem>> -> memref<1x!tpu.dma_semaphore, #tpu.memory_space<semaphore_mem>>
        %dma_wait3A_239 = tpu.memref_squeeze %dma_wait3A_238 : memref<1x!tpu.dma_semaphore, #tpu.memory_space<semaphore_mem>> -> memref<!tpu.dma_semaphore, #tpu.memory_space<semaphore_mem>>
        tpu.wait_indirect_dma semaphore(%dma_wait3A_239 : memref<!tpu.dma_semaphore, #tpu.memory_space<semaphore_mem>>) src(%dma_wait3A_231 : memref<120x128xf32, #tpu.memory_space<vmem>>) dst(%dma_wait3A_237 : memref<10112x128xf32, #tpu.memory_space<vmem_shared>>)
      } else {
      }
      %add3A_173 = arith.constant 2 : i32
      %add3A_174 = arith.addi %scan3A_170, %add3A_173 : i32
      %lt3A = arith.constant 84 : i32
      %lt3A_175 = arith.cmpi slt, %add3A_174, %lt3A : i32
      %convert_element_type3A_176 = arith.extui %lt3A_175 : i1 to i32
      %cond3A_177 = arith.constant 0 : i32
      %cond3A_178 = arith.cmpi ne, %convert_element_type3A_176, %cond3A_177 : i32
      scf.if %cond3A_178 {
        %add3A_221 = arith.constant 2 : i32
        %add3A_222 = arith.addi %scan3A_170, %add3A_221 : i32
        %rem3A_223 = arith.constant 4 : i32
        %rem3A_224 = arith.remsi %add3A_222, %rem3A_223 : i32
        %dma_start3A_225 = arith.constant 0 : i32
        %dma_start3A_226 = tpu.memref_slice %arg7[%rem3A_224, %dma_start3A_225] : memref<8x120xi32, #tpu.memory_space<vmem>> -> memref<1x120xi32, #tpu.memory_space<vmem>>
        %dma_start3A_227 = tpu.memref_squeeze %dma_start3A_226 : memref<1x120xi32, #tpu.memory_space<vmem>> -> memref<120xi32, #tpu.memory_space<vmem>>
        %dma_start3A_228 = arith.constant 0 : i32
        %dma_start3A_229 = tpu.memref_slice %arg3[%add3A, %add3A_222, %dma_start3A_228] : memref<32x84x120xi32, #tpu.memory_space<hbm>> -> memref<1x1x120xi32, #tpu.memory_space<hbm>>
        %dma_start3A_230 = tpu.memref_squeeze %dma_start3A_229 : memref<1x1x120xi32, #tpu.memory_space<hbm>> -> memref<120xi32, #tpu.memory_space<hbm>>
        %dma_start3A_231 = tpu.memref_slice %arg10[%rem3A_224] : memref<4x!tpu.dma_semaphore, #tpu.memory_space<semaphore_mem>> -> memref<1x!tpu.dma_semaphore, #tpu.memory_space<semaphore_mem>>
        %dma_start3A_232 = tpu.memref_squeeze %dma_start3A_231 : memref<1x!tpu.dma_semaphore, #tpu.memory_space<semaphore_mem>> -> memref<!tpu.dma_semaphore, #tpu.memory_space<semaphore_mem>>
        %dma_start3A_233 = arith.constant 0 : i32
        %dma_start3A_234 = tpu.memref_slice %arg7[%rem3A_224, %dma_start3A_233] : memref<8x120xi32, #tpu.memory_space<vmem>> -> memref<1x120xi32, #tpu.memory_space<vmem>>
        %dma_start3A_235 = tpu.memref_squeeze %dma_start3A_234 : memref<1x120xi32, #tpu.memory_space<vmem>> -> memref<120xi32, #tpu.memory_space<vmem>>
        %dma_start3A_236 = arith.constant 0 : i32
        %dma_start3A_237 = tpu.memref_slice %arg3[%add3A, %add3A_222, %dma_start3A_236] : memref<32x84x120xi32, #tpu.memory_space<hbm>> -> memref<1x1x120xi32, #tpu.memory_space<hbm>>
        %dma_start3A_238 = tpu.memref_squeeze %dma_start3A_237 : memref<1x1x120xi32, #tpu.memory_space<hbm>> -> memref<120xi32, #tpu.memory_space<hbm>>
        tpu.enqueue_dma source(%dma_start3A_238 : memref<120xi32, #tpu.memory_space<hbm>>) target(%dma_start3A_235 : memref<120xi32, #tpu.memory_space<vmem>>) target_semaphore(%dma_start3A_232 : memref<!tpu.dma_semaphore, #tpu.memory_space<semaphore_mem>>)
        %add3A_239 = arith.constant 4 : i32
        %add3A_240 = arith.addi %add3A_239, %rem3A_224 : i32
        %dma_start3A_241 = arith.constant 0 : i32
        %dma_start3A_242 = tpu.memref_slice %arg7[%add3A_240, %dma_start3A_241] : memref<8x120xi32, #tpu.memory_space<vmem>> -> memref<1x120xi32, #tpu.memory_space<vmem>>
        %dma_start3A_243 = tpu.memref_squeeze %dma_start3A_242 : memref<1x120xi32, #tpu.memory_space<vmem>> -> memref<120xi32, #tpu.memory_space<vmem>>
        %dma_start3A_244 = arith.constant 0 : i32
        %dma_start3A_245 = tpu.memref_slice %arg4[%add3A, %add3A_222, %dma_start3A_244] : memref<32x84x120xi32, #tpu.memory_space<hbm>> -> memref<1x1x120xi32, #tpu.memory_space<hbm>>
        %dma_start3A_246 = tpu.memref_squeeze %dma_start3A_245 : memref<1x1x120xi32, #tpu.memory_space<hbm>> -> memref<120xi32, #tpu.memory_space<hbm>>
        %dma_start3A_247 = tpu.memref_slice %arg11[%rem3A_224] : memref<4x!tpu.dma_semaphore, #tpu.memory_space<semaphore_mem>> -> memref<1x!tpu.dma_semaphore, #tpu.memory_space<semaphore_mem>>
        %dma_start3A_248 = tpu.memref_squeeze %dma_start3A_247 : memref<1x!tpu.dma_semaphore, #tpu.memory_space<semaphore_mem>> -> memref<!tpu.dma_semaphore, #tpu.memory_space<semaphore_mem>>
        %dma_start3A_249 = arith.constant 0 : i32
        %dma_start3A_250 = tpu.memref_slice %arg7[%add3A_240, %dma_start3A_249] : memref<8x120xi32, #tpu.memory_space<vmem>> -> memref<1x120xi32, #tpu.memory_space<vmem>>
        %dma_start3A_251 = tpu.memref_squeeze %dma_start3A_250 : memref<1x120xi32, #tpu.memory_space<vmem>> -> memref<120xi32, #tpu.memory_space<vmem>>
        %dma_start3A_252 = arith.constant 0 : i32
        %dma_start3A_253 = tpu.memref_slice %arg4[%add3A, %add3A_222, %dma_start3A_252] : memref<32x84x120xi32, #tpu.memory_space<hbm>> -> memref<1x1x120xi32, #tpu.memory_space<hbm>>
        %dma_start3A_254 = tpu.memref_squeeze %dma_start3A_253 : memref<1x1x120xi32, #tpu.memory_space<hbm>> -> memref<120xi32, #tpu.memory_space<hbm>>
        tpu.enqueue_dma source(%dma_start3A_254 : memref<120xi32, #tpu.memory_space<hbm>>) target(%dma_start3A_251 : memref<120xi32, #tpu.memory_space<vmem>>) target_semaphore(%dma_start3A_248 : memref<!tpu.dma_semaphore, #tpu.memory_space<semaphore_mem>>)
      } else {
      }
      %add3A_179 = arith.constant 1 : i32
      %add3A_180 = arith.addi %scan3A_170, %add3A_179 : i32
      %lt3A_181 = arith.constant 84 : i32
      %lt3A_182 = arith.cmpi slt, %add3A_180, %lt3A_181 : i32
      %convert_element_type3A_183 = arith.extui %lt3A_182 : i1 to i32
      %cond3A_184 = arith.constant 0 : i32
      %cond3A_185 = arith.cmpi ne, %convert_element_type3A_183, %cond3A_184 : i32
      scf.if %cond3A_185 {
        %add3A_221 = arith.constant 1 : i32
        %add3A_222 = arith.addi %scan3A_170, %add3A_221 : i32
        %rem3A_223 = arith.constant 4 : i32
        %rem3A_224 = arith.remsi %add3A_222, %rem3A_223 : i32
        %dma_wait3A_225 = arith.constant 0 : i32
        %dma_wait3A_226 = tpu.memref_slice %arg7[%rem3A_224, %dma_wait3A_225] : memref<8x120xi32, #tpu.memory_space<vmem>> -> memref<1x120xi32, #tpu.memory_space<vmem>>
        %dma_wait3A_227 = tpu.memref_squeeze %dma_wait3A_226 : memref<1x120xi32, #tpu.memory_space<vmem>> -> memref<120xi32, #tpu.memory_space<vmem>>
        %dma_wait3A_228 = arith.constant 0 : i32
        %dma_wait3A_229 = tpu.memref_slice %arg3[%add3A, %add3A_222, %dma_wait3A_228] : memref<32x84x120xi32, #tpu.memory_space<hbm>> -> memref<1x1x120xi32, #tpu.memory_space<hbm>>
        %dma_wait3A_230 = tpu.memref_squeeze %dma_wait3A_229 : memref<1x1x120xi32, #tpu.memory_space<hbm>> -> memref<120xi32, #tpu.memory_space<hbm>>
        %dma_wait3A_231 = tpu.memref_slice %arg10[%rem3A_224] : memref<4x!tpu.dma_semaphore, #tpu.memory_space<semaphore_mem>> -> memref<1x!tpu.dma_semaphore, #tpu.memory_space<semaphore_mem>>
        %dma_wait3A_232 = tpu.memref_squeeze %dma_wait3A_231 : memref<1x!tpu.dma_semaphore, #tpu.memory_space<semaphore_mem>> -> memref<!tpu.dma_semaphore, #tpu.memory_space<semaphore_mem>>
        %dma_wait3A_233 = arith.constant 0 : i32
        %dma_wait3A_234 = tpu.memref_slice %arg7[%rem3A_224, %dma_wait3A_233] : memref<8x120xi32, #tpu.memory_space<vmem>> -> memref<1x120xi32, #tpu.memory_space<vmem>>
        %dma_wait3A_235 = tpu.memref_squeeze %dma_wait3A_234 : memref<1x120xi32, #tpu.memory_space<vmem>> -> memref<120xi32, #tpu.memory_space<vmem>>
        %dma_wait3A_236 = arith.constant 0 : i32
        %dma_wait3A_237 = tpu.memref_slice %arg3[%add3A, %add3A_222, %dma_wait3A_236] : memref<32x84x120xi32, #tpu.memory_space<hbm>> -> memref<1x1x120xi32, #tpu.memory_space<hbm>>
        %dma_wait3A_238 = tpu.memref_squeeze %dma_wait3A_237 : memref<1x1x120xi32, #tpu.memory_space<hbm>> -> memref<120xi32, #tpu.memory_space<hbm>>
        tpu.wait_dma2 semaphore(%dma_wait3A_232 : memref<!tpu.dma_semaphore, #tpu.memory_space<semaphore_mem>>) src(%dma_wait3A_238 : memref<120xi32, #tpu.memory_space<hbm>>) dst(%dma_wait3A_235 : memref<120xi32, #tpu.memory_space<vmem>>)
        %add3A_239 = arith.constant 4 : i32
        %add3A_240 = arith.addi %add3A_239, %rem3A_224 : i32
        %dma_wait3A_241 = arith.constant 0 : i32
        %dma_wait3A_242 = tpu.memref_slice %arg7[%add3A_240, %dma_wait3A_241] : memref<8x120xi32, #tpu.memory_space<vmem>> -> memref<1x120xi32, #tpu.memory_space<vmem>>
        %dma_wait3A_243 = tpu.memref_squeeze %dma_wait3A_242 : memref<1x120xi32, #tpu.memory_space<vmem>> -> memref<120xi32, #tpu.memory_space<vmem>>
        %dma_wait3A_244 = arith.constant 0 : i32
        %dma_wait3A_245 = tpu.memref_slice %arg4[%add3A, %add3A_222, %dma_wait3A_244] : memref<32x84x120xi32, #tpu.memory_space<hbm>> -> memref<1x1x120xi32, #tpu.memory_space<hbm>>
        %dma_wait3A_246 = tpu.memref_squeeze %dma_wait3A_245 : memref<1x1x120xi32, #tpu.memory_space<hbm>> -> memref<120xi32, #tpu.memory_space<hbm>>
        %dma_wait3A_247 = tpu.memref_slice %arg11[%rem3A_224] : memref<4x!tpu.dma_semaphore, #tpu.memory_space<semaphore_mem>> -> memref<1x!tpu.dma_semaphore, #tpu.memory_space<semaphore_mem>>
        %dma_wait3A_248 = tpu.memref_squeeze %dma_wait3A_247 : memref<1x!tpu.dma_semaphore, #tpu.memory_space<semaphore_mem>> -> memref<!tpu.dma_semaphore, #tpu.memory_space<semaphore_mem>>
        %dma_wait3A_249 = arith.constant 0 : i32
        %dma_wait3A_250 = tpu.memref_slice %arg7[%add3A_240, %dma_wait3A_249] : memref<8x120xi32, #tpu.memory_space<vmem>> -> memref<1x120xi32, #tpu.memory_space<vmem>>
        %dma_wait3A_251 = tpu.memref_squeeze %dma_wait3A_250 : memref<1x120xi32, #tpu.memory_space<vmem>> -> memref<120xi32, #tpu.memory_space<vmem>>
        %dma_wait3A_252 = arith.constant 0 : i32
        %dma_wait3A_253 = tpu.memref_slice %arg4[%add3A, %add3A_222, %dma_wait3A_252] : memref<32x84x120xi32, #tpu.memory_space<hbm>> -> memref<1x1x120xi32, #tpu.memory_space<hbm>>
        %dma_wait3A_254 = tpu.memref_squeeze %dma_wait3A_253 : memref<1x1x120xi32, #tpu.memory_space<hbm>> -> memref<120xi32, #tpu.memory_space<hbm>>
        tpu.wait_dma2 semaphore(%dma_wait3A_248 : memref<!tpu.dma_semaphore, #tpu.memory_space<semaphore_mem>>) src(%dma_wait3A_254 : memref<120xi32, #tpu.memory_space<hbm>>) dst(%dma_wait3A_251 : memref<120xi32, #tpu.memory_space<vmem>>)
        %add3A_255 = arith.constant 1 : i32
        %add3A_256 = arith.addi %scan3A_170, %add3A_255 : i32
        %rem3A_257 = arith.constant 3 : i32
        %rem3A_258 = arith.remsi %add3A_256, %rem3A_257 : i32
        %rem3A_259 = arith.constant 4 : i32
        %rem3A_260 = arith.remsi %add3A_256, %rem3A_259 : i32
        %dma_start3A_261 = arith.constant 0 : i32
        %dma_start3A_262 = arith.constant 0 : i32
        %dma_start3A_263 = tpu.memref_slice %arg8[%rem3A_258, %dma_start3A_261, %dma_start3A_262] : memref<3x120x128xf32, #tpu.memory_space<vmem>> -> memref<1x120x128xf32, #tpu.memory_space<vmem>>
        %dma_start3A_264 = tpu.memref_squeeze %dma_start3A_263 : memref<1x120x128xf32, #tpu.memory_space<vmem>> -> memref<120x128xf32, #tpu.memory_space<vmem>>
        %dma_start3A_265 = arith.constant 0 : i32
        %dma_start3A_266 = tpu.memref_slice %arg7[%rem3A_260, %dma_start3A_265] : memref<8x120xi32, #tpu.memory_space<vmem>> -> memref<1x120xi32, #tpu.memory_space<vmem>>
        %dma_start3A_267 = tpu.memref_squeeze %dma_start3A_266 : memref<1x120xi32, #tpu.memory_space<vmem>> -> memref<120xi32, #tpu.memory_space<vmem>>
        %dma_start3A_268 = arith.constant 0 : i32
        %dma_start3A_269 = arith.constant 0 : i32
        %dma_start3A_270 = tpu.memref_slice %arg2[%dma_start3A_268, %dma_start3A_269] : memref<10112x128xf32, #tpu.memory_space<hbm>> -> memref<10112x128xf32, #tpu.memory_space<hbm>>
        %dma_start3A_271 = arith.constant -1 : i32
        %dma_start3A_272 = tpu.memref_slice %arg12[%rem3A_258] : memref<3x!tpu.dma_semaphore, #tpu.memory_space<semaphore_mem>> -> memref<1x!tpu.dma_semaphore, #tpu.memory_space<semaphore_mem>>
        %dma_start3A_273 = tpu.memref_squeeze %dma_start3A_272 : memref<1x!tpu.dma_semaphore, #tpu.memory_space<semaphore_mem>> -> memref<!tpu.dma_semaphore, #tpu.memory_space<semaphore_mem>>
        tpu.enqueue_indirect_dma source(%dma_start3A_270 : memref<10112x128xf32, #tpu.memory_space<hbm>>) target(%dma_start3A_264 : memref<120x128xf32, #tpu.memory_space<vmem>>) offsets(%dma_start3A_267 : memref<120xi32, #tpu.memory_space<vmem>>) offset_filter(%dma_start3A_271) semaphore(%dma_start3A_273 : memref<!tpu.dma_semaphore, #tpu.memory_space<semaphore_mem>>)
      } else {
      }
      %rem3A_186 = arith.constant 3 : i32
      %rem3A_187 = arith.remsi %scan3A_170, %rem3A_186 : i32
      %rem3A_188 = arith.constant 4 : i32
      %rem3A_189 = arith.remsi %scan3A_170, %rem3A_188 : i32
      %dma_wait3A_190 = arith.constant 0 : i32
      %dma_wait3A_191 = arith.constant 0 : i32
      %dma_wait3A_192 = tpu.memref_slice %arg8[%rem3A_187, %dma_wait3A_190, %dma_wait3A_191] : memref<3x120x128xf32, #tpu.memory_space<vmem>> -> memref<1x120x128xf32, #tpu.memory_space<vmem>>
      %dma_wait3A_193 = tpu.memref_squeeze %dma_wait3A_192 : memref<1x120x128xf32, #tpu.memory_space<vmem>> -> memref<120x128xf32, #tpu.memory_space<vmem>>
      %dma_wait3A_194 = arith.constant 0 : i32
      %dma_wait3A_195 = tpu.memref_slice %arg7[%rem3A_189, %dma_wait3A_194] : memref<8x120xi32, #tpu.memory_space<vmem>> -> memref<1x120xi32, #tpu.memory_space<vmem>>
      %dma_wait3A_196 = tpu.memref_squeeze %dma_wait3A_195 : memref<1x120xi32, #tpu.memory_space<vmem>> -> memref<120xi32, #tpu.memory_space<vmem>>
      %dma_wait3A_197 = arith.constant 0 : i32
      %dma_wait3A_198 = arith.constant 0 : i32
      %dma_wait3A_199 = tpu.memref_slice %arg2[%dma_wait3A_197, %dma_wait3A_198] : memref<10112x128xf32, #tpu.memory_space<hbm>> -> memref<10112x128xf32, #tpu.memory_space<hbm>>
      %dma_wait3A_200 = tpu.memref_slice %arg12[%rem3A_187] : memref<3x!tpu.dma_semaphore, #tpu.memory_space<semaphore_mem>> -> memref<1x!tpu.dma_semaphore, #tpu.memory_space<semaphore_mem>>
      %dma_wait3A_201 = tpu.memref_squeeze %dma_wait3A_200 : memref<1x!tpu.dma_semaphore, #tpu.memory_space<semaphore_mem>> -> memref<!tpu.dma_semaphore, #tpu.memory_space<semaphore_mem>>
      tpu.wait_indirect_dma semaphore(%dma_wait3A_201 : memref<!tpu.dma_semaphore, #tpu.memory_space<semaphore_mem>>) src(%dma_wait3A_199 : memref<10112x128xf32, #tpu.memory_space<hbm>>) dst(%dma_wait3A_193 : memref<120x128xf32, #tpu.memory_space<vmem>>)
      %rem3A_202 = arith.constant 3 : i32
      %rem3A_203 = arith.remsi %scan3A_170, %rem3A_202 : i32
      %rem3A_204 = arith.constant 4 : i32
      %rem3A_205 = arith.remsi %scan3A_170, %rem3A_204 : i32
      %add3A_206 = arith.constant 4 : i32
      %add3A_207 = arith.addi %add3A_206, %rem3A_205 : i32
      %dma_start3A_208 = arith.constant 0 : i32
      %dma_start3A_209 = arith.constant 0 : i32
      %dma_start3A_210 = tpu.memref_slice %arg8[%rem3A_203, %dma_start3A_208, %dma_start3A_209] : memref<3x120x128xf32, #tpu.memory_space<vmem>> -> memref<1x120x128xf32, #tpu.memory_space<vmem>>
      %dma_start3A_211 = tpu.memref_squeeze %dma_start3A_210 : memref<1x120x128xf32, #tpu.memory_space<vmem>> -> memref<120x128xf32, #tpu.memory_space<vmem>>
      %dma_start3A_212 = arith.constant 0 : i32
      %dma_start3A_213 = tpu.memref_slice %arg7[%add3A_207, %dma_start3A_212] : memref<8x120xi32, #tpu.memory_space<vmem>> -> memref<1x120xi32, #tpu.memory_space<vmem>>
      %dma_start3A_214 = tpu.memref_squeeze %dma_start3A_213 : memref<1x120xi32, #tpu.memory_space<vmem>> -> memref<120xi32, #tpu.memory_space<vmem>>
      %dma_start3A_215 = arith.constant 0 : i32
      %dma_start3A_216 = arith.constant 0 : i32
      %dma_start3A_217 = tpu.memref_slice %arg9[%dma_start3A_215, %dma_start3A_216] : memref<10112x128xf32, #tpu.memory_space<vmem_shared>> -> memref<10112x128xf32, #tpu.memory_space<vmem_shared>>
      %dma_start3A_218 = arith.constant -1 : i32
      %dma_start3A_219 = tpu.memref_slice %arg13[%rem3A_203] : memref<3x!tpu.dma_semaphore, #tpu.memory_space<semaphore_mem>> -> memref<1x!tpu.dma_semaphore, #tpu.memory_space<semaphore_mem>>
      %dma_start3A_220 = tpu.memref_squeeze %dma_start3A_219 : memref<1x!tpu.dma_semaphore, #tpu.memory_space<semaphore_mem>> -> memref<!tpu.dma_semaphore, #tpu.memory_space<semaphore_mem>>
      tpu.enqueue_indirect_dma source(%dma_start3A_211 : memref<120x128xf32, #tpu.memory_space<vmem>>) target(%dma_start3A_217 : memref<10112x128xf32, #tpu.memory_space<vmem_shared>>) offsets(%dma_start3A_214 : memref<120xi32, #tpu.memory_space<vmem>>) offset_filter(%dma_start3A_218) semaphore(%dma_start3A_220 : memref<!tpu.dma_semaphore, #tpu.memory_space<semaphore_mem>>) {add = true}
    }
    %scan3A_128 = arith.constant 84 : i32
    %rem3A_129 = arith.constant 82 : i32
    %rem3A_130 = arith.constant 3 : i32
    %rem3A_131 = arith.remsi %rem3A_129, %rem3A_130 : i32
    %rem3A_132 = arith.constant 82 : i32
    %rem3A_133 = arith.constant 4 : i32
    %rem3A_134 = arith.remsi %rem3A_132, %rem3A_133 : i32
    %add3A_135 = arith.constant 4 : i32
    %add3A_136 = arith.addi %add3A_135, %rem3A_134 : i32
    %dma_wait3A_137 = arith.constant 0 : i32
    %dma_wait3A_138 = arith.constant 0 : i32
    %dma_wait3A_139 = tpu.memref_slice %arg8[%rem3A_131, %dma_wait3A_137, %dma_wait3A_138] : memref<3x120x128xf32, #tpu.memory_space<vmem>> -> memref<1x120x128xf32, #tpu.memory_space<vmem>>
    %dma_wait3A_140 = tpu.memref_squeeze %dma_wait3A_139 : memref<1x120x128xf32, #tpu.memory_space<vmem>> -> memref<120x128xf32, #tpu.memory_space<vmem>>
    %dma_wait3A_141 = arith.constant 0 : i32
    %dma_wait3A_142 = tpu.memref_slice %arg7[%add3A_136, %dma_wait3A_141] : memref<8x120xi32, #tpu.memory_space<vmem>> -> memref<1x120xi32, #tpu.memory_space<vmem>>
    %dma_wait3A_143 = tpu.memref_squeeze %dma_wait3A_142 : memref<1x120xi32, #tpu.memory_space<vmem>> -> memref<120xi32, #tpu.memory_space<vmem>>
    %dma_wait3A_144 = arith.constant 0 : i32
    %dma_wait3A_145 = arith.constant 0 : i32
    %dma_wait3A_146 = tpu.memref_slice %arg9[%dma_wait3A_144, %dma_wait3A_145] : memref<10112x128xf32, #tpu.memory_space<vmem_shared>> -> memref<10112x128xf32, #tpu.memory_space<vmem_shared>>
    %dma_wait3A_147 = tpu.memref_slice %arg13[%rem3A_131] : memref<3x!tpu.dma_semaphore, #tpu.memory_space<semaphore_mem>> -> memref<1x!tpu.dma_semaphore, #tpu.memory_space<semaphore_mem>>
    %dma_wait3A_148 = tpu.memref_squeeze %dma_wait3A_147 : memref<1x!tpu.dma_semaphore, #tpu.memory_space<semaphore_mem>> -> memref<!tpu.dma_semaphore, #tpu.memory_space<semaphore_mem>>
    tpu.wait_indirect_dma semaphore(%dma_wait3A_148 : memref<!tpu.dma_semaphore, #tpu.memory_space<semaphore_mem>>) src(%dma_wait3A_140 : memref<120x128xf32, #tpu.memory_space<vmem>>) dst(%dma_wait3A_146 : memref<10112x128xf32, #tpu.memory_space<vmem_shared>>)
    %rem3A_149 = arith.constant 83 : i32
    %rem3A_150 = arith.constant 3 : i32
    %rem3A_151 = arith.remsi %rem3A_149, %rem3A_150 : i32
    %rem3A_152 = arith.constant 83 : i32
    %rem3A_153 = arith.constant 4 : i32
    %rem3A_154 = arith.remsi %rem3A_152, %rem3A_153 : i32
    %add3A_155 = arith.constant 4 : i32
    %add3A_156 = arith.addi %add3A_155, %rem3A_154 : i32
    %dma_wait3A_157 = arith.constant 0 : i32
    %dma_wait3A_158 = arith.constant 0 : i32
    %dma_wait3A_159 = tpu.memref_slice %arg8[%rem3A_151, %dma_wait3A_157, %dma_wait3A_158] : memref<3x120x128xf32, #tpu.memory_space<vmem>> -> memref<1x120x128xf32, #tpu.memory_space<vmem>>
    %dma_wait3A_160 = tpu.memref_squeeze %dma_wait3A_159 : memref<1x120x128xf32, #tpu.memory_space<vmem>> -> memref<120x128xf32, #tpu.memory_space<vmem>>
    %dma_wait3A_161 = arith.constant 0 : i32
    %dma_wait3A_162 = tpu.memref_slice %arg7[%add3A_156, %dma_wait3A_161] : memref<8x120xi32, #tpu.memory_space<vmem>> -> memref<1x120xi32, #tpu.memory_space<vmem>>
    %dma_wait3A_163 = tpu.memref_squeeze %dma_wait3A_162 : memref<1x120xi32, #tpu.memory_space<vmem>> -> memref<120xi32, #tpu.memory_space<vmem>>
    %dma_wait3A_164 = arith.constant 0 : i32
    %dma_wait3A_165 = arith.constant 0 : i32
    %dma_wait3A_166 = tpu.memref_slice %arg9[%dma_wait3A_164, %dma_wait3A_165] : memref<10112x128xf32, #tpu.memory_space<vmem_shared>> -> memref<10112x128xf32, #tpu.memory_space<vmem_shared>>
    %dma_wait3A_167 = tpu.memref_slice %arg13[%rem3A_151] : memref<3x!tpu.dma_semaphore, #tpu.memory_space<semaphore_mem>> -> memref<1x!tpu.dma_semaphore, #tpu.memory_space<semaphore_mem>>
    %dma_wait3A_168 = tpu.memref_squeeze %dma_wait3A_167 : memref<1x!tpu.dma_semaphore, #tpu.memory_space<semaphore_mem>> -> memref<!tpu.dma_semaphore, #tpu.memory_space<semaphore_mem>>
    tpu.wait_indirect_dma semaphore(%dma_wait3A_168 : memref<!tpu.dma_semaphore, #tpu.memory_space<semaphore_mem>>) src(%dma_wait3A_160 : memref<120x128xf32, #tpu.memory_space<vmem>>) dst(%dma_wait3A_166 : memref<10112x128xf32, #tpu.memory_space<vmem_shared>>)
    %barrier3A_169 = arith.constant 0 : index
    tpu.barrier barrier_id(%barrier3A_169)
    "tpu.region"() ({
      %run_scoped3A = tpu.sem_alloc : memref<!tpu.dma_semaphore, #tpu.memory_space<semaphore_mem>>
      %dma_start3A_170 = arith.constant 0 : i32
      %dma_start3A_171 = tpu.memref_slice %arg6[%arg0, %mul3A_2, %dma_start3A_170] : memref<2x10112x128xf32, #tpu.memory_space<hbm>> -> memref<1x632x128xf32, #tpu.memory_space<hbm>>
      %dma_start3A_172 = tpu.memref_squeeze %dma_start3A_171 : memref<1x632x128xf32, #tpu.memory_space<hbm>> -> memref<632x128xf32, #tpu.memory_space<hbm>>
      %dma_start3A_173 = arith.constant 0 : i32
      %dma_start3A_174 = tpu.memref_slice %arg9[%mul3A_2, %dma_start3A_173] : memref<10112x128xf32, #tpu.memory_space<vmem_shared>> -> memref<632x128xf32, #tpu.memory_space<vmem_shared>>
      tpu.enqueue_dma source(%dma_start3A_174 : memref<632x128xf32, #tpu.memory_space<vmem_shared>>) target(%dma_start3A_172 : memref<632x128xf32, #tpu.memory_space<hbm>>) target_semaphore(%run_scoped3A : memref<!tpu.dma_semaphore, #tpu.memory_space<semaphore_mem>>)
      %dma_wait3A_175 = arith.constant 0 : i32
      %dma_wait3A_176 = tpu.memref_slice %arg6[%arg0, %mul3A_2, %dma_wait3A_175] : memref<2x10112x128xf32, #tpu.memory_space<hbm>> -> memref<1x632x128xf32, #tpu.memory_space<hbm>>
      %dma_wait3A_177 = tpu.memref_squeeze %dma_wait3A_176 : memref<1x632x128xf32, #tpu.memory_space<hbm>> -> memref<632x128xf32, #tpu.memory_space<hbm>>
      %dma_wait3A_178 = arith.constant 0 : i32
      %dma_wait3A_179 = tpu.memref_slice %arg9[%mul3A_2, %dma_wait3A_178] : memref<10112x128xf32, #tpu.memory_space<vmem_shared>> -> memref<632x128xf32, #tpu.memory_space<vmem_shared>>
      tpu.wait_dma2 semaphore(%run_scoped3A : memref<!tpu.dma_semaphore, #tpu.memory_space<semaphore_mem>>) src(%dma_wait3A_179 : memref<632x128xf32, #tpu.memory_space<vmem_shared>>) dst(%dma_wait3A_177 : memref<632x128xf32, #tpu.memory_space<hbm>>)
      tpu.yield
    }) : () -> ()
    return
  }
}

#map = affine_map<(d0, d1) -> (0, 0)>
#map1 = affine_map<(d0, d1) -> (0, 0, 0)>
module attributes {stable_mosaic.version = 14 : i64} {
  func.func @_prop_body(%arg0: i32, %arg1: i32, %arg2: memref<10112x128xf32, #tpu.memory_space<hbm>>, %arg3: memref<32x84x120xi32, #tpu.memory_space<hbm>>, %arg4: memref<32x84x120xi32, #tpu.memory_space<hbm>>, %arg5: memref<10112x128xf32, #tpu.memory_space<hbm>>, %arg6: memref<2x10112x128xf32, #tpu.memory_space<hbm>>, %arg7: memref<8x120xi32, #tpu.memory_space<vmem>>, %arg8: memref<3x120x128xf32, #tpu.memory_space<vmem>>, %arg9: memref<10112x128xf32, #tpu.memory_space<vmem_shared>>, %arg10: memref<4x!tpu.dma_semaphore, #tpu.memory_space<semaphore_mem>>, %arg11: memref<4x!tpu.dma_semaphore, #tpu.memory_space<semaphore_mem>>, %arg12: memref<3x!tpu.dma_semaphore, #tpu.memory_space<semaphore_mem>>, %arg13: memref<3x!tpu.dma_semaphore, #tpu.memory_space<semaphore_mem>>) attributes {dimension_semantics = [#tpu.dimension_semantics<core_parallel>, #tpu.dimension_semantics<subcore_parallel>], iteration_bounds = array<i64: 2, 16>, scalar_prefetch = 0 : i64, scratch_operands = 7 : i64, tpu.core_type = #tpu.core_type<sc_vector_subcore>, window_params = [{transform_indices = #map}, {transform_indices = #map1}, {transform_indices = #map1}, {transform_indices = #map}, {transform_indices = #map1}]} {
    %mul3A = arith.constant 2 : i32
    %mul3A_0 = arith.muli %arg1, %mul3A : i32
    %add3A = arith.addi %mul3A_0, %arg0 : i32
    %mul3A_1 = arith.constant 632 : i32
    %mul3A_2 = arith.muli %arg1, %mul3A_1 : i32
    "tpu.region"() ({
      %run_scoped3A = tpu.sem_alloc : memref<!tpu.dma_semaphore, #tpu.memory_space<semaphore_mem>>
      %dma_start3A_170 = arith.constant 0 : i32
      %dma_start3A_171 = tpu.memref_slice %arg9[%mul3A_2, %dma_start3A_170] : memref<10112x128xf32, #tpu.memory_space<vmem_shared>> -> memref<632x128xf32, #tpu.memory_space<vmem_shared>>
      %dma_start3A_172 = arith.constant 0 : i32
      %dma_start3A_173 = tpu.memref_slice %arg5[%mul3A_2, %dma_start3A_172] : memref<10112x128xf32, #tpu.memory_space<hbm>> -> memref<632x128xf32, #tpu.memory_space<hbm>>
      tpu.enqueue_dma source(%dma_start3A_173 : memref<632x128xf32, #tpu.memory_space<hbm>>) target(%dma_start3A_171 : memref<632x128xf32, #tpu.memory_space<vmem_shared>>) target_semaphore(%run_scoped3A : memref<!tpu.dma_semaphore, #tpu.memory_space<semaphore_mem>>)
      %dma_wait3A_174 = arith.constant 0 : i32
      %dma_wait3A_175 = tpu.memref_slice %arg9[%mul3A_2, %dma_wait3A_174] : memref<10112x128xf32, #tpu.memory_space<vmem_shared>> -> memref<632x128xf32, #tpu.memory_space<vmem_shared>>
      %dma_wait3A_176 = arith.constant 0 : i32
      %dma_wait3A_177 = tpu.memref_slice %arg5[%mul3A_2, %dma_wait3A_176] : memref<10112x128xf32, #tpu.memory_space<hbm>> -> memref<632x128xf32, #tpu.memory_space<hbm>>
      tpu.wait_dma2 semaphore(%run_scoped3A : memref<!tpu.dma_semaphore, #tpu.memory_space<semaphore_mem>>) src(%dma_wait3A_177 : memref<632x128xf32, #tpu.memory_space<hbm>>) dst(%dma_wait3A_175 : memref<632x128xf32, #tpu.memory_space<vmem_shared>>)
      tpu.yield
    }) : () -> ()
    %barrier3A = arith.constant 0 : index
    tpu.barrier barrier_id(%barrier3A)
    %rem3A = arith.constant 0 : i32
    %rem3A_3 = arith.constant 4 : i32
    %rem3A_4 = arith.remsi %rem3A, %rem3A_3 : i32
    %dma_start3A = arith.constant 0 : i32
    %dma_start3A_5 = arith.constant 0 : i32
    %dma_start3A_6 = tpu.memref_slice %arg7[%rem3A_4, %dma_start3A_5] : memref<8x120xi32, #tpu.memory_space<vmem>> -> memref<1x120xi32, #tpu.memory_space<vmem>>
    %dma_start3A_7 = tpu.memref_squeeze %dma_start3A_6 : memref<1x120xi32, #tpu.memory_space<vmem>> -> memref<120xi32, #tpu.memory_space<vmem>>
    %dma_start3A_8 = arith.constant 0 : i32
    %dma_start3A_9 = tpu.memref_slice %arg3[%add3A, %dma_start3A, %dma_start3A_8] : memref<32x84x120xi32, #tpu.memory_space<hbm>> -> memref<1x1x120xi32, #tpu.memory_space<hbm>>
    %dma_start3A_10 = tpu.memref_squeeze %dma_start3A_9 : memref<1x1x120xi32, #tpu.memory_space<hbm>> -> memref<120xi32, #tpu.memory_space<hbm>>
    %dma_start3A_11 = tpu.memref_slice %arg10[%rem3A_4] : memref<4x!tpu.dma_semaphore, #tpu.memory_space<semaphore_mem>> -> memref<1x!tpu.dma_semaphore, #tpu.memory_space<semaphore_mem>>
    %dma_start3A_12 = tpu.memref_squeeze %dma_start3A_11 : memref<1x!tpu.dma_semaphore, #tpu.memory_space<semaphore_mem>> -> memref<!tpu.dma_semaphore, #tpu.memory_space<semaphore_mem>>
    %dma_start3A_13 = arith.constant 0 : i32
    %dma_start3A_14 = tpu.memref_slice %arg7[%rem3A_4, %dma_start3A_13] : memref<8x120xi32, #tpu.memory_space<vmem>> -> memref<1x120xi32, #tpu.memory_space<vmem>>
    %dma_start3A_15 = tpu.memref_squeeze %dma_start3A_14 : memref<1x120xi32, #tpu.memory_space<vmem>> -> memref<120xi32, #tpu.memory_space<vmem>>
    %dma_start3A_16 = arith.constant 0 : i32
    %dma_start3A_17 = tpu.memref_slice %arg3[%add3A, %dma_start3A, %dma_start3A_16] : memref<32x84x120xi32, #tpu.memory_space<hbm>> -> memref<1x1x120xi32, #tpu.memory_space<hbm>>
    %dma_start3A_18 = tpu.memref_squeeze %dma_start3A_17 : memref<1x1x120xi32, #tpu.memory_space<hbm>> -> memref<120xi32, #tpu.memory_space<hbm>>
    tpu.enqueue_dma source(%dma_start3A_18 : memref<120xi32, #tpu.memory_space<hbm>>) target(%dma_start3A_15 : memref<120xi32, #tpu.memory_space<vmem>>) target_semaphore(%dma_start3A_12 : memref<!tpu.dma_semaphore, #tpu.memory_space<semaphore_mem>>)
    %add3A_19 = arith.constant 4 : i32
    %add3A_20 = arith.addi %add3A_19, %rem3A_4 : i32
    %dma_start3A_21 = arith.constant 0 : i32
    %dma_start3A_22 = arith.constant 0 : i32
    %dma_start3A_23 = tpu.memref_slice %arg7[%add3A_20, %dma_start3A_22] : memref<8x120xi32, #tpu.memory_space<vmem>> -> memref<1x120xi32, #tpu.memory_space<vmem>>
    %dma_start3A_24 = tpu.memref_squeeze %dma_start3A_23 : memref<1x120xi32, #tpu.memory_space<vmem>> -> memref<120xi32, #tpu.memory_space<vmem>>
    %dma_start3A_25 = arith.constant 0 : i32
    %dma_start3A_26 = tpu.memref_slice %arg4[%add3A, %dma_start3A_21, %dma_start3A_25] : memref<32x84x120xi32, #tpu.memory_space<hbm>> -> memref<1x1x120xi32, #tpu.memory_space<hbm>>
    %dma_start3A_27 = tpu.memref_squeeze %dma_start3A_26 : memref<1x1x120xi32, #tpu.memory_space<hbm>> -> memref<120xi32, #tpu.memory_space<hbm>>
    %dma_start3A_28 = tpu.memref_slice %arg11[%rem3A_4] : memref<4x!tpu.dma_semaphore, #tpu.memory_space<semaphore_mem>> -> memref<1x!tpu.dma_semaphore, #tpu.memory_space<semaphore_mem>>
    %dma_start3A_29 = tpu.memref_squeeze %dma_start3A_28 : memref<1x!tpu.dma_semaphore, #tpu.memory_space<semaphore_mem>> -> memref<!tpu.dma_semaphore, #tpu.memory_space<semaphore_mem>>
    %dma_start3A_30 = arith.constant 0 : i32
    %dma_start3A_31 = tpu.memref_slice %arg7[%add3A_20, %dma_start3A_30] : memref<8x120xi32, #tpu.memory_space<vmem>> -> memref<1x120xi32, #tpu.memory_space<vmem>>
    %dma_start3A_32 = tpu.memref_squeeze %dma_start3A_31 : memref<1x120xi32, #tpu.memory_space<vmem>> -> memref<120xi32, #tpu.memory_space<vmem>>
    %dma_start3A_33 = arith.constant 0 : i32
    %dma_start3A_34 = tpu.memref_slice %arg4[%add3A, %dma_start3A_21, %dma_start3A_33] : memref<32x84x120xi32, #tpu.memory_space<hbm>> -> memref<1x1x120xi32, #tpu.memory_space<hbm>>
    %dma_start3A_35 = tpu.memref_squeeze %dma_start3A_34 : memref<1x1x120xi32, #tpu.memory_space<hbm>> -> memref<120xi32, #tpu.memory_space<hbm>>
    tpu.enqueue_dma source(%dma_start3A_35 : memref<120xi32, #tpu.memory_space<hbm>>) target(%dma_start3A_32 : memref<120xi32, #tpu.memory_space<vmem>>) target_semaphore(%dma_start3A_29 : memref<!tpu.dma_semaphore, #tpu.memory_space<semaphore_mem>>)
    %rem3A_36 = arith.constant 1 : i32
    %rem3A_37 = arith.constant 4 : i32
    %rem3A_38 = arith.remsi %rem3A_36, %rem3A_37 : i32
    %dma_start3A_39 = arith.constant 1 : i32
    %dma_start3A_40 = arith.constant 0 : i32
    %dma_start3A_41 = tpu.memref_slice %arg7[%rem3A_38, %dma_start3A_40] : memref<8x120xi32, #tpu.memory_space<vmem>> -> memref<1x120xi32, #tpu.memory_space<vmem>>
    %dma_start3A_42 = tpu.memref_squeeze %dma_start3A_41 : memref<1x120xi32, #tpu.memory_space<vmem>> -> memref<120xi32, #tpu.memory_space<vmem>>
    %dma_start3A_43 = arith.constant 0 : i32
    %dma_start3A_44 = tpu.memref_slice %arg3[%add3A, %dma_start3A_39, %dma_start3A_43] : memref<32x84x120xi32, #tpu.memory_space<hbm>> -> memref<1x1x120xi32, #tpu.memory_space<hbm>>
    %dma_start3A_45 = tpu.memref_squeeze %dma_start3A_44 : memref<1x1x120xi32, #tpu.memory_space<hbm>> -> memref<120xi32, #tpu.memory_space<hbm>>
    %dma_start3A_46 = tpu.memref_slice %arg10[%rem3A_38] : memref<4x!tpu.dma_semaphore, #tpu.memory_space<semaphore_mem>> -> memref<1x!tpu.dma_semaphore, #tpu.memory_space<semaphore_mem>>
    %dma_start3A_47 = tpu.memref_squeeze %dma_start3A_46 : memref<1x!tpu.dma_semaphore, #tpu.memory_space<semaphore_mem>> -> memref<!tpu.dma_semaphore, #tpu.memory_space<semaphore_mem>>
    %dma_start3A_48 = arith.constant 0 : i32
    %dma_start3A_49 = tpu.memref_slice %arg7[%rem3A_38, %dma_start3A_48] : memref<8x120xi32, #tpu.memory_space<vmem>> -> memref<1x120xi32, #tpu.memory_space<vmem>>
    %dma_start3A_50 = tpu.memref_squeeze %dma_start3A_49 : memref<1x120xi32, #tpu.memory_space<vmem>> -> memref<120xi32, #tpu.memory_space<vmem>>
    %dma_start3A_51 = arith.constant 0 : i32
    %dma_start3A_52 = tpu.memref_slice %arg3[%add3A, %dma_start3A_39, %dma_start3A_51] : memref<32x84x120xi32, #tpu.memory_space<hbm>> -> memref<1x1x120xi32, #tpu.memory_space<hbm>>
    %dma_start3A_53 = tpu.memref_squeeze %dma_start3A_52 : memref<1x1x120xi32, #tpu.memory_space<hbm>> -> memref<120xi32, #tpu.memory_space<hbm>>
    tpu.enqueue_dma source(%dma_start3A_53 : memref<120xi32, #tpu.memory_space<hbm>>) target(%dma_start3A_50 : memref<120xi32, #tpu.memory_space<vmem>>) target_semaphore(%dma_start3A_47 : memref<!tpu.dma_semaphore, #tpu.memory_space<semaphore_mem>>)
    %add3A_54 = arith.constant 4 : i32
    %add3A_55 = arith.addi %add3A_54, %rem3A_38 : i32
    %dma_start3A_56 = arith.constant 1 : i32
    %dma_start3A_57 = arith.constant 0 : i32
    %dma_start3A_58 = tpu.memref_slice %arg7[%add3A_55, %dma_start3A_57] : memref<8x120xi32, #tpu.memory_space<vmem>> -> memref<1x120xi32, #tpu.memory_space<vmem>>
    %dma_start3A_59 = tpu.memref_squeeze %dma_start3A_58 : memref<1x120xi32, #tpu.memory_space<vmem>> -> memref<120xi32, #tpu.memory_space<vmem>>
    %dma_start3A_60 = arith.constant 0 : i32
    %dma_start3A_61 = tpu.memref_slice %arg4[%add3A, %dma_start3A_56, %dma_start3A_60] : memref<32x84x120xi32, #tpu.memory_space<hbm>> -> memref<1x1x120xi32, #tpu.memory_space<hbm>>
    %dma_start3A_62 = tpu.memref_squeeze %dma_start3A_61 : memref<1x1x120xi32, #tpu.memory_space<hbm>> -> memref<120xi32, #tpu.memory_space<hbm>>
    %dma_start3A_63 = tpu.memref_slice %arg11[%rem3A_38] : memref<4x!tpu.dma_semaphore, #tpu.memory_space<semaphore_mem>> -> memref<1x!tpu.dma_semaphore, #tpu.memory_space<semaphore_mem>>
    %dma_start3A_64 = tpu.memref_squeeze %dma_start3A_63 : memref<1x!tpu.dma_semaphore, #tpu.memory_space<semaphore_mem>> -> memref<!tpu.dma_semaphore, #tpu.memory_space<semaphore_mem>>
    %dma_start3A_65 = arith.constant 0 : i32
    %dma_start3A_66 = tpu.memref_slice %arg7[%add3A_55, %dma_start3A_65] : memref<8x120xi32, #tpu.memory_space<vmem>> -> memref<1x120xi32, #tpu.memory_space<vmem>>
    %dma_start3A_67 = tpu.memref_squeeze %dma_start3A_66 : memref<1x120xi32, #tpu.memory_space<vmem>> -> memref<120xi32, #tpu.memory_space<vmem>>
    %dma_start3A_68 = arith.constant 0 : i32
    %dma_start3A_69 = tpu.memref_slice %arg4[%add3A, %dma_start3A_56, %dma_start3A_68] : memref<32x84x120xi32, #tpu.memory_space<hbm>> -> memref<1x1x120xi32, #tpu.memory_space<hbm>>
    %dma_start3A_70 = tpu.memref_squeeze %dma_start3A_69 : memref<1x1x120xi32, #tpu.memory_space<hbm>> -> memref<120xi32, #tpu.memory_space<hbm>>
    tpu.enqueue_dma source(%dma_start3A_70 : memref<120xi32, #tpu.memory_space<hbm>>) target(%dma_start3A_67 : memref<120xi32, #tpu.memory_space<vmem>>) target_semaphore(%dma_start3A_64 : memref<!tpu.dma_semaphore, #tpu.memory_space<semaphore_mem>>)
    %rem3A_71 = arith.constant 0 : i32
    %rem3A_72 = arith.constant 4 : i32
    %rem3A_73 = arith.remsi %rem3A_71, %rem3A_72 : i32
    %dma_wait3A = arith.constant 0 : i32
    %dma_wait3A_74 = arith.constant 0 : i32
    %dma_wait3A_75 = tpu.memref_slice %arg7[%rem3A_73, %dma_wait3A_74] : memref<8x120xi32, #tpu.memory_space<vmem>> -> memref<1x120xi32, #tpu.memory_space<vmem>>
    %dma_wait3A_76 = tpu.memref_squeeze %dma_wait3A_75 : memref<1x120xi32, #tpu.memory_space<vmem>> -> memref<120xi32, #tpu.memory_space<vmem>>
    %dma_wait3A_77 = arith.constant 0 : i32
    %dma_wait3A_78 = tpu.memref_slice %arg3[%add3A, %dma_wait3A, %dma_wait3A_77] : memref<32x84x120xi32, #tpu.memory_space<hbm>> -> memref<1x1x120xi32, #tpu.memory_space<hbm>>
    %dma_wait3A_79 = tpu.memref_squeeze %dma_wait3A_78 : memref<1x1x120xi32, #tpu.memory_space<hbm>> -> memref<120xi32, #tpu.memory_space<hbm>>
    %dma_wait3A_80 = tpu.memref_slice %arg10[%rem3A_73] : memref<4x!tpu.dma_semaphore, #tpu.memory_space<semaphore_mem>> -> memref<1x!tpu.dma_semaphore, #tpu.memory_space<semaphore_mem>>
    %dma_wait3A_81 = tpu.memref_squeeze %dma_wait3A_80 : memref<1x!tpu.dma_semaphore, #tpu.memory_space<semaphore_mem>> -> memref<!tpu.dma_semaphore, #tpu.memory_space<semaphore_mem>>
    %dma_wait3A_82 = arith.constant 0 : i32
    %dma_wait3A_83 = tpu.memref_slice %arg7[%rem3A_73, %dma_wait3A_82] : memref<8x120xi32, #tpu.memory_space<vmem>> -> memref<1x120xi32, #tpu.memory_space<vmem>>
    %dma_wait3A_84 = tpu.memref_squeeze %dma_wait3A_83 : memref<1x120xi32, #tpu.memory_space<vmem>> -> memref<120xi32, #tpu.memory_space<vmem>>
    %dma_wait3A_85 = arith.constant 0 : i32
    %dma_wait3A_86 = tpu.memref_slice %arg3[%add3A, %dma_wait3A, %dma_wait3A_85] : memref<32x84x120xi32, #tpu.memory_space<hbm>> -> memref<1x1x120xi32, #tpu.memory_space<hbm>>
    %dma_wait3A_87 = tpu.memref_squeeze %dma_wait3A_86 : memref<1x1x120xi32, #tpu.memory_space<hbm>> -> memref<120xi32, #tpu.memory_space<hbm>>
    tpu.wait_dma2 semaphore(%dma_wait3A_81 : memref<!tpu.dma_semaphore, #tpu.memory_space<semaphore_mem>>) src(%dma_wait3A_87 : memref<120xi32, #tpu.memory_space<hbm>>) dst(%dma_wait3A_84 : memref<120xi32, #tpu.memory_space<vmem>>)
    %add3A_88 = arith.constant 4 : i32
    %add3A_89 = arith.addi %add3A_88, %rem3A_73 : i32
    %dma_wait3A_90 = arith.constant 0 : i32
    %dma_wait3A_91 = arith.constant 0 : i32
    %dma_wait3A_92 = tpu.memref_slice %arg7[%add3A_89, %dma_wait3A_91] : memref<8x120xi32, #tpu.memory_space<vmem>> -> memref<1x120xi32, #tpu.memory_space<vmem>>
    %dma_wait3A_93 = tpu.memref_squeeze %dma_wait3A_92 : memref<1x120xi32, #tpu.memory_space<vmem>> -> memref<120xi32, #tpu.memory_space<vmem>>
    %dma_wait3A_94 = arith.constant 0 : i32
    %dma_wait3A_95 = tpu.memref_slice %arg4[%add3A, %dma_wait3A_90, %dma_wait3A_94] : memref<32x84x120xi32, #tpu.memory_space<hbm>> -> memref<1x1x120xi32, #tpu.memory_space<hbm>>
    %dma_wait3A_96 = tpu.memref_squeeze %dma_wait3A_95 : memref<1x1x120xi32, #tpu.memory_space<hbm>> -> memref<120xi32, #tpu.memory_space<hbm>>
    %dma_wait3A_97 = tpu.memref_slice %arg11[%rem3A_73] : memref<4x!tpu.dma_semaphore, #tpu.memory_space<semaphore_mem>> -> memref<1x!tpu.dma_semaphore, #tpu.memory_space<semaphore_mem>>
    %dma_wait3A_98 = tpu.memref_squeeze %dma_wait3A_97 : memref<1x!tpu.dma_semaphore, #tpu.memory_space<semaphore_mem>> -> memref<!tpu.dma_semaphore, #tpu.memory_space<semaphore_mem>>
    %dma_wait3A_99 = arith.constant 0 : i32
    %dma_wait3A_100 = tpu.memref_slice %arg7[%add3A_89, %dma_wait3A_99] : memref<8x120xi32, #tpu.memory_space<vmem>> -> memref<1x120xi32, #tpu.memory_space<vmem>>
    %dma_wait3A_101 = tpu.memref_squeeze %dma_wait3A_100 : memref<1x120xi32, #tpu.memory_space<vmem>> -> memref<120xi32, #tpu.memory_space<vmem>>
    %dma_wait3A_102 = arith.constant 0 : i32
    %dma_wait3A_103 = tpu.memref_slice %arg4[%add3A, %dma_wait3A_90, %dma_wait3A_102] : memref<32x84x120xi32, #tpu.memory_space<hbm>> -> memref<1x1x120xi32, #tpu.memory_space<hbm>>
    %dma_wait3A_104 = tpu.memref_squeeze %dma_wait3A_103 : memref<1x1x120xi32, #tpu.memory_space<hbm>> -> memref<120xi32, #tpu.memory_space<hbm>>
    tpu.wait_dma2 semaphore(%dma_wait3A_98 : memref<!tpu.dma_semaphore, #tpu.memory_space<semaphore_mem>>) src(%dma_wait3A_104 : memref<120xi32, #tpu.memory_space<hbm>>) dst(%dma_wait3A_101 : memref<120xi32, #tpu.memory_space<vmem>>)
    %rem3A_105 = arith.constant 0 : i32
    %rem3A_106 = arith.constant 3 : i32
    %rem3A_107 = arith.remsi %rem3A_105, %rem3A_106 : i32
    %rem3A_108 = arith.constant 0 : i32
    %rem3A_109 = arith.constant 4 : i32
    %rem3A_110 = arith.remsi %rem3A_108, %rem3A_109 : i32
    %dma_start3A_111 = arith.constant 0 : i32
    %dma_start3A_112 = arith.constant 0 : i32
    %dma_start3A_113 = tpu.memref_slice %arg8[%rem3A_107, %dma_start3A_111, %dma_start3A_112] : memref<3x120x128xf32, #tpu.memory_space<vmem>> -> memref<1x120x128xf32, #tpu.memory_space<vmem>>
    %dma_start3A_114 = tpu.memref_squeeze %dma_start3A_113 : memref<1x120x128xf32, #tpu.memory_space<vmem>> -> memref<120x128xf32, #tpu.memory_space<vmem>>
    %dma_start3A_115 = arith.constant 0 : i32
    %dma_start3A_116 = tpu.memref_slice %arg7[%rem3A_110, %dma_start3A_115] : memref<8x120xi32, #tpu.memory_space<vmem>> -> memref<1x120xi32, #tpu.memory_space<vmem>>
    %dma_start3A_117 = tpu.memref_squeeze %dma_start3A_116 : memref<1x120xi32, #tpu.memory_space<vmem>> -> memref<120xi32, #tpu.memory_space<vmem>>
    %dma_start3A_118 = arith.constant 0 : i32
    %dma_start3A_119 = arith.constant 0 : i32
    %dma_start3A_120 = tpu.memref_slice %arg2[%dma_start3A_118, %dma_start3A_119] : memref<10112x128xf32, #tpu.memory_space<hbm>> -> memref<10112x128xf32, #tpu.memory_space<hbm>>
    %dma_start3A_121 = arith.constant -1 : i32
    %dma_start3A_122 = tpu.memref_slice %arg12[%rem3A_107] : memref<3x!tpu.dma_semaphore, #tpu.memory_space<semaphore_mem>> -> memref<1x!tpu.dma_semaphore, #tpu.memory_space<semaphore_mem>>
    %dma_start3A_123 = tpu.memref_squeeze %dma_start3A_122 : memref<1x!tpu.dma_semaphore, #tpu.memory_space<semaphore_mem>> -> memref<!tpu.dma_semaphore, #tpu.memory_space<semaphore_mem>>
    tpu.enqueue_indirect_dma source(%dma_start3A_120 : memref<10112x128xf32, #tpu.memory_space<hbm>>) target(%dma_start3A_114 : memref<120x128xf32, #tpu.memory_space<vmem>>) offsets(%dma_start3A_117 : memref<120xi32, #tpu.memory_space<vmem>>) offset_filter(%dma_start3A_121) semaphore(%dma_start3A_123 : memref<!tpu.dma_semaphore, #tpu.memory_space<semaphore_mem>>)
    %scan3A = arith.constant 0 : i32
    %scan3A_124 = arith.constant 0 : i32
    %scan3A_125 = arith.constant 84 : i32
    %scan3A_126 = arith.addi %scan3A_124, %scan3A_125 : i32
    %scan3A_127 = arith.constant 1 : i32
    scf.for %scan3A_170 = %scan3A_124 to %scan3A_126 step %scan3A_127  : i32 {
      %ge3A = arith.constant 2 : i32
      %ge3A_171 = arith.cmpi sge, %scan3A_170, %ge3A : i32
      %convert_element_type3A = arith.extui %ge3A_171 : i1 to i32
      %cond3A = arith.constant 0 : i32
      %cond3A_172 = arith.cmpi ne, %convert_element_type3A, %cond3A : i32
      scf.if %cond3A_172 {
        %sub3A = arith.constant 2 : i32
        %sub3A_221 = arith.subi %scan3A_170, %sub3A : i32
        %rem3A_222 = arith.constant 3 : i32
        %rem3A_223 = arith.remsi %sub3A_221, %rem3A_222 : i32
        %rem3A_224 = arith.constant 4 : i32
        %rem3A_225 = arith.remsi %sub3A_221, %rem3A_224 : i32
        %add3A_226 = arith.constant 4 : i32
        %add3A_227 = arith.addi %add3A_226, %rem3A_225 : i32
        %dma_wait3A_228 = arith.constant 0 : i32
        %dma_wait3A_229 = arith.constant 0 : i32
        %dma_wait3A_230 = tpu.memref_slice %arg8[%rem3A_223, %dma_wait3A_228, %dma_wait3A_229] : memref<3x120x128xf32, #tpu.memory_space<vmem>> -> memref<1x120x128xf32, #tpu.memory_space<vmem>>
        %dma_wait3A_231 = tpu.memref_squeeze %dma_wait3A_230 : memref<1x120x128xf32, #tpu.memory_space<vmem>> -> memref<120x128xf32, #tpu.memory_space<vmem>>
        %dma_wait3A_232 = arith.constant 0 : i32
        %dma_wait3A_233 = tpu.memref_slice %arg7[%add3A_227, %dma_wait3A_232] : memref<8x120xi32, #tpu.memory_space<vmem>> -> memref<1x120xi32, #tpu.memory_space<vmem>>
        %dma_wait3A_234 = tpu.memref_squeeze %dma_wait3A_233 : memref<1x120xi32, #tpu.memory_space<vmem>> -> memref<120xi32, #tpu.memory_space<vmem>>
        %dma_wait3A_235 = arith.constant 0 : i32
        %dma_wait3A_236 = arith.constant 0 : i32
        %dma_wait3A_237 = tpu.memref_slice %arg9[%dma_wait3A_235, %dma_wait3A_236] : memref<10112x128xf32, #tpu.memory_space<vmem_shared>> -> memref<10112x128xf32, #tpu.memory_space<vmem_shared>>
        %dma_wait3A_238 = tpu.memref_slice %arg13[%rem3A_223] : memref<3x!tpu.dma_semaphore, #tpu.memory_space<semaphore_mem>> -> memref<1x!tpu.dma_semaphore, #tpu.memory_space<semaphore_mem>>
        %dma_wait3A_239 = tpu.memref_squeeze %dma_wait3A_238 : memref<1x!tpu.dma_semaphore, #tpu.memory_space<semaphore_mem>> -> memref<!tpu.dma_semaphore, #tpu.memory_space<semaphore_mem>>
        tpu.wait_indirect_dma semaphore(%dma_wait3A_239 : memref<!tpu.dma_semaphore, #tpu.memory_space<semaphore_mem>>) src(%dma_wait3A_231 : memref<120x128xf32, #tpu.memory_space<vmem>>) dst(%dma_wait3A_237 : memref<10112x128xf32, #tpu.memory_space<vmem_shared>>)
      } else {
      }
      %add3A_173 = arith.constant 2 : i32
      %add3A_174 = arith.addi %scan3A_170, %add3A_173 : i32
      %lt3A = arith.constant 84 : i32
      %lt3A_175 = arith.cmpi slt, %add3A_174, %lt3A : i32
      %convert_element_type3A_176 = arith.extui %lt3A_175 : i1 to i32
      %cond3A_177 = arith.constant 0 : i32
      %cond3A_178 = arith.cmpi ne, %convert_element_type3A_176, %cond3A_177 : i32
      scf.if %cond3A_178 {
        %add3A_221 = arith.constant 2 : i32
        %add3A_222 = arith.addi %scan3A_170, %add3A_221 : i32
        %rem3A_223 = arith.constant 4 : i32
        %rem3A_224 = arith.remsi %add3A_222, %rem3A_223 : i32
        %dma_start3A_225 = arith.constant 0 : i32
        %dma_start3A_226 = tpu.memref_slice %arg7[%rem3A_224, %dma_start3A_225] : memref<8x120xi32, #tpu.memory_space<vmem>> -> memref<1x120xi32, #tpu.memory_space<vmem>>
        %dma_start3A_227 = tpu.memref_squeeze %dma_start3A_226 : memref<1x120xi32, #tpu.memory_space<vmem>> -> memref<120xi32, #tpu.memory_space<vmem>>
        %dma_start3A_228 = arith.constant 0 : i32
        %dma_start3A_229 = tpu.memref_slice %arg3[%add3A, %add3A_222, %dma_start3A_228] : memref<32x84x120xi32, #tpu.memory_space<hbm>> -> memref<1x1x120xi32, #tpu.memory_space<hbm>>
        %dma_start3A_230 = tpu.memref_squeeze %dma_start3A_229 : memref<1x1x120xi32, #tpu.memory_space<hbm>> -> memref<120xi32, #tpu.memory_space<hbm>>
        %dma_start3A_231 = tpu.memref_slice %arg10[%rem3A_224] : memref<4x!tpu.dma_semaphore, #tpu.memory_space<semaphore_mem>> -> memref<1x!tpu.dma_semaphore, #tpu.memory_space<semaphore_mem>>
        %dma_start3A_232 = tpu.memref_squeeze %dma_start3A_231 : memref<1x!tpu.dma_semaphore, #tpu.memory_space<semaphore_mem>> -> memref<!tpu.dma_semaphore, #tpu.memory_space<semaphore_mem>>
        %dma_start3A_233 = arith.constant 0 : i32
        %dma_start3A_234 = tpu.memref_slice %arg7[%rem3A_224, %dma_start3A_233] : memref<8x120xi32, #tpu.memory_space<vmem>> -> memref<1x120xi32, #tpu.memory_space<vmem>>
        %dma_start3A_235 = tpu.memref_squeeze %dma_start3A_234 : memref<1x120xi32, #tpu.memory_space<vmem>> -> memref<120xi32, #tpu.memory_space<vmem>>
        %dma_start3A_236 = arith.constant 0 : i32
        %dma_start3A_237 = tpu.memref_slice %arg3[%add3A, %add3A_222, %dma_start3A_236] : memref<32x84x120xi32, #tpu.memory_space<hbm>> -> memref<1x1x120xi32, #tpu.memory_space<hbm>>
        %dma_start3A_238 = tpu.memref_squeeze %dma_start3A_237 : memref<1x1x120xi32, #tpu.memory_space<hbm>> -> memref<120xi32, #tpu.memory_space<hbm>>
        tpu.enqueue_dma source(%dma_start3A_238 : memref<120xi32, #tpu.memory_space<hbm>>) target(%dma_start3A_235 : memref<120xi32, #tpu.memory_space<vmem>>) target_semaphore(%dma_start3A_232 : memref<!tpu.dma_semaphore, #tpu.memory_space<semaphore_mem>>)
        %add3A_239 = arith.constant 4 : i32
        %add3A_240 = arith.addi %add3A_239, %rem3A_224 : i32
        %dma_start3A_241 = arith.constant 0 : i32
        %dma_start3A_242 = tpu.memref_slice %arg7[%add3A_240, %dma_start3A_241] : memref<8x120xi32, #tpu.memory_space<vmem>> -> memref<1x120xi32, #tpu.memory_space<vmem>>
        %dma_start3A_243 = tpu.memref_squeeze %dma_start3A_242 : memref<1x120xi32, #tpu.memory_space<vmem>> -> memref<120xi32, #tpu.memory_space<vmem>>
        %dma_start3A_244 = arith.constant 0 : i32
        %dma_start3A_245 = tpu.memref_slice %arg4[%add3A, %add3A_222, %dma_start3A_244] : memref<32x84x120xi32, #tpu.memory_space<hbm>> -> memref<1x1x120xi32, #tpu.memory_space<hbm>>
        %dma_start3A_246 = tpu.memref_squeeze %dma_start3A_245 : memref<1x1x120xi32, #tpu.memory_space<hbm>> -> memref<120xi32, #tpu.memory_space<hbm>>
        %dma_start3A_247 = tpu.memref_slice %arg11[%rem3A_224] : memref<4x!tpu.dma_semaphore, #tpu.memory_space<semaphore_mem>> -> memref<1x!tpu.dma_semaphore, #tpu.memory_space<semaphore_mem>>
        %dma_start3A_248 = tpu.memref_squeeze %dma_start3A_247 : memref<1x!tpu.dma_semaphore, #tpu.memory_space<semaphore_mem>> -> memref<!tpu.dma_semaphore, #tpu.memory_space<semaphore_mem>>
        %dma_start3A_249 = arith.constant 0 : i32
        %dma_start3A_250 = tpu.memref_slice %arg7[%add3A_240, %dma_start3A_249] : memref<8x120xi32, #tpu.memory_space<vmem>> -> memref<1x120xi32, #tpu.memory_space<vmem>>
        %dma_start3A_251 = tpu.memref_squeeze %dma_start3A_250 : memref<1x120xi32, #tpu.memory_space<vmem>> -> memref<120xi32, #tpu.memory_space<vmem>>
        %dma_start3A_252 = arith.constant 0 : i32
        %dma_start3A_253 = tpu.memref_slice %arg4[%add3A, %add3A_222, %dma_start3A_252] : memref<32x84x120xi32, #tpu.memory_space<hbm>> -> memref<1x1x120xi32, #tpu.memory_space<hbm>>
        %dma_start3A_254 = tpu.memref_squeeze %dma_start3A_253 : memref<1x1x120xi32, #tpu.memory_space<hbm>> -> memref<120xi32, #tpu.memory_space<hbm>>
        tpu.enqueue_dma source(%dma_start3A_254 : memref<120xi32, #tpu.memory_space<hbm>>) target(%dma_start3A_251 : memref<120xi32, #tpu.memory_space<vmem>>) target_semaphore(%dma_start3A_248 : memref<!tpu.dma_semaphore, #tpu.memory_space<semaphore_mem>>)
      } else {
      }
      %add3A_179 = arith.constant 1 : i32
      %add3A_180 = arith.addi %scan3A_170, %add3A_179 : i32
      %lt3A_181 = arith.constant 84 : i32
      %lt3A_182 = arith.cmpi slt, %add3A_180, %lt3A_181 : i32
      %convert_element_type3A_183 = arith.extui %lt3A_182 : i1 to i32
      %cond3A_184 = arith.constant 0 : i32
      %cond3A_185 = arith.cmpi ne, %convert_element_type3A_183, %cond3A_184 : i32
      scf.if %cond3A_185 {
        %add3A_221 = arith.constant 1 : i32
        %add3A_222 = arith.addi %scan3A_170, %add3A_221 : i32
        %rem3A_223 = arith.constant 4 : i32
        %rem3A_224 = arith.remsi %add3A_222, %rem3A_223 : i32
        %dma_wait3A_225 = arith.constant 0 : i32
        %dma_wait3A_226 = tpu.memref_slice %arg7[%rem3A_224, %dma_wait3A_225] : memref<8x120xi32, #tpu.memory_space<vmem>> -> memref<1x120xi32, #tpu.memory_space<vmem>>
        %dma_wait3A_227 = tpu.memref_squeeze %dma_wait3A_226 : memref<1x120xi32, #tpu.memory_space<vmem>> -> memref<120xi32, #tpu.memory_space<vmem>>
        %dma_wait3A_228 = arith.constant 0 : i32
        %dma_wait3A_229 = tpu.memref_slice %arg3[%add3A, %add3A_222, %dma_wait3A_228] : memref<32x84x120xi32, #tpu.memory_space<hbm>> -> memref<1x1x120xi32, #tpu.memory_space<hbm>>
        %dma_wait3A_230 = tpu.memref_squeeze %dma_wait3A_229 : memref<1x1x120xi32, #tpu.memory_space<hbm>> -> memref<120xi32, #tpu.memory_space<hbm>>
        %dma_wait3A_231 = tpu.memref_slice %arg10[%rem3A_224] : memref<4x!tpu.dma_semaphore, #tpu.memory_space<semaphore_mem>> -> memref<1x!tpu.dma_semaphore, #tpu.memory_space<semaphore_mem>>
        %dma_wait3A_232 = tpu.memref_squeeze %dma_wait3A_231 : memref<1x!tpu.dma_semaphore, #tpu.memory_space<semaphore_mem>> -> memref<!tpu.dma_semaphore, #tpu.memory_space<semaphore_mem>>
        %dma_wait3A_233 = arith.constant 0 : i32
        %dma_wait3A_234 = tpu.memref_slice %arg7[%rem3A_224, %dma_wait3A_233] : memref<8x120xi32, #tpu.memory_space<vmem>> -> memref<1x120xi32, #tpu.memory_space<vmem>>
        %dma_wait3A_235 = tpu.memref_squeeze %dma_wait3A_234 : memref<1x120xi32, #tpu.memory_space<vmem>> -> memref<120xi32, #tpu.memory_space<vmem>>
        %dma_wait3A_236 = arith.constant 0 : i32
        %dma_wait3A_237 = tpu.memref_slice %arg3[%add3A, %add3A_222, %dma_wait3A_236] : memref<32x84x120xi32, #tpu.memory_space<hbm>> -> memref<1x1x120xi32, #tpu.memory_space<hbm>>
        %dma_wait3A_238 = tpu.memref_squeeze %dma_wait3A_237 : memref<1x1x120xi32, #tpu.memory_space<hbm>> -> memref<120xi32, #tpu.memory_space<hbm>>
        tpu.wait_dma2 semaphore(%dma_wait3A_232 : memref<!tpu.dma_semaphore, #tpu.memory_space<semaphore_mem>>) src(%dma_wait3A_238 : memref<120xi32, #tpu.memory_space<hbm>>) dst(%dma_wait3A_235 : memref<120xi32, #tpu.memory_space<vmem>>)
        %add3A_239 = arith.constant 4 : i32
        %add3A_240 = arith.addi %add3A_239, %rem3A_224 : i32
        %dma_wait3A_241 = arith.constant 0 : i32
        %dma_wait3A_242 = tpu.memref_slice %arg7[%add3A_240, %dma_wait3A_241] : memref<8x120xi32, #tpu.memory_space<vmem>> -> memref<1x120xi32, #tpu.memory_space<vmem>>
        %dma_wait3A_243 = tpu.memref_squeeze %dma_wait3A_242 : memref<1x120xi32, #tpu.memory_space<vmem>> -> memref<120xi32, #tpu.memory_space<vmem>>
        %dma_wait3A_244 = arith.constant 0 : i32
        %dma_wait3A_245 = tpu.memref_slice %arg4[%add3A, %add3A_222, %dma_wait3A_244] : memref<32x84x120xi32, #tpu.memory_space<hbm>> -> memref<1x1x120xi32, #tpu.memory_space<hbm>>
        %dma_wait3A_246 = tpu.memref_squeeze %dma_wait3A_245 : memref<1x1x120xi32, #tpu.memory_space<hbm>> -> memref<120xi32, #tpu.memory_space<hbm>>
        %dma_wait3A_247 = tpu.memref_slice %arg11[%rem3A_224] : memref<4x!tpu.dma_semaphore, #tpu.memory_space<semaphore_mem>> -> memref<1x!tpu.dma_semaphore, #tpu.memory_space<semaphore_mem>>
        %dma_wait3A_248 = tpu.memref_squeeze %dma_wait3A_247 : memref<1x!tpu.dma_semaphore, #tpu.memory_space<semaphore_mem>> -> memref<!tpu.dma_semaphore, #tpu.memory_space<semaphore_mem>>
        %dma_wait3A_249 = arith.constant 0 : i32
        %dma_wait3A_250 = tpu.memref_slice %arg7[%add3A_240, %dma_wait3A_249] : memref<8x120xi32, #tpu.memory_space<vmem>> -> memref<1x120xi32, #tpu.memory_space<vmem>>
        %dma_wait3A_251 = tpu.memref_squeeze %dma_wait3A_250 : memref<1x120xi32, #tpu.memory_space<vmem>> -> memref<120xi32, #tpu.memory_space<vmem>>
        %dma_wait3A_252 = arith.constant 0 : i32
        %dma_wait3A_253 = tpu.memref_slice %arg4[%add3A, %add3A_222, %dma_wait3A_252] : memref<32x84x120xi32, #tpu.memory_space<hbm>> -> memref<1x1x120xi32, #tpu.memory_space<hbm>>
        %dma_wait3A_254 = tpu.memref_squeeze %dma_wait3A_253 : memref<1x1x120xi32, #tpu.memory_space<hbm>> -> memref<120xi32, #tpu.memory_space<hbm>>
        tpu.wait_dma2 semaphore(%dma_wait3A_248 : memref<!tpu.dma_semaphore, #tpu.memory_space<semaphore_mem>>) src(%dma_wait3A_254 : memref<120xi32, #tpu.memory_space<hbm>>) dst(%dma_wait3A_251 : memref<120xi32, #tpu.memory_space<vmem>>)
        %add3A_255 = arith.constant 1 : i32
        %add3A_256 = arith.addi %scan3A_170, %add3A_255 : i32
        %rem3A_257 = arith.constant 3 : i32
        %rem3A_258 = arith.remsi %add3A_256, %rem3A_257 : i32
        %rem3A_259 = arith.constant 4 : i32
        %rem3A_260 = arith.remsi %add3A_256, %rem3A_259 : i32
        %dma_start3A_261 = arith.constant 0 : i32
        %dma_start3A_262 = arith.constant 0 : i32
        %dma_start3A_263 = tpu.memref_slice %arg8[%rem3A_258, %dma_start3A_261, %dma_start3A_262] : memref<3x120x128xf32, #tpu.memory_space<vmem>> -> memref<1x120x128xf32, #tpu.memory_space<vmem>>
        %dma_start3A_264 = tpu.memref_squeeze %dma_start3A_263 : memref<1x120x128xf32, #tpu.memory_space<vmem>> -> memref<120x128xf32, #tpu.memory_space<vmem>>
        %dma_start3A_265 = arith.constant 0 : i32
        %dma_start3A_266 = tpu.memref_slice %arg7[%rem3A_260, %dma_start3A_265] : memref<8x120xi32, #tpu.memory_space<vmem>> -> memref<1x120xi32, #tpu.memory_space<vmem>>
        %dma_start3A_267 = tpu.memref_squeeze %dma_start3A_266 : memref<1x120xi32, #tpu.memory_space<vmem>> -> memref<120xi32, #tpu.memory_space<vmem>>
        %dma_start3A_268 = arith.constant 0 : i32
        %dma_start3A_269 = arith.constant 0 : i32
        %dma_start3A_270 = tpu.memref_slice %arg2[%dma_start3A_268, %dma_start3A_269] : memref<10112x128xf32, #tpu.memory_space<hbm>> -> memref<10112x128xf32, #tpu.memory_space<hbm>>
        %dma_start3A_271 = arith.constant -1 : i32
        %dma_start3A_272 = tpu.memref_slice %arg12[%rem3A_258] : memref<3x!tpu.dma_semaphore, #tpu.memory_space<semaphore_mem>> -> memref<1x!tpu.dma_semaphore, #tpu.memory_space<semaphore_mem>>
        %dma_start3A_273 = tpu.memref_squeeze %dma_start3A_272 : memref<1x!tpu.dma_semaphore, #tpu.memory_space<semaphore_mem>> -> memref<!tpu.dma_semaphore, #tpu.memory_space<semaphore_mem>>
        tpu.enqueue_indirect_dma source(%dma_start3A_270 : memref<10112x128xf32, #tpu.memory_space<hbm>>) target(%dma_start3A_264 : memref<120x128xf32, #tpu.memory_space<vmem>>) offsets(%dma_start3A_267 : memref<120xi32, #tpu.memory_space<vmem>>) offset_filter(%dma_start3A_271) semaphore(%dma_start3A_273 : memref<!tpu.dma_semaphore, #tpu.memory_space<semaphore_mem>>)
      } else {
      }
      %rem3A_186 = arith.constant 3 : i32
      %rem3A_187 = arith.remsi %scan3A_170, %rem3A_186 : i32
      %rem3A_188 = arith.constant 4 : i32
      %rem3A_189 = arith.remsi %scan3A_170, %rem3A_188 : i32
      %dma_wait3A_190 = arith.constant 0 : i32
      %dma_wait3A_191 = arith.constant 0 : i32
      %dma_wait3A_192 = tpu.memref_slice %arg8[%rem3A_187, %dma_wait3A_190, %dma_wait3A_191] : memref<3x120x128xf32, #tpu.memory_space<vmem>> -> memref<1x120x128xf32, #tpu.memory_space<vmem>>
      %dma_wait3A_193 = tpu.memref_squeeze %dma_wait3A_192 : memref<1x120x128xf32, #tpu.memory_space<vmem>> -> memref<120x128xf32, #tpu.memory_space<vmem>>
      %dma_wait3A_194 = arith.constant 0 : i32
      %dma_wait3A_195 = tpu.memref_slice %arg7[%rem3A_189, %dma_wait3A_194] : memref<8x120xi32, #tpu.memory_space<vmem>> -> memref<1x120xi32, #tpu.memory_space<vmem>>
      %dma_wait3A_196 = tpu.memref_squeeze %dma_wait3A_195 : memref<1x120xi32, #tpu.memory_space<vmem>> -> memref<120xi32, #tpu.memory_space<vmem>>
      %dma_wait3A_197 = arith.constant 0 : i32
      %dma_wait3A_198 = arith.constant 0 : i32
      %dma_wait3A_199 = tpu.memref_slice %arg2[%dma_wait3A_197, %dma_wait3A_198] : memref<10112x128xf32, #tpu.memory_space<hbm>> -> memref<10112x128xf32, #tpu.memory_space<hbm>>
      %dma_wait3A_200 = tpu.memref_slice %arg12[%rem3A_187] : memref<3x!tpu.dma_semaphore, #tpu.memory_space<semaphore_mem>> -> memref<1x!tpu.dma_semaphore, #tpu.memory_space<semaphore_mem>>
      %dma_wait3A_201 = tpu.memref_squeeze %dma_wait3A_200 : memref<1x!tpu.dma_semaphore, #tpu.memory_space<semaphore_mem>> -> memref<!tpu.dma_semaphore, #tpu.memory_space<semaphore_mem>>
      tpu.wait_indirect_dma semaphore(%dma_wait3A_201 : memref<!tpu.dma_semaphore, #tpu.memory_space<semaphore_mem>>) src(%dma_wait3A_199 : memref<10112x128xf32, #tpu.memory_space<hbm>>) dst(%dma_wait3A_193 : memref<120x128xf32, #tpu.memory_space<vmem>>)
      %rem3A_202 = arith.constant 3 : i32
      %rem3A_203 = arith.remsi %scan3A_170, %rem3A_202 : i32
      %rem3A_204 = arith.constant 4 : i32
      %rem3A_205 = arith.remsi %scan3A_170, %rem3A_204 : i32
      %add3A_206 = arith.constant 4 : i32
      %add3A_207 = arith.addi %add3A_206, %rem3A_205 : i32
      %dma_start3A_208 = arith.constant 0 : i32
      %dma_start3A_209 = arith.constant 0 : i32
      %dma_start3A_210 = tpu.memref_slice %arg8[%rem3A_203, %dma_start3A_208, %dma_start3A_209] : memref<3x120x128xf32, #tpu.memory_space<vmem>> -> memref<1x120x128xf32, #tpu.memory_space<vmem>>
      %dma_start3A_211 = tpu.memref_squeeze %dma_start3A_210 : memref<1x120x128xf32, #tpu.memory_space<vmem>> -> memref<120x128xf32, #tpu.memory_space<vmem>>
      %dma_start3A_212 = arith.constant 0 : i32
      %dma_start3A_213 = tpu.memref_slice %arg7[%add3A_207, %dma_start3A_212] : memref<8x120xi32, #tpu.memory_space<vmem>> -> memref<1x120xi32, #tpu.memory_space<vmem>>
      %dma_start3A_214 = tpu.memref_squeeze %dma_start3A_213 : memref<1x120xi32, #tpu.memory_space<vmem>> -> memref<120xi32, #tpu.memory_space<vmem>>
      %dma_start3A_215 = arith.constant 0 : i32
      %dma_start3A_216 = arith.constant 0 : i32
      %dma_start3A_217 = tpu.memref_slice %arg9[%dma_start3A_215, %dma_start3A_216] : memref<10112x128xf32, #tpu.memory_space<vmem_shared>> -> memref<10112x128xf32, #tpu.memory_space<vmem_shared>>
      %dma_start3A_218 = arith.constant -1 : i32
      %dma_start3A_219 = tpu.memref_slice %arg13[%rem3A_203] : memref<3x!tpu.dma_semaphore, #tpu.memory_space<semaphore_mem>> -> memref<1x!tpu.dma_semaphore, #tpu.memory_space<semaphore_mem>>
      %dma_start3A_220 = tpu.memref_squeeze %dma_start3A_219 : memref<1x!tpu.dma_semaphore, #tpu.memory_space<semaphore_mem>> -> memref<!tpu.dma_semaphore, #tpu.memory_space<semaphore_mem>>
      tpu.enqueue_indirect_dma source(%dma_start3A_211 : memref<120x128xf32, #tpu.memory_space<vmem>>) target(%dma_start3A_217 : memref<10112x128xf32, #tpu.memory_space<vmem_shared>>) offsets(%dma_start3A_214 : memref<120xi32, #tpu.memory_space<vmem>>) offset_filter(%dma_start3A_218) semaphore(%dma_start3A_220 : memref<!tpu.dma_semaphore, #tpu.memory_space<semaphore_mem>>) {add = true}
    }
    %scan3A_128 = arith.constant 84 : i32
    %rem3A_129 = arith.constant 82 : i32
    %rem3A_130 = arith.constant 3 : i32
    %rem3A_131 = arith.remsi %rem3A_129, %rem3A_130 : i32
    %rem3A_132 = arith.constant 82 : i32
    %rem3A_133 = arith.constant 4 : i32
    %rem3A_134 = arith.remsi %rem3A_132, %rem3A_133 : i32
    %add3A_135 = arith.constant 4 : i32
    %add3A_136 = arith.addi %add3A_135, %rem3A_134 : i32
    %dma_wait3A_137 = arith.constant 0 : i32
    %dma_wait3A_138 = arith.constant 0 : i32
    %dma_wait3A_139 = tpu.memref_slice %arg8[%rem3A_131, %dma_wait3A_137, %dma_wait3A_138] : memref<3x120x128xf32, #tpu.memory_space<vmem>> -> memref<1x120x128xf32, #tpu.memory_space<vmem>>
    %dma_wait3A_140 = tpu.memref_squeeze %dma_wait3A_139 : memref<1x120x128xf32, #tpu.memory_space<vmem>> -> memref<120x128xf32, #tpu.memory_space<vmem>>
    %dma_wait3A_141 = arith.constant 0 : i32
    %dma_wait3A_142 = tpu.memref_slice %arg7[%add3A_136, %dma_wait3A_141] : memref<8x120xi32, #tpu.memory_space<vmem>> -> memref<1x120xi32, #tpu.memory_space<vmem>>
    %dma_wait3A_143 = tpu.memref_squeeze %dma_wait3A_142 : memref<1x120xi32, #tpu.memory_space<vmem>> -> memref<120xi32, #tpu.memory_space<vmem>>
    %dma_wait3A_144 = arith.constant 0 : i32
    %dma_wait3A_145 = arith.constant 0 : i32
    %dma_wait3A_146 = tpu.memref_slice %arg9[%dma_wait3A_144, %dma_wait3A_145] : memref<10112x128xf32, #tpu.memory_space<vmem_shared>> -> memref<10112x128xf32, #tpu.memory_space<vmem_shared>>
    %dma_wait3A_147 = tpu.memref_slice %arg13[%rem3A_131] : memref<3x!tpu.dma_semaphore, #tpu.memory_space<semaphore_mem>> -> memref<1x!tpu.dma_semaphore, #tpu.memory_space<semaphore_mem>>
    %dma_wait3A_148 = tpu.memref_squeeze %dma_wait3A_147 : memref<1x!tpu.dma_semaphore, #tpu.memory_space<semaphore_mem>> -> memref<!tpu.dma_semaphore, #tpu.memory_space<semaphore_mem>>
    tpu.wait_indirect_dma semaphore(%dma_wait3A_148 : memref<!tpu.dma_semaphore, #tpu.memory_space<semaphore_mem>>) src(%dma_wait3A_140 : memref<120x128xf32, #tpu.memory_space<vmem>>) dst(%dma_wait3A_146 : memref<10112x128xf32, #tpu.memory_space<vmem_shared>>)
    %rem3A_149 = arith.constant 83 : i32
    %rem3A_150 = arith.constant 3 : i32
    %rem3A_151 = arith.remsi %rem3A_149, %rem3A_150 : i32
    %rem3A_152 = arith.constant 83 : i32
    %rem3A_153 = arith.constant 4 : i32
    %rem3A_154 = arith.remsi %rem3A_152, %rem3A_153 : i32
    %add3A_155 = arith.constant 4 : i32
    %add3A_156 = arith.addi %add3A_155, %rem3A_154 : i32
    %dma_wait3A_157 = arith.constant 0 : i32
    %dma_wait3A_158 = arith.constant 0 : i32
    %dma_wait3A_159 = tpu.memref_slice %arg8[%rem3A_151, %dma_wait3A_157, %dma_wait3A_158] : memref<3x120x128xf32, #tpu.memory_space<vmem>> -> memref<1x120x128xf32, #tpu.memory_space<vmem>>
    %dma_wait3A_160 = tpu.memref_squeeze %dma_wait3A_159 : memref<1x120x128xf32, #tpu.memory_space<vmem>> -> memref<120x128xf32, #tpu.memory_space<vmem>>
    %dma_wait3A_161 = arith.constant 0 : i32
    %dma_wait3A_162 = tpu.memref_slice %arg7[%add3A_156, %dma_wait3A_161] : memref<8x120xi32, #tpu.memory_space<vmem>> -> memref<1x120xi32, #tpu.memory_space<vmem>>
    %dma_wait3A_163 = tpu.memref_squeeze %dma_wait3A_162 : memref<1x120xi32, #tpu.memory_space<vmem>> -> memref<120xi32, #tpu.memory_space<vmem>>
    %dma_wait3A_164 = arith.constant 0 : i32
    %dma_wait3A_165 = arith.constant 0 : i32
    %dma_wait3A_166 = tpu.memref_slice %arg9[%dma_wait3A_164, %dma_wait3A_165] : memref<10112x128xf32, #tpu.memory_space<vmem_shared>> -> memref<10112x128xf32, #tpu.memory_space<vmem_shared>>
    %dma_wait3A_167 = tpu.memref_slice %arg13[%rem3A_151] : memref<3x!tpu.dma_semaphore, #tpu.memory_space<semaphore_mem>> -> memref<1x!tpu.dma_semaphore, #tpu.memory_space<semaphore_mem>>
    %dma_wait3A_168 = tpu.memref_squeeze %dma_wait3A_167 : memref<1x!tpu.dma_semaphore, #tpu.memory_space<semaphore_mem>> -> memref<!tpu.dma_semaphore, #tpu.memory_space<semaphore_mem>>
    tpu.wait_indirect_dma semaphore(%dma_wait3A_168 : memref<!tpu.dma_semaphore, #tpu.memory_space<semaphore_mem>>) src(%dma_wait3A_160 : memref<120x128xf32, #tpu.memory_space<vmem>>) dst(%dma_wait3A_166 : memref<10112x128xf32, #tpu.memory_space<vmem_shared>>)
    %barrier3A_169 = arith.constant 0 : index
    tpu.barrier barrier_id(%barrier3A_169)
    "tpu.region"() ({
      %run_scoped3A = tpu.sem_alloc : memref<!tpu.dma_semaphore, #tpu.memory_space<semaphore_mem>>
      %dma_start3A_170 = arith.constant 0 : i32
      %dma_start3A_171 = tpu.memref_slice %arg6[%arg0, %mul3A_2, %dma_start3A_170] : memref<2x10112x128xf32, #tpu.memory_space<hbm>> -> memref<1x632x128xf32, #tpu.memory_space<hbm>>
      %dma_start3A_172 = tpu.memref_squeeze %dma_start3A_171 : memref<1x632x128xf32, #tpu.memory_space<hbm>> -> memref<632x128xf32, #tpu.memory_space<hbm>>
      %dma_start3A_173 = arith.constant 0 : i32
      %dma_start3A_174 = tpu.memref_slice %arg9[%mul3A_2, %dma_start3A_173] : memref<10112x128xf32, #tpu.memory_space<vmem_shared>> -> memref<632x128xf32, #tpu.memory_space<vmem_shared>>
      tpu.enqueue_dma source(%dma_start3A_174 : memref<632x128xf32, #tpu.memory_space<vmem_shared>>) target(%dma_start3A_172 : memref<632x128xf32, #tpu.memory_space<hbm>>) target_semaphore(%run_scoped3A : memref<!tpu.dma_semaphore, #tpu.memory_space<semaphore_mem>>)
      %dma_wait3A_175 = arith.constant 0 : i32
      %dma_wait3A_176 = tpu.memref_slice %arg6[%arg0, %mul3A_2, %dma_wait3A_175] : memref<2x10112x128xf32, #tpu.memory_space<hbm>> -> memref<1x632x128xf32, #tpu.memory_space<hbm>>
      %dma_wait3A_177 = tpu.memref_squeeze %dma_wait3A_176 : memref<1x632x128xf32, #tpu.memory_space<hbm>> -> memref<632x128xf32, #tpu.memory_space<hbm>>
      %dma_wait3A_178 = arith.constant 0 : i32
      %dma_wait3A_179 = tpu.memref_slice %arg9[%mul3A_2, %dma_wait3A_178] : memref<10112x128xf32, #tpu.memory_space<vmem_shared>> -> memref<632x128xf32, #tpu.memory_space<vmem_shared>>
      tpu.wait_dma2 semaphore(%run_scoped3A : memref<!tpu.dma_semaphore, #tpu.memory_space<semaphore_mem>>) src(%dma_wait3A_179 : memref<632x128xf32, #tpu.memory_space<vmem_shared>>) dst(%dma_wait3A_177 : memref<632x128xf32, #tpu.memory_space<hbm>>)
      tpu.yield
    }) : () -> ()
    return
  }
}

#map = affine_map<(d0, d1) -> (0, 0, 0)>
#map1 = affine_map<(d0, d1) -> (0, 0)>
module attributes {stable_mosaic.version = 14 : i64} {
  func.func @_deg_body(%arg0: i32, %arg1: i32, %arg2: memref<32x84x120xi32, #tpu.memory_space<hbm>>, %arg3: memref<120x128xf32, #tpu.memory_space<hbm>>, %arg4: memref<10112x128xf32, #tpu.memory_space<hbm>>, %arg5: memref<2x10112x128xf32, #tpu.memory_space<hbm>>, %arg6: memref<84x120xi32, #tpu.memory_space<vmem>>, %arg7: memref<120x128xf32, #tpu.memory_space<vmem>>, %arg8: memref<10112x128xf32, #tpu.memory_space<vmem_shared>>, %arg9: memref<!tpu.dma_semaphore, #tpu.memory_space<semaphore_mem>>) attributes {dimension_semantics = [#tpu.dimension_semantics<core_parallel>, #tpu.dimension_semantics<subcore_parallel>], iteration_bounds = array<i64: 2, 16>, scalar_prefetch = 0 : i64, scratch_operands = 4 : i64, tpu.core_type = #tpu.core_type<sc_vector_subcore>, window_params = [{transform_indices = #map}, {transform_indices = #map1}, {transform_indices = #map1}, {transform_indices = #map}]} {
    %mul3A = arith.constant 2 : i32
    %mul3A_0 = arith.muli %arg1, %mul3A : i32
    %add3A = arith.addi %mul3A_0, %arg0 : i32
    %mul3A_1 = arith.constant 632 : i32
    %mul3A_2 = arith.muli %arg1, %mul3A_1 : i32
    "tpu.region"() ({
      %run_scoped3A = tpu.sem_alloc : memref<!tpu.dma_semaphore, #tpu.memory_space<semaphore_mem>>
      %dma_start3A = arith.constant 0 : i32
      %dma_start3A_15 = tpu.memref_slice %arg8[%mul3A_2, %dma_start3A] : memref<10112x128xf32, #tpu.memory_space<vmem_shared>> -> memref<632x128xf32, #tpu.memory_space<vmem_shared>>
      %dma_start3A_16 = arith.constant 0 : i32
      %dma_start3A_17 = tpu.memref_slice %arg4[%mul3A_2, %dma_start3A_16] : memref<10112x128xf32, #tpu.memory_space<hbm>> -> memref<632x128xf32, #tpu.memory_space<hbm>>
      tpu.enqueue_dma source(%dma_start3A_17 : memref<632x128xf32, #tpu.memory_space<hbm>>) target(%dma_start3A_15 : memref<632x128xf32, #tpu.memory_space<vmem_shared>>) target_semaphore(%run_scoped3A : memref<!tpu.dma_semaphore, #tpu.memory_space<semaphore_mem>>)
      %dma_wait3A = arith.constant 0 : i32
      %dma_wait3A_18 = tpu.memref_slice %arg8[%mul3A_2, %dma_wait3A] : memref<10112x128xf32, #tpu.memory_space<vmem_shared>> -> memref<632x128xf32, #tpu.memory_space<vmem_shared>>
      %dma_wait3A_19 = arith.constant 0 : i32
      %dma_wait3A_20 = tpu.memref_slice %arg4[%mul3A_2, %dma_wait3A_19] : memref<10112x128xf32, #tpu.memory_space<hbm>> -> memref<632x128xf32, #tpu.memory_space<hbm>>
      tpu.wait_dma2 semaphore(%run_scoped3A : memref<!tpu.dma_semaphore, #tpu.memory_space<semaphore_mem>>) src(%dma_wait3A_20 : memref<632x128xf32, #tpu.memory_space<hbm>>) dst(%dma_wait3A_18 : memref<632x128xf32, #tpu.memory_space<vmem_shared>>)
      tpu.yield
    }) : () -> ()
    "tpu.region"() ({
      %run_scoped3A = tpu.sem_alloc : memref<!tpu.dma_semaphore, #tpu.memory_space<semaphore_mem>>
      %dma_start3A = arith.constant 0 : i32
      %dma_start3A_15 = arith.constant 0 : i32
      %dma_start3A_16 = tpu.memref_slice %arg2[%add3A, %dma_start3A, %dma_start3A_15] : memref<32x84x120xi32, #tpu.memory_space<hbm>> -> memref<1x84x120xi32, #tpu.memory_space<hbm>>
      %dma_start3A_17 = tpu.memref_squeeze %dma_start3A_16 : memref<1x84x120xi32, #tpu.memory_space<hbm>> -> memref<84x120xi32, #tpu.memory_space<hbm>>
      %dma_start3A_18 = arith.constant 0 : i32
      %dma_start3A_19 = arith.constant 0 : i32
      %dma_start3A_20 = tpu.memref_slice %arg2[%add3A, %dma_start3A_18, %dma_start3A_19] : memref<32x84x120xi32, #tpu.memory_space<hbm>> -> memref<1x84x120xi32, #tpu.memory_space<hbm>>
      %dma_start3A_21 = tpu.memref_squeeze %dma_start3A_20 : memref<1x84x120xi32, #tpu.memory_space<hbm>> -> memref<84x120xi32, #tpu.memory_space<hbm>>
      tpu.enqueue_dma source(%dma_start3A_21 : memref<84x120xi32, #tpu.memory_space<hbm>>) target(%arg6 : memref<84x120xi32, #tpu.memory_space<vmem>>) target_semaphore(%run_scoped3A : memref<!tpu.dma_semaphore, #tpu.memory_space<semaphore_mem>>)
      %dma_wait3A = arith.constant 0 : i32
      %dma_wait3A_22 = arith.constant 0 : i32
      %dma_wait3A_23 = tpu.memref_slice %arg2[%add3A, %dma_wait3A, %dma_wait3A_22] : memref<32x84x120xi32, #tpu.memory_space<hbm>> -> memref<1x84x120xi32, #tpu.memory_space<hbm>>
      %dma_wait3A_24 = tpu.memref_squeeze %dma_wait3A_23 : memref<1x84x120xi32, #tpu.memory_space<hbm>> -> memref<84x120xi32, #tpu.memory_space<hbm>>
      %dma_wait3A_25 = arith.constant 0 : i32
      %dma_wait3A_26 = arith.constant 0 : i32
      %dma_wait3A_27 = tpu.memref_slice %arg2[%add3A, %dma_wait3A_25, %dma_wait3A_26] : memref<32x84x120xi32, #tpu.memory_space<hbm>> -> memref<1x84x120xi32, #tpu.memory_space<hbm>>
      %dma_wait3A_28 = tpu.memref_squeeze %dma_wait3A_27 : memref<1x84x120xi32, #tpu.memory_space<hbm>> -> memref<84x120xi32, #tpu.memory_space<hbm>>
      tpu.wait_dma2 semaphore(%run_scoped3A : memref<!tpu.dma_semaphore, #tpu.memory_space<semaphore_mem>>) src(%dma_wait3A_28 : memref<84x120xi32, #tpu.memory_space<hbm>>) dst(%arg6 : memref<84x120xi32, #tpu.memory_space<vmem>>)
      tpu.yield
    }) : () -> ()
    "tpu.region"() ({
      %run_scoped3A = tpu.sem_alloc : memref<!tpu.dma_semaphore, #tpu.memory_space<semaphore_mem>>
      tpu.enqueue_dma source(%arg3 : memref<120x128xf32, #tpu.memory_space<hbm>>) target(%arg7 : memref<120x128xf32, #tpu.memory_space<vmem>>) target_semaphore(%run_scoped3A : memref<!tpu.dma_semaphore, #tpu.memory_space<semaphore_mem>>)
      tpu.wait_dma2 semaphore(%run_scoped3A : memref<!tpu.dma_semaphore, #tpu.memory_space<semaphore_mem>>) src(%arg3 : memref<120x128xf32, #tpu.memory_space<hbm>>) dst(%arg7 : memref<120x128xf32, #tpu.memory_space<vmem>>)
      tpu.yield
    }) : () -> ()
    %barrier3A = arith.constant 0 : index
    tpu.barrier barrier_id(%barrier3A)
    %scan3A = arith.constant 0 : i32
    %scan3A_3 = arith.constant 0 : i32
    %scan3A_4 = arith.constant 84 : i32
    %scan3A_5 = arith.addi %scan3A_3, %scan3A_4 : i32
    %scan3A_6 = arith.constant 1 : i32
    scf.for %scan3A_15 = %scan3A_3 to %scan3A_5 step %scan3A_6  : i32 {
      %dma_start3A = arith.constant 0 : i32
      %dma_start3A_16 = tpu.memref_slice %arg6[%scan3A_15, %dma_start3A] : memref<84x120xi32, #tpu.memory_space<vmem>> -> memref<1x120xi32, #tpu.memory_space<vmem>>
      %dma_start3A_17 = tpu.memref_squeeze %dma_start3A_16 : memref<1x120xi32, #tpu.memory_space<vmem>> -> memref<120xi32, #tpu.memory_space<vmem>>
      %dma_start3A_18 = arith.constant 0 : i32
      %dma_start3A_19 = arith.constant 0 : i32
      %dma_start3A_20 = tpu.memref_slice %arg8[%dma_start3A_18, %dma_start3A_19] : memref<10112x128xf32, #tpu.memory_space<vmem_shared>> -> memref<10112x128xf32, #tpu.memory_space<vmem_shared>>
      %dma_start3A_21 = arith.constant -1 : i32
      tpu.enqueue_indirect_dma source(%arg7 : memref<120x128xf32, #tpu.memory_space<vmem>>) target(%dma_start3A_20 : memref<10112x128xf32, #tpu.memory_space<vmem_shared>>) offsets(%dma_start3A_17 : memref<120xi32, #tpu.memory_space<vmem>>) offset_filter(%dma_start3A_21) semaphore(%arg9 : memref<!tpu.dma_semaphore, #tpu.memory_space<semaphore_mem>>) {add = true}
    }
    %scan3A_7 = arith.constant 84 : i32
    %scan3A_8 = arith.constant 0 : i32
    %scan3A_9 = arith.constant 0 : i32
    %scan3A_10 = arith.constant 84 : i32
    %scan3A_11 = arith.addi %scan3A_9, %scan3A_10 : i32
    %scan3A_12 = arith.constant 1 : i32
    scf.for %scan3A_15 = %scan3A_9 to %scan3A_11 step %scan3A_12  : i32 {
      %dma_wait3A = arith.constant 0 : i32
      %dma_wait3A_16 = tpu.memref_slice %arg6[%scan3A_15, %dma_wait3A] : memref<84x120xi32, #tpu.memory_space<vmem>> -> memref<1x120xi32, #tpu.memory_space<vmem>>
      %dma_wait3A_17 = tpu.memref_squeeze %dma_wait3A_16 : memref<1x120xi32, #tpu.memory_space<vmem>> -> memref<120xi32, #tpu.memory_space<vmem>>
      %dma_wait3A_18 = arith.constant 0 : i32
      %dma_wait3A_19 = arith.constant 0 : i32
      %dma_wait3A_20 = tpu.memref_slice %arg8[%dma_wait3A_18, %dma_wait3A_19] : memref<10112x128xf32, #tpu.memory_space<vmem_shared>> -> memref<10112x128xf32, #tpu.memory_space<vmem_shared>>
      tpu.wait_indirect_dma semaphore(%arg9 : memref<!tpu.dma_semaphore, #tpu.memory_space<semaphore_mem>>) src(%arg7 : memref<120x128xf32, #tpu.memory_space<vmem>>) dst(%dma_wait3A_20 : memref<10112x128xf32, #tpu.memory_space<vmem_shared>>)
    }
    %scan3A_13 = arith.constant 84 : i32
    %barrier3A_14 = arith.constant 0 : index
    tpu.barrier barrier_id(%barrier3A_14)
    "tpu.region"() ({
      %run_scoped3A = tpu.sem_alloc : memref<!tpu.dma_semaphore, #tpu.memory_space<semaphore_mem>>
      %dma_start3A = arith.constant 0 : i32
      %dma_start3A_15 = tpu.memref_slice %arg5[%arg0, %mul3A_2, %dma_start3A] : memref<2x10112x128xf32, #tpu.memory_space<hbm>> -> memref<1x632x128xf32, #tpu.memory_space<hbm>>
      %dma_start3A_16 = tpu.memref_squeeze %dma_start3A_15 : memref<1x632x128xf32, #tpu.memory_space<hbm>> -> memref<632x128xf32, #tpu.memory_space<hbm>>
      %dma_start3A_17 = arith.constant 0 : i32
      %dma_start3A_18 = tpu.memref_slice %arg8[%mul3A_2, %dma_start3A_17] : memref<10112x128xf32, #tpu.memory_space<vmem_shared>> -> memref<632x128xf32, #tpu.memory_space<vmem_shared>>
      tpu.enqueue_dma source(%dma_start3A_18 : memref<632x128xf32, #tpu.memory_space<vmem_shared>>) target(%dma_start3A_16 : memref<632x128xf32, #tpu.memory_space<hbm>>) target_semaphore(%run_scoped3A : memref<!tpu.dma_semaphore, #tpu.memory_space<semaphore_mem>>)
      %dma_wait3A = arith.constant 0 : i32
      %dma_wait3A_19 = tpu.memref_slice %arg5[%arg0, %mul3A_2, %dma_wait3A] : memref<2x10112x128xf32, #tpu.memory_space<hbm>> -> memref<1x632x128xf32, #tpu.memory_space<hbm>>
      %dma_wait3A_20 = tpu.memref_squeeze %dma_wait3A_19 : memref<1x632x128xf32, #tpu.memory_space<hbm>> -> memref<632x128xf32, #tpu.memory_space<hbm>>
      %dma_wait3A_21 = arith.constant 0 : i32
      %dma_wait3A_22 = tpu.memref_slice %arg8[%mul3A_2, %dma_wait3A_21] : memref<10112x128xf32, #tpu.memory_space<vmem_shared>> -> memref<632x128xf32, #tpu.memory_space<vmem_shared>>
      tpu.wait_dma2 semaphore(%run_scoped3A : memref<!tpu.dma_semaphore, #tpu.memory_space<semaphore_mem>>) src(%dma_wait3A_22 : memref<632x128xf32, #tpu.memory_space<vmem_shared>>) dst(%dma_wait3A_20 : memref<632x128xf32, #tpu.memory_space<hbm>>)
      tpu.yield
    }) : () -> ()
    return
  }
}

#map = affine_map<(d0, d1) -> (0, 0)>
#map1 = affine_map<(d0, d1) -> (0, 0, 0)>
module attributes {stable_mosaic.version = 14 : i64} {
  func.func @_prop_body(%arg0: i32, %arg1: i32, %arg2: memref<10112x128xf32, #tpu.memory_space<hbm>>, %arg3: memref<32x84x120xi32, #tpu.memory_space<hbm>>, %arg4: memref<32x84x120xi32, #tpu.memory_space<hbm>>, %arg5: memref<10112x128xf32, #tpu.memory_space<hbm>>, %arg6: memref<2x10112x128xf32, #tpu.memory_space<hbm>>, %arg7: memref<8x120xi32, #tpu.memory_space<vmem>>, %arg8: memref<3x120x128xf32, #tpu.memory_space<vmem>>, %arg9: memref<10112x128xf32, #tpu.memory_space<vmem_shared>>, %arg10: memref<4x!tpu.dma_semaphore, #tpu.memory_space<semaphore_mem>>, %arg11: memref<4x!tpu.dma_semaphore, #tpu.memory_space<semaphore_mem>>, %arg12: memref<3x!tpu.dma_semaphore, #tpu.memory_space<semaphore_mem>>, %arg13: memref<3x!tpu.dma_semaphore, #tpu.memory_space<semaphore_mem>>) attributes {dimension_semantics = [#tpu.dimension_semantics<core_parallel>, #tpu.dimension_semantics<subcore_parallel>], iteration_bounds = array<i64: 2, 16>, scalar_prefetch = 0 : i64, scratch_operands = 7 : i64, tpu.core_type = #tpu.core_type<sc_vector_subcore>, window_params = [{transform_indices = #map}, {transform_indices = #map1}, {transform_indices = #map1}, {transform_indices = #map}, {transform_indices = #map1}]} {
    %mul3A = arith.constant 2 : i32
    %mul3A_0 = arith.muli %arg1, %mul3A : i32
    %add3A = arith.addi %mul3A_0, %arg0 : i32
    %mul3A_1 = arith.constant 632 : i32
    %mul3A_2 = arith.muli %arg1, %mul3A_1 : i32
    "tpu.region"() ({
      %run_scoped3A = tpu.sem_alloc : memref<!tpu.dma_semaphore, #tpu.memory_space<semaphore_mem>>
      %dma_start3A_170 = arith.constant 0 : i32
      %dma_start3A_171 = tpu.memref_slice %arg9[%mul3A_2, %dma_start3A_170] : memref<10112x128xf32, #tpu.memory_space<vmem_shared>> -> memref<632x128xf32, #tpu.memory_space<vmem_shared>>
      %dma_start3A_172 = arith.constant 0 : i32
      %dma_start3A_173 = tpu.memref_slice %arg5[%mul3A_2, %dma_start3A_172] : memref<10112x128xf32, #tpu.memory_space<hbm>> -> memref<632x128xf32, #tpu.memory_space<hbm>>
      tpu.enqueue_dma source(%dma_start3A_173 : memref<632x128xf32, #tpu.memory_space<hbm>>) target(%dma_start3A_171 : memref<632x128xf32, #tpu.memory_space<vmem_shared>>) target_semaphore(%run_scoped3A : memref<!tpu.dma_semaphore, #tpu.memory_space<semaphore_mem>>)
      %dma_wait3A_174 = arith.constant 0 : i32
      %dma_wait3A_175 = tpu.memref_slice %arg9[%mul3A_2, %dma_wait3A_174] : memref<10112x128xf32, #tpu.memory_space<vmem_shared>> -> memref<632x128xf32, #tpu.memory_space<vmem_shared>>
      %dma_wait3A_176 = arith.constant 0 : i32
      %dma_wait3A_177 = tpu.memref_slice %arg5[%mul3A_2, %dma_wait3A_176] : memref<10112x128xf32, #tpu.memory_space<hbm>> -> memref<632x128xf32, #tpu.memory_space<hbm>>
      tpu.wait_dma2 semaphore(%run_scoped3A : memref<!tpu.dma_semaphore, #tpu.memory_space<semaphore_mem>>) src(%dma_wait3A_177 : memref<632x128xf32, #tpu.memory_space<hbm>>) dst(%dma_wait3A_175 : memref<632x128xf32, #tpu.memory_space<vmem_shared>>)
      tpu.yield
    }) : () -> ()
    %barrier3A = arith.constant 0 : index
    tpu.barrier barrier_id(%barrier3A)
    %rem3A = arith.constant 0 : i32
    %rem3A_3 = arith.constant 4 : i32
    %rem3A_4 = arith.remsi %rem3A, %rem3A_3 : i32
    %dma_start3A = arith.constant 0 : i32
    %dma_start3A_5 = arith.constant 0 : i32
    %dma_start3A_6 = tpu.memref_slice %arg7[%rem3A_4, %dma_start3A_5] : memref<8x120xi32, #tpu.memory_space<vmem>> -> memref<1x120xi32, #tpu.memory_space<vmem>>
    %dma_start3A_7 = tpu.memref_squeeze %dma_start3A_6 : memref<1x120xi32, #tpu.memory_space<vmem>> -> memref<120xi32, #tpu.memory_space<vmem>>
    %dma_start3A_8 = arith.constant 0 : i32
    %dma_start3A_9 = tpu.memref_slice %arg3[%add3A, %dma_start3A, %dma_start3A_8] : memref<32x84x120xi32, #tpu.memory_space<hbm>> -> memref<1x1x120xi32, #tpu.memory_space<hbm>>
    %dma_start3A_10 = tpu.memref_squeeze %dma_start3A_9 : memref<1x1x120xi32, #tpu.memory_space<hbm>> -> memref<120xi32, #tpu.memory_space<hbm>>
    %dma_start3A_11 = tpu.memref_slice %arg10[%rem3A_4] : memref<4x!tpu.dma_semaphore, #tpu.memory_space<semaphore_mem>> -> memref<1x!tpu.dma_semaphore, #tpu.memory_space<semaphore_mem>>
    %dma_start3A_12 = tpu.memref_squeeze %dma_start3A_11 : memref<1x!tpu.dma_semaphore, #tpu.memory_space<semaphore_mem>> -> memref<!tpu.dma_semaphore, #tpu.memory_space<semaphore_mem>>
    %dma_start3A_13 = arith.constant 0 : i32
    %dma_start3A_14 = tpu.memref_slice %arg7[%rem3A_4, %dma_start3A_13] : memref<8x120xi32, #tpu.memory_space<vmem>> -> memref<1x120xi32, #tpu.memory_space<vmem>>
    %dma_start3A_15 = tpu.memref_squeeze %dma_start3A_14 : memref<1x120xi32, #tpu.memory_space<vmem>> -> memref<120xi32, #tpu.memory_space<vmem>>
    %dma_start3A_16 = arith.constant 0 : i32
    %dma_start3A_17 = tpu.memref_slice %arg3[%add3A, %dma_start3A, %dma_start3A_16] : memref<32x84x120xi32, #tpu.memory_space<hbm>> -> memref<1x1x120xi32, #tpu.memory_space<hbm>>
    %dma_start3A_18 = tpu.memref_squeeze %dma_start3A_17 : memref<1x1x120xi32, #tpu.memory_space<hbm>> -> memref<120xi32, #tpu.memory_space<hbm>>
    tpu.enqueue_dma source(%dma_start3A_18 : memref<120xi32, #tpu.memory_space<hbm>>) target(%dma_start3A_15 : memref<120xi32, #tpu.memory_space<vmem>>) target_semaphore(%dma_start3A_12 : memref<!tpu.dma_semaphore, #tpu.memory_space<semaphore_mem>>)
    %add3A_19 = arith.constant 4 : i32
    %add3A_20 = arith.addi %add3A_19, %rem3A_4 : i32
    %dma_start3A_21 = arith.constant 0 : i32
    %dma_start3A_22 = arith.constant 0 : i32
    %dma_start3A_23 = tpu.memref_slice %arg7[%add3A_20, %dma_start3A_22] : memref<8x120xi32, #tpu.memory_space<vmem>> -> memref<1x120xi32, #tpu.memory_space<vmem>>
    %dma_start3A_24 = tpu.memref_squeeze %dma_start3A_23 : memref<1x120xi32, #tpu.memory_space<vmem>> -> memref<120xi32, #tpu.memory_space<vmem>>
    %dma_start3A_25 = arith.constant 0 : i32
    %dma_start3A_26 = tpu.memref_slice %arg4[%add3A, %dma_start3A_21, %dma_start3A_25] : memref<32x84x120xi32, #tpu.memory_space<hbm>> -> memref<1x1x120xi32, #tpu.memory_space<hbm>>
    %dma_start3A_27 = tpu.memref_squeeze %dma_start3A_26 : memref<1x1x120xi32, #tpu.memory_space<hbm>> -> memref<120xi32, #tpu.memory_space<hbm>>
    %dma_start3A_28 = tpu.memref_slice %arg11[%rem3A_4] : memref<4x!tpu.dma_semaphore, #tpu.memory_space<semaphore_mem>> -> memref<1x!tpu.dma_semaphore, #tpu.memory_space<semaphore_mem>>
    %dma_start3A_29 = tpu.memref_squeeze %dma_start3A_28 : memref<1x!tpu.dma_semaphore, #tpu.memory_space<semaphore_mem>> -> memref<!tpu.dma_semaphore, #tpu.memory_space<semaphore_mem>>
    %dma_start3A_30 = arith.constant 0 : i32
    %dma_start3A_31 = tpu.memref_slice %arg7[%add3A_20, %dma_start3A_30] : memref<8x120xi32, #tpu.memory_space<vmem>> -> memref<1x120xi32, #tpu.memory_space<vmem>>
    %dma_start3A_32 = tpu.memref_squeeze %dma_start3A_31 : memref<1x120xi32, #tpu.memory_space<vmem>> -> memref<120xi32, #tpu.memory_space<vmem>>
    %dma_start3A_33 = arith.constant 0 : i32
    %dma_start3A_34 = tpu.memref_slice %arg4[%add3A, %dma_start3A_21, %dma_start3A_33] : memref<32x84x120xi32, #tpu.memory_space<hbm>> -> memref<1x1x120xi32, #tpu.memory_space<hbm>>
    %dma_start3A_35 = tpu.memref_squeeze %dma_start3A_34 : memref<1x1x120xi32, #tpu.memory_space<hbm>> -> memref<120xi32, #tpu.memory_space<hbm>>
    tpu.enqueue_dma source(%dma_start3A_35 : memref<120xi32, #tpu.memory_space<hbm>>) target(%dma_start3A_32 : memref<120xi32, #tpu.memory_space<vmem>>) target_semaphore(%dma_start3A_29 : memref<!tpu.dma_semaphore, #tpu.memory_space<semaphore_mem>>)
    %rem3A_36 = arith.constant 1 : i32
    %rem3A_37 = arith.constant 4 : i32
    %rem3A_38 = arith.remsi %rem3A_36, %rem3A_37 : i32
    %dma_start3A_39 = arith.constant 1 : i32
    %dma_start3A_40 = arith.constant 0 : i32
    %dma_start3A_41 = tpu.memref_slice %arg7[%rem3A_38, %dma_start3A_40] : memref<8x120xi32, #tpu.memory_space<vmem>> -> memref<1x120xi32, #tpu.memory_space<vmem>>
    %dma_start3A_42 = tpu.memref_squeeze %dma_start3A_41 : memref<1x120xi32, #tpu.memory_space<vmem>> -> memref<120xi32, #tpu.memory_space<vmem>>
    %dma_start3A_43 = arith.constant 0 : i32
    %dma_start3A_44 = tpu.memref_slice %arg3[%add3A, %dma_start3A_39, %dma_start3A_43] : memref<32x84x120xi32, #tpu.memory_space<hbm>> -> memref<1x1x120xi32, #tpu.memory_space<hbm>>
    %dma_start3A_45 = tpu.memref_squeeze %dma_start3A_44 : memref<1x1x120xi32, #tpu.memory_space<hbm>> -> memref<120xi32, #tpu.memory_space<hbm>>
    %dma_start3A_46 = tpu.memref_slice %arg10[%rem3A_38] : memref<4x!tpu.dma_semaphore, #tpu.memory_space<semaphore_mem>> -> memref<1x!tpu.dma_semaphore, #tpu.memory_space<semaphore_mem>>
    %dma_start3A_47 = tpu.memref_squeeze %dma_start3A_46 : memref<1x!tpu.dma_semaphore, #tpu.memory_space<semaphore_mem>> -> memref<!tpu.dma_semaphore, #tpu.memory_space<semaphore_mem>>
    %dma_start3A_48 = arith.constant 0 : i32
    %dma_start3A_49 = tpu.memref_slice %arg7[%rem3A_38, %dma_start3A_48] : memref<8x120xi32, #tpu.memory_space<vmem>> -> memref<1x120xi32, #tpu.memory_space<vmem>>
    %dma_start3A_50 = tpu.memref_squeeze %dma_start3A_49 : memref<1x120xi32, #tpu.memory_space<vmem>> -> memref<120xi32, #tpu.memory_space<vmem>>
    %dma_start3A_51 = arith.constant 0 : i32
    %dma_start3A_52 = tpu.memref_slice %arg3[%add3A, %dma_start3A_39, %dma_start3A_51] : memref<32x84x120xi32, #tpu.memory_space<hbm>> -> memref<1x1x120xi32, #tpu.memory_space<hbm>>
    %dma_start3A_53 = tpu.memref_squeeze %dma_start3A_52 : memref<1x1x120xi32, #tpu.memory_space<hbm>> -> memref<120xi32, #tpu.memory_space<hbm>>
    tpu.enqueue_dma source(%dma_start3A_53 : memref<120xi32, #tpu.memory_space<hbm>>) target(%dma_start3A_50 : memref<120xi32, #tpu.memory_space<vmem>>) target_semaphore(%dma_start3A_47 : memref<!tpu.dma_semaphore, #tpu.memory_space<semaphore_mem>>)
    %add3A_54 = arith.constant 4 : i32
    %add3A_55 = arith.addi %add3A_54, %rem3A_38 : i32
    %dma_start3A_56 = arith.constant 1 : i32
    %dma_start3A_57 = arith.constant 0 : i32
    %dma_start3A_58 = tpu.memref_slice %arg7[%add3A_55, %dma_start3A_57] : memref<8x120xi32, #tpu.memory_space<vmem>> -> memref<1x120xi32, #tpu.memory_space<vmem>>
    %dma_start3A_59 = tpu.memref_squeeze %dma_start3A_58 : memref<1x120xi32, #tpu.memory_space<vmem>> -> memref<120xi32, #tpu.memory_space<vmem>>
    %dma_start3A_60 = arith.constant 0 : i32
    %dma_start3A_61 = tpu.memref_slice %arg4[%add3A, %dma_start3A_56, %dma_start3A_60] : memref<32x84x120xi32, #tpu.memory_space<hbm>> -> memref<1x1x120xi32, #tpu.memory_space<hbm>>
    %dma_start3A_62 = tpu.memref_squeeze %dma_start3A_61 : memref<1x1x120xi32, #tpu.memory_space<hbm>> -> memref<120xi32, #tpu.memory_space<hbm>>
    %dma_start3A_63 = tpu.memref_slice %arg11[%rem3A_38] : memref<4x!tpu.dma_semaphore, #tpu.memory_space<semaphore_mem>> -> memref<1x!tpu.dma_semaphore, #tpu.memory_space<semaphore_mem>>
    %dma_start3A_64 = tpu.memref_squeeze %dma_start3A_63 : memref<1x!tpu.dma_semaphore, #tpu.memory_space<semaphore_mem>> -> memref<!tpu.dma_semaphore, #tpu.memory_space<semaphore_mem>>
    %dma_start3A_65 = arith.constant 0 : i32
    %dma_start3A_66 = tpu.memref_slice %arg7[%add3A_55, %dma_start3A_65] : memref<8x120xi32, #tpu.memory_space<vmem>> -> memref<1x120xi32, #tpu.memory_space<vmem>>
    %dma_start3A_67 = tpu.memref_squeeze %dma_start3A_66 : memref<1x120xi32, #tpu.memory_space<vmem>> -> memref<120xi32, #tpu.memory_space<vmem>>
    %dma_start3A_68 = arith.constant 0 : i32
    %dma_start3A_69 = tpu.memref_slice %arg4[%add3A, %dma_start3A_56, %dma_start3A_68] : memref<32x84x120xi32, #tpu.memory_space<hbm>> -> memref<1x1x120xi32, #tpu.memory_space<hbm>>
    %dma_start3A_70 = tpu.memref_squeeze %dma_start3A_69 : memref<1x1x120xi32, #tpu.memory_space<hbm>> -> memref<120xi32, #tpu.memory_space<hbm>>
    tpu.enqueue_dma source(%dma_start3A_70 : memref<120xi32, #tpu.memory_space<hbm>>) target(%dma_start3A_67 : memref<120xi32, #tpu.memory_space<vmem>>) target_semaphore(%dma_start3A_64 : memref<!tpu.dma_semaphore, #tpu.memory_space<semaphore_mem>>)
    %rem3A_71 = arith.constant 0 : i32
    %rem3A_72 = arith.constant 4 : i32
    %rem3A_73 = arith.remsi %rem3A_71, %rem3A_72 : i32
    %dma_wait3A = arith.constant 0 : i32
    %dma_wait3A_74 = arith.constant 0 : i32
    %dma_wait3A_75 = tpu.memref_slice %arg7[%rem3A_73, %dma_wait3A_74] : memref<8x120xi32, #tpu.memory_space<vmem>> -> memref<1x120xi32, #tpu.memory_space<vmem>>
    %dma_wait3A_76 = tpu.memref_squeeze %dma_wait3A_75 : memref<1x120xi32, #tpu.memory_space<vmem>> -> memref<120xi32, #tpu.memory_space<vmem>>
    %dma_wait3A_77 = arith.constant 0 : i32
    %dma_wait3A_78 = tpu.memref_slice %arg3[%add3A, %dma_wait3A, %dma_wait3A_77] : memref<32x84x120xi32, #tpu.memory_space<hbm>> -> memref<1x1x120xi32, #tpu.memory_space<hbm>>
    %dma_wait3A_79 = tpu.memref_squeeze %dma_wait3A_78 : memref<1x1x120xi32, #tpu.memory_space<hbm>> -> memref<120xi32, #tpu.memory_space<hbm>>
    %dma_wait3A_80 = tpu.memref_slice %arg10[%rem3A_73] : memref<4x!tpu.dma_semaphore, #tpu.memory_space<semaphore_mem>> -> memref<1x!tpu.dma_semaphore, #tpu.memory_space<semaphore_mem>>
    %dma_wait3A_81 = tpu.memref_squeeze %dma_wait3A_80 : memref<1x!tpu.dma_semaphore, #tpu.memory_space<semaphore_mem>> -> memref<!tpu.dma_semaphore, #tpu.memory_space<semaphore_mem>>
    %dma_wait3A_82 = arith.constant 0 : i32
    %dma_wait3A_83 = tpu.memref_slice %arg7[%rem3A_73, %dma_wait3A_82] : memref<8x120xi32, #tpu.memory_space<vmem>> -> memref<1x120xi32, #tpu.memory_space<vmem>>
    %dma_wait3A_84 = tpu.memref_squeeze %dma_wait3A_83 : memref<1x120xi32, #tpu.memory_space<vmem>> -> memref<120xi32, #tpu.memory_space<vmem>>
    %dma_wait3A_85 = arith.constant 0 : i32
    %dma_wait3A_86 = tpu.memref_slice %arg3[%add3A, %dma_wait3A, %dma_wait3A_85] : memref<32x84x120xi32, #tpu.memory_space<hbm>> -> memref<1x1x120xi32, #tpu.memory_space<hbm>>
    %dma_wait3A_87 = tpu.memref_squeeze %dma_wait3A_86 : memref<1x1x120xi32, #tpu.memory_space<hbm>> -> memref<120xi32, #tpu.memory_space<hbm>>
    tpu.wait_dma2 semaphore(%dma_wait3A_81 : memref<!tpu.dma_semaphore, #tpu.memory_space<semaphore_mem>>) src(%dma_wait3A_87 : memref<120xi32, #tpu.memory_space<hbm>>) dst(%dma_wait3A_84 : memref<120xi32, #tpu.memory_space<vmem>>)
    %add3A_88 = arith.constant 4 : i32
    %add3A_89 = arith.addi %add3A_88, %rem3A_73 : i32
    %dma_wait3A_90 = arith.constant 0 : i32
    %dma_wait3A_91 = arith.constant 0 : i32
    %dma_wait3A_92 = tpu.memref_slice %arg7[%add3A_89, %dma_wait3A_91] : memref<8x120xi32, #tpu.memory_space<vmem>> -> memref<1x120xi32, #tpu.memory_space<vmem>>
    %dma_wait3A_93 = tpu.memref_squeeze %dma_wait3A_92 : memref<1x120xi32, #tpu.memory_space<vmem>> -> memref<120xi32, #tpu.memory_space<vmem>>
    %dma_wait3A_94 = arith.constant 0 : i32
    %dma_wait3A_95 = tpu.memref_slice %arg4[%add3A, %dma_wait3A_90, %dma_wait3A_94] : memref<32x84x120xi32, #tpu.memory_space<hbm>> -> memref<1x1x120xi32, #tpu.memory_space<hbm>>
    %dma_wait3A_96 = tpu.memref_squeeze %dma_wait3A_95 : memref<1x1x120xi32, #tpu.memory_space<hbm>> -> memref<120xi32, #tpu.memory_space<hbm>>
    %dma_wait3A_97 = tpu.memref_slice %arg11[%rem3A_73] : memref<4x!tpu.dma_semaphore, #tpu.memory_space<semaphore_mem>> -> memref<1x!tpu.dma_semaphore, #tpu.memory_space<semaphore_mem>>
    %dma_wait3A_98 = tpu.memref_squeeze %dma_wait3A_97 : memref<1x!tpu.dma_semaphore, #tpu.memory_space<semaphore_mem>> -> memref<!tpu.dma_semaphore, #tpu.memory_space<semaphore_mem>>
    %dma_wait3A_99 = arith.constant 0 : i32
    %dma_wait3A_100 = tpu.memref_slice %arg7[%add3A_89, %dma_wait3A_99] : memref<8x120xi32, #tpu.memory_space<vmem>> -> memref<1x120xi32, #tpu.memory_space<vmem>>
    %dma_wait3A_101 = tpu.memref_squeeze %dma_wait3A_100 : memref<1x120xi32, #tpu.memory_space<vmem>> -> memref<120xi32, #tpu.memory_space<vmem>>
    %dma_wait3A_102 = arith.constant 0 : i32
    %dma_wait3A_103 = tpu.memref_slice %arg4[%add3A, %dma_wait3A_90, %dma_wait3A_102] : memref<32x84x120xi32, #tpu.memory_space<hbm>> -> memref<1x1x120xi32, #tpu.memory_space<hbm>>
    %dma_wait3A_104 = tpu.memref_squeeze %dma_wait3A_103 : memref<1x1x120xi32, #tpu.memory_space<hbm>> -> memref<120xi32, #tpu.memory_space<hbm>>
    tpu.wait_dma2 semaphore(%dma_wait3A_98 : memref<!tpu.dma_semaphore, #tpu.memory_space<semaphore_mem>>) src(%dma_wait3A_104 : memref<120xi32, #tpu.memory_space<hbm>>) dst(%dma_wait3A_101 : memref<120xi32, #tpu.memory_space<vmem>>)
    %rem3A_105 = arith.constant 0 : i32
    %rem3A_106 = arith.constant 3 : i32
    %rem3A_107 = arith.remsi %rem3A_105, %rem3A_106 : i32
    %rem3A_108 = arith.constant 0 : i32
    %rem3A_109 = arith.constant 4 : i32
    %rem3A_110 = arith.remsi %rem3A_108, %rem3A_109 : i32
    %dma_start3A_111 = arith.constant 0 : i32
    %dma_start3A_112 = arith.constant 0 : i32
    %dma_start3A_113 = tpu.memref_slice %arg8[%rem3A_107, %dma_start3A_111, %dma_start3A_112] : memref<3x120x128xf32, #tpu.memory_space<vmem>> -> memref<1x120x128xf32, #tpu.memory_space<vmem>>
    %dma_start3A_114 = tpu.memref_squeeze %dma_start3A_113 : memref<1x120x128xf32, #tpu.memory_space<vmem>> -> memref<120x128xf32, #tpu.memory_space<vmem>>
    %dma_start3A_115 = arith.constant 0 : i32
    %dma_start3A_116 = tpu.memref_slice %arg7[%rem3A_110, %dma_start3A_115] : memref<8x120xi32, #tpu.memory_space<vmem>> -> memref<1x120xi32, #tpu.memory_space<vmem>>
    %dma_start3A_117 = tpu.memref_squeeze %dma_start3A_116 : memref<1x120xi32, #tpu.memory_space<vmem>> -> memref<120xi32, #tpu.memory_space<vmem>>
    %dma_start3A_118 = arith.constant 0 : i32
    %dma_start3A_119 = arith.constant 0 : i32
    %dma_start3A_120 = tpu.memref_slice %arg2[%dma_start3A_118, %dma_start3A_119] : memref<10112x128xf32, #tpu.memory_space<hbm>> -> memref<10112x128xf32, #tpu.memory_space<hbm>>
    %dma_start3A_121 = arith.constant -1 : i32
    %dma_start3A_122 = tpu.memref_slice %arg12[%rem3A_107] : memref<3x!tpu.dma_semaphore, #tpu.memory_space<semaphore_mem>> -> memref<1x!tpu.dma_semaphore, #tpu.memory_space<semaphore_mem>>
    %dma_start3A_123 = tpu.memref_squeeze %dma_start3A_122 : memref<1x!tpu.dma_semaphore, #tpu.memory_space<semaphore_mem>> -> memref<!tpu.dma_semaphore, #tpu.memory_space<semaphore_mem>>
    tpu.enqueue_indirect_dma source(%dma_start3A_120 : memref<10112x128xf32, #tpu.memory_space<hbm>>) target(%dma_start3A_114 : memref<120x128xf32, #tpu.memory_space<vmem>>) offsets(%dma_start3A_117 : memref<120xi32, #tpu.memory_space<vmem>>) offset_filter(%dma_start3A_121) semaphore(%dma_start3A_123 : memref<!tpu.dma_semaphore, #tpu.memory_space<semaphore_mem>>)
    %scan3A = arith.constant 0 : i32
    %scan3A_124 = arith.constant 0 : i32
    %scan3A_125 = arith.constant 84 : i32
    %scan3A_126 = arith.addi %scan3A_124, %scan3A_125 : i32
    %scan3A_127 = arith.constant 1 : i32
    scf.for %scan3A_170 = %scan3A_124 to %scan3A_126 step %scan3A_127  : i32 {
      %ge3A = arith.constant 2 : i32
      %ge3A_171 = arith.cmpi sge, %scan3A_170, %ge3A : i32
      %convert_element_type3A = arith.extui %ge3A_171 : i1 to i32
      %cond3A = arith.constant 0 : i32
      %cond3A_172 = arith.cmpi ne, %convert_element_type3A, %cond3A : i32
      scf.if %cond3A_172 {
        %sub3A = arith.constant 2 : i32
        %sub3A_221 = arith.subi %scan3A_170, %sub3A : i32
        %rem3A_222 = arith.constant 3 : i32
        %rem3A_223 = arith.remsi %sub3A_221, %rem3A_222 : i32
        %rem3A_224 = arith.constant 4 : i32
        %rem3A_225 = arith.remsi %sub3A_221, %rem3A_224 : i32
        %add3A_226 = arith.constant 4 : i32
        %add3A_227 = arith.addi %add3A_226, %rem3A_225 : i32
        %dma_wait3A_228 = arith.constant 0 : i32
        %dma_wait3A_229 = arith.constant 0 : i32
        %dma_wait3A_230 = tpu.memref_slice %arg8[%rem3A_223, %dma_wait3A_228, %dma_wait3A_229] : memref<3x120x128xf32, #tpu.memory_space<vmem>> -> memref<1x120x128xf32, #tpu.memory_space<vmem>>
        %dma_wait3A_231 = tpu.memref_squeeze %dma_wait3A_230 : memref<1x120x128xf32, #tpu.memory_space<vmem>> -> memref<120x128xf32, #tpu.memory_space<vmem>>
        %dma_wait3A_232 = arith.constant 0 : i32
        %dma_wait3A_233 = tpu.memref_slice %arg7[%add3A_227, %dma_wait3A_232] : memref<8x120xi32, #tpu.memory_space<vmem>> -> memref<1x120xi32, #tpu.memory_space<vmem>>
        %dma_wait3A_234 = tpu.memref_squeeze %dma_wait3A_233 : memref<1x120xi32, #tpu.memory_space<vmem>> -> memref<120xi32, #tpu.memory_space<vmem>>
        %dma_wait3A_235 = arith.constant 0 : i32
        %dma_wait3A_236 = arith.constant 0 : i32
        %dma_wait3A_237 = tpu.memref_slice %arg9[%dma_wait3A_235, %dma_wait3A_236] : memref<10112x128xf32, #tpu.memory_space<vmem_shared>> -> memref<10112x128xf32, #tpu.memory_space<vmem_shared>>
        %dma_wait3A_238 = tpu.memref_slice %arg13[%rem3A_223] : memref<3x!tpu.dma_semaphore, #tpu.memory_space<semaphore_mem>> -> memref<1x!tpu.dma_semaphore, #tpu.memory_space<semaphore_mem>>
        %dma_wait3A_239 = tpu.memref_squeeze %dma_wait3A_238 : memref<1x!tpu.dma_semaphore, #tpu.memory_space<semaphore_mem>> -> memref<!tpu.dma_semaphore, #tpu.memory_space<semaphore_mem>>
        tpu.wait_indirect_dma semaphore(%dma_wait3A_239 : memref<!tpu.dma_semaphore, #tpu.memory_space<semaphore_mem>>) src(%dma_wait3A_231 : memref<120x128xf32, #tpu.memory_space<vmem>>) dst(%dma_wait3A_237 : memref<10112x128xf32, #tpu.memory_space<vmem_shared>>)
      } else {
      }
      %add3A_173 = arith.constant 2 : i32
      %add3A_174 = arith.addi %scan3A_170, %add3A_173 : i32
      %lt3A = arith.constant 84 : i32
      %lt3A_175 = arith.cmpi slt, %add3A_174, %lt3A : i32
      %convert_element_type3A_176 = arith.extui %lt3A_175 : i1 to i32
      %cond3A_177 = arith.constant 0 : i32
      %cond3A_178 = arith.cmpi ne, %convert_element_type3A_176, %cond3A_177 : i32
      scf.if %cond3A_178 {
        %add3A_221 = arith.constant 2 : i32
        %add3A_222 = arith.addi %scan3A_170, %add3A_221 : i32
        %rem3A_223 = arith.constant 4 : i32
        %rem3A_224 = arith.remsi %add3A_222, %rem3A_223 : i32
        %dma_start3A_225 = arith.constant 0 : i32
        %dma_start3A_226 = tpu.memref_slice %arg7[%rem3A_224, %dma_start3A_225] : memref<8x120xi32, #tpu.memory_space<vmem>> -> memref<1x120xi32, #tpu.memory_space<vmem>>
        %dma_start3A_227 = tpu.memref_squeeze %dma_start3A_226 : memref<1x120xi32, #tpu.memory_space<vmem>> -> memref<120xi32, #tpu.memory_space<vmem>>
        %dma_start3A_228 = arith.constant 0 : i32
        %dma_start3A_229 = tpu.memref_slice %arg3[%add3A, %add3A_222, %dma_start3A_228] : memref<32x84x120xi32, #tpu.memory_space<hbm>> -> memref<1x1x120xi32, #tpu.memory_space<hbm>>
        %dma_start3A_230 = tpu.memref_squeeze %dma_start3A_229 : memref<1x1x120xi32, #tpu.memory_space<hbm>> -> memref<120xi32, #tpu.memory_space<hbm>>
        %dma_start3A_231 = tpu.memref_slice %arg10[%rem3A_224] : memref<4x!tpu.dma_semaphore, #tpu.memory_space<semaphore_mem>> -> memref<1x!tpu.dma_semaphore, #tpu.memory_space<semaphore_mem>>
        %dma_start3A_232 = tpu.memref_squeeze %dma_start3A_231 : memref<1x!tpu.dma_semaphore, #tpu.memory_space<semaphore_mem>> -> memref<!tpu.dma_semaphore, #tpu.memory_space<semaphore_mem>>
        %dma_start3A_233 = arith.constant 0 : i32
        %dma_start3A_234 = tpu.memref_slice %arg7[%rem3A_224, %dma_start3A_233] : memref<8x120xi32, #tpu.memory_space<vmem>> -> memref<1x120xi32, #tpu.memory_space<vmem>>
        %dma_start3A_235 = tpu.memref_squeeze %dma_start3A_234 : memref<1x120xi32, #tpu.memory_space<vmem>> -> memref<120xi32, #tpu.memory_space<vmem>>
        %dma_start3A_236 = arith.constant 0 : i32
        %dma_start3A_237 = tpu.memref_slice %arg3[%add3A, %add3A_222, %dma_start3A_236] : memref<32x84x120xi32, #tpu.memory_space<hbm>> -> memref<1x1x120xi32, #tpu.memory_space<hbm>>
        %dma_start3A_238 = tpu.memref_squeeze %dma_start3A_237 : memref<1x1x120xi32, #tpu.memory_space<hbm>> -> memref<120xi32, #tpu.memory_space<hbm>>
        tpu.enqueue_dma source(%dma_start3A_238 : memref<120xi32, #tpu.memory_space<hbm>>) target(%dma_start3A_235 : memref<120xi32, #tpu.memory_space<vmem>>) target_semaphore(%dma_start3A_232 : memref<!tpu.dma_semaphore, #tpu.memory_space<semaphore_mem>>)
        %add3A_239 = arith.constant 4 : i32
        %add3A_240 = arith.addi %add3A_239, %rem3A_224 : i32
        %dma_start3A_241 = arith.constant 0 : i32
        %dma_start3A_242 = tpu.memref_slice %arg7[%add3A_240, %dma_start3A_241] : memref<8x120xi32, #tpu.memory_space<vmem>> -> memref<1x120xi32, #tpu.memory_space<vmem>>
        %dma_start3A_243 = tpu.memref_squeeze %dma_start3A_242 : memref<1x120xi32, #tpu.memory_space<vmem>> -> memref<120xi32, #tpu.memory_space<vmem>>
        %dma_start3A_244 = arith.constant 0 : i32
        %dma_start3A_245 = tpu.memref_slice %arg4[%add3A, %add3A_222, %dma_start3A_244] : memref<32x84x120xi32, #tpu.memory_space<hbm>> -> memref<1x1x120xi32, #tpu.memory_space<hbm>>
        %dma_start3A_246 = tpu.memref_squeeze %dma_start3A_245 : memref<1x1x120xi32, #tpu.memory_space<hbm>> -> memref<120xi32, #tpu.memory_space<hbm>>
        %dma_start3A_247 = tpu.memref_slice %arg11[%rem3A_224] : memref<4x!tpu.dma_semaphore, #tpu.memory_space<semaphore_mem>> -> memref<1x!tpu.dma_semaphore, #tpu.memory_space<semaphore_mem>>
        %dma_start3A_248 = tpu.memref_squeeze %dma_start3A_247 : memref<1x!tpu.dma_semaphore, #tpu.memory_space<semaphore_mem>> -> memref<!tpu.dma_semaphore, #tpu.memory_space<semaphore_mem>>
        %dma_start3A_249 = arith.constant 0 : i32
        %dma_start3A_250 = tpu.memref_slice %arg7[%add3A_240, %dma_start3A_249] : memref<8x120xi32, #tpu.memory_space<vmem>> -> memref<1x120xi32, #tpu.memory_space<vmem>>
        %dma_start3A_251 = tpu.memref_squeeze %dma_start3A_250 : memref<1x120xi32, #tpu.memory_space<vmem>> -> memref<120xi32, #tpu.memory_space<vmem>>
        %dma_start3A_252 = arith.constant 0 : i32
        %dma_start3A_253 = tpu.memref_slice %arg4[%add3A, %add3A_222, %dma_start3A_252] : memref<32x84x120xi32, #tpu.memory_space<hbm>> -> memref<1x1x120xi32, #tpu.memory_space<hbm>>
        %dma_start3A_254 = tpu.memref_squeeze %dma_start3A_253 : memref<1x1x120xi32, #tpu.memory_space<hbm>> -> memref<120xi32, #tpu.memory_space<hbm>>
        tpu.enqueue_dma source(%dma_start3A_254 : memref<120xi32, #tpu.memory_space<hbm>>) target(%dma_start3A_251 : memref<120xi32, #tpu.memory_space<vmem>>) target_semaphore(%dma_start3A_248 : memref<!tpu.dma_semaphore, #tpu.memory_space<semaphore_mem>>)
      } else {
      }
      %add3A_179 = arith.constant 1 : i32
      %add3A_180 = arith.addi %scan3A_170, %add3A_179 : i32
      %lt3A_181 = arith.constant 84 : i32
      %lt3A_182 = arith.cmpi slt, %add3A_180, %lt3A_181 : i32
      %convert_element_type3A_183 = arith.extui %lt3A_182 : i1 to i32
      %cond3A_184 = arith.constant 0 : i32
      %cond3A_185 = arith.cmpi ne, %convert_element_type3A_183, %cond3A_184 : i32
      scf.if %cond3A_185 {
        %add3A_221 = arith.constant 1 : i32
        %add3A_222 = arith.addi %scan3A_170, %add3A_221 : i32
        %rem3A_223 = arith.constant 4 : i32
        %rem3A_224 = arith.remsi %add3A_222, %rem3A_223 : i32
        %dma_wait3A_225 = arith.constant 0 : i32
        %dma_wait3A_226 = tpu.memref_slice %arg7[%rem3A_224, %dma_wait3A_225] : memref<8x120xi32, #tpu.memory_space<vmem>> -> memref<1x120xi32, #tpu.memory_space<vmem>>
        %dma_wait3A_227 = tpu.memref_squeeze %dma_wait3A_226 : memref<1x120xi32, #tpu.memory_space<vmem>> -> memref<120xi32, #tpu.memory_space<vmem>>
        %dma_wait3A_228 = arith.constant 0 : i32
        %dma_wait3A_229 = tpu.memref_slice %arg3[%add3A, %add3A_222, %dma_wait3A_228] : memref<32x84x120xi32, #tpu.memory_space<hbm>> -> memref<1x1x120xi32, #tpu.memory_space<hbm>>
        %dma_wait3A_230 = tpu.memref_squeeze %dma_wait3A_229 : memref<1x1x120xi32, #tpu.memory_space<hbm>> -> memref<120xi32, #tpu.memory_space<hbm>>
        %dma_wait3A_231 = tpu.memref_slice %arg10[%rem3A_224] : memref<4x!tpu.dma_semaphore, #tpu.memory_space<semaphore_mem>> -> memref<1x!tpu.dma_semaphore, #tpu.memory_space<semaphore_mem>>
        %dma_wait3A_232 = tpu.memref_squeeze %dma_wait3A_231 : memref<1x!tpu.dma_semaphore, #tpu.memory_space<semaphore_mem>> -> memref<!tpu.dma_semaphore, #tpu.memory_space<semaphore_mem>>
        %dma_wait3A_233 = arith.constant 0 : i32
        %dma_wait3A_234 = tpu.memref_slice %arg7[%rem3A_224, %dma_wait3A_233] : memref<8x120xi32, #tpu.memory_space<vmem>> -> memref<1x120xi32, #tpu.memory_space<vmem>>
        %dma_wait3A_235 = tpu.memref_squeeze %dma_wait3A_234 : memref<1x120xi32, #tpu.memory_space<vmem>> -> memref<120xi32, #tpu.memory_space<vmem>>
        %dma_wait3A_236 = arith.constant 0 : i32
        %dma_wait3A_237 = tpu.memref_slice %arg3[%add3A, %add3A_222, %dma_wait3A_236] : memref<32x84x120xi32, #tpu.memory_space<hbm>> -> memref<1x1x120xi32, #tpu.memory_space<hbm>>
        %dma_wait3A_238 = tpu.memref_squeeze %dma_wait3A_237 : memref<1x1x120xi32, #tpu.memory_space<hbm>> -> memref<120xi32, #tpu.memory_space<hbm>>
        tpu.wait_dma2 semaphore(%dma_wait3A_232 : memref<!tpu.dma_semaphore, #tpu.memory_space<semaphore_mem>>) src(%dma_wait3A_238 : memref<120xi32, #tpu.memory_space<hbm>>) dst(%dma_wait3A_235 : memref<120xi32, #tpu.memory_space<vmem>>)
        %add3A_239 = arith.constant 4 : i32
        %add3A_240 = arith.addi %add3A_239, %rem3A_224 : i32
        %dma_wait3A_241 = arith.constant 0 : i32
        %dma_wait3A_242 = tpu.memref_slice %arg7[%add3A_240, %dma_wait3A_241] : memref<8x120xi32, #tpu.memory_space<vmem>> -> memref<1x120xi32, #tpu.memory_space<vmem>>
        %dma_wait3A_243 = tpu.memref_squeeze %dma_wait3A_242 : memref<1x120xi32, #tpu.memory_space<vmem>> -> memref<120xi32, #tpu.memory_space<vmem>>
        %dma_wait3A_244 = arith.constant 0 : i32
        %dma_wait3A_245 = tpu.memref_slice %arg4[%add3A, %add3A_222, %dma_wait3A_244] : memref<32x84x120xi32, #tpu.memory_space<hbm>> -> memref<1x1x120xi32, #tpu.memory_space<hbm>>
        %dma_wait3A_246 = tpu.memref_squeeze %dma_wait3A_245 : memref<1x1x120xi32, #tpu.memory_space<hbm>> -> memref<120xi32, #tpu.memory_space<hbm>>
        %dma_wait3A_247 = tpu.memref_slice %arg11[%rem3A_224] : memref<4x!tpu.dma_semaphore, #tpu.memory_space<semaphore_mem>> -> memref<1x!tpu.dma_semaphore, #tpu.memory_space<semaphore_mem>>
        %dma_wait3A_248 = tpu.memref_squeeze %dma_wait3A_247 : memref<1x!tpu.dma_semaphore, #tpu.memory_space<semaphore_mem>> -> memref<!tpu.dma_semaphore, #tpu.memory_space<semaphore_mem>>
        %dma_wait3A_249 = arith.constant 0 : i32
        %dma_wait3A_250 = tpu.memref_slice %arg7[%add3A_240, %dma_wait3A_249] : memref<8x120xi32, #tpu.memory_space<vmem>> -> memref<1x120xi32, #tpu.memory_space<vmem>>
        %dma_wait3A_251 = tpu.memref_squeeze %dma_wait3A_250 : memref<1x120xi32, #tpu.memory_space<vmem>> -> memref<120xi32, #tpu.memory_space<vmem>>
        %dma_wait3A_252 = arith.constant 0 : i32
        %dma_wait3A_253 = tpu.memref_slice %arg4[%add3A, %add3A_222, %dma_wait3A_252] : memref<32x84x120xi32, #tpu.memory_space<hbm>> -> memref<1x1x120xi32, #tpu.memory_space<hbm>>
        %dma_wait3A_254 = tpu.memref_squeeze %dma_wait3A_253 : memref<1x1x120xi32, #tpu.memory_space<hbm>> -> memref<120xi32, #tpu.memory_space<hbm>>
        tpu.wait_dma2 semaphore(%dma_wait3A_248 : memref<!tpu.dma_semaphore, #tpu.memory_space<semaphore_mem>>) src(%dma_wait3A_254 : memref<120xi32, #tpu.memory_space<hbm>>) dst(%dma_wait3A_251 : memref<120xi32, #tpu.memory_space<vmem>>)
        %add3A_255 = arith.constant 1 : i32
        %add3A_256 = arith.addi %scan3A_170, %add3A_255 : i32
        %rem3A_257 = arith.constant 3 : i32
        %rem3A_258 = arith.remsi %add3A_256, %rem3A_257 : i32
        %rem3A_259 = arith.constant 4 : i32
        %rem3A_260 = arith.remsi %add3A_256, %rem3A_259 : i32
        %dma_start3A_261 = arith.constant 0 : i32
        %dma_start3A_262 = arith.constant 0 : i32
        %dma_start3A_263 = tpu.memref_slice %arg8[%rem3A_258, %dma_start3A_261, %dma_start3A_262] : memref<3x120x128xf32, #tpu.memory_space<vmem>> -> memref<1x120x128xf32, #tpu.memory_space<vmem>>
        %dma_start3A_264 = tpu.memref_squeeze %dma_start3A_263 : memref<1x120x128xf32, #tpu.memory_space<vmem>> -> memref<120x128xf32, #tpu.memory_space<vmem>>
        %dma_start3A_265 = arith.constant 0 : i32
        %dma_start3A_266 = tpu.memref_slice %arg7[%rem3A_260, %dma_start3A_265] : memref<8x120xi32, #tpu.memory_space<vmem>> -> memref<1x120xi32, #tpu.memory_space<vmem>>
        %dma_start3A_267 = tpu.memref_squeeze %dma_start3A_266 : memref<1x120xi32, #tpu.memory_space<vmem>> -> memref<120xi32, #tpu.memory_space<vmem>>
        %dma_start3A_268 = arith.constant 0 : i32
        %dma_start3A_269 = arith.constant 0 : i32
        %dma_start3A_270 = tpu.memref_slice %arg2[%dma_start3A_268, %dma_start3A_269] : memref<10112x128xf32, #tpu.memory_space<hbm>> -> memref<10112x128xf32, #tpu.memory_space<hbm>>
        %dma_start3A_271 = arith.constant -1 : i32
        %dma_start3A_272 = tpu.memref_slice %arg12[%rem3A_258] : memref<3x!tpu.dma_semaphore, #tpu.memory_space<semaphore_mem>> -> memref<1x!tpu.dma_semaphore, #tpu.memory_space<semaphore_mem>>
        %dma_start3A_273 = tpu.memref_squeeze %dma_start3A_272 : memref<1x!tpu.dma_semaphore, #tpu.memory_space<semaphore_mem>> -> memref<!tpu.dma_semaphore, #tpu.memory_space<semaphore_mem>>
        tpu.enqueue_indirect_dma source(%dma_start3A_270 : memref<10112x128xf32, #tpu.memory_space<hbm>>) target(%dma_start3A_264 : memref<120x128xf32, #tpu.memory_space<vmem>>) offsets(%dma_start3A_267 : memref<120xi32, #tpu.memory_space<vmem>>) offset_filter(%dma_start3A_271) semaphore(%dma_start3A_273 : memref<!tpu.dma_semaphore, #tpu.memory_space<semaphore_mem>>)
      } else {
      }
      %rem3A_186 = arith.constant 3 : i32
      %rem3A_187 = arith.remsi %scan3A_170, %rem3A_186 : i32
      %rem3A_188 = arith.constant 4 : i32
      %rem3A_189 = arith.remsi %scan3A_170, %rem3A_188 : i32
      %dma_wait3A_190 = arith.constant 0 : i32
      %dma_wait3A_191 = arith.constant 0 : i32
      %dma_wait3A_192 = tpu.memref_slice %arg8[%rem3A_187, %dma_wait3A_190, %dma_wait3A_191] : memref<3x120x128xf32, #tpu.memory_space<vmem>> -> memref<1x120x128xf32, #tpu.memory_space<vmem>>
      %dma_wait3A_193 = tpu.memref_squeeze %dma_wait3A_192 : memref<1x120x128xf32, #tpu.memory_space<vmem>> -> memref<120x128xf32, #tpu.memory_space<vmem>>
      %dma_wait3A_194 = arith.constant 0 : i32
      %dma_wait3A_195 = tpu.memref_slice %arg7[%rem3A_189, %dma_wait3A_194] : memref<8x120xi32, #tpu.memory_space<vmem>> -> memref<1x120xi32, #tpu.memory_space<vmem>>
      %dma_wait3A_196 = tpu.memref_squeeze %dma_wait3A_195 : memref<1x120xi32, #tpu.memory_space<vmem>> -> memref<120xi32, #tpu.memory_space<vmem>>
      %dma_wait3A_197 = arith.constant 0 : i32
      %dma_wait3A_198 = arith.constant 0 : i32
      %dma_wait3A_199 = tpu.memref_slice %arg2[%dma_wait3A_197, %dma_wait3A_198] : memref<10112x128xf32, #tpu.memory_space<hbm>> -> memref<10112x128xf32, #tpu.memory_space<hbm>>
      %dma_wait3A_200 = tpu.memref_slice %arg12[%rem3A_187] : memref<3x!tpu.dma_semaphore, #tpu.memory_space<semaphore_mem>> -> memref<1x!tpu.dma_semaphore, #tpu.memory_space<semaphore_mem>>
      %dma_wait3A_201 = tpu.memref_squeeze %dma_wait3A_200 : memref<1x!tpu.dma_semaphore, #tpu.memory_space<semaphore_mem>> -> memref<!tpu.dma_semaphore, #tpu.memory_space<semaphore_mem>>
      tpu.wait_indirect_dma semaphore(%dma_wait3A_201 : memref<!tpu.dma_semaphore, #tpu.memory_space<semaphore_mem>>) src(%dma_wait3A_199 : memref<10112x128xf32, #tpu.memory_space<hbm>>) dst(%dma_wait3A_193 : memref<120x128xf32, #tpu.memory_space<vmem>>)
      %rem3A_202 = arith.constant 3 : i32
      %rem3A_203 = arith.remsi %scan3A_170, %rem3A_202 : i32
      %rem3A_204 = arith.constant 4 : i32
      %rem3A_205 = arith.remsi %scan3A_170, %rem3A_204 : i32
      %add3A_206 = arith.constant 4 : i32
      %add3A_207 = arith.addi %add3A_206, %rem3A_205 : i32
      %dma_start3A_208 = arith.constant 0 : i32
      %dma_start3A_209 = arith.constant 0 : i32
      %dma_start3A_210 = tpu.memref_slice %arg8[%rem3A_203, %dma_start3A_208, %dma_start3A_209] : memref<3x120x128xf32, #tpu.memory_space<vmem>> -> memref<1x120x128xf32, #tpu.memory_space<vmem>>
      %dma_start3A_211 = tpu.memref_squeeze %dma_start3A_210 : memref<1x120x128xf32, #tpu.memory_space<vmem>> -> memref<120x128xf32, #tpu.memory_space<vmem>>
      %dma_start3A_212 = arith.constant 0 : i32
      %dma_start3A_213 = tpu.memref_slice %arg7[%add3A_207, %dma_start3A_212] : memref<8x120xi32, #tpu.memory_space<vmem>> -> memref<1x120xi32, #tpu.memory_space<vmem>>
      %dma_start3A_214 = tpu.memref_squeeze %dma_start3A_213 : memref<1x120xi32, #tpu.memory_space<vmem>> -> memref<120xi32, #tpu.memory_space<vmem>>
      %dma_start3A_215 = arith.constant 0 : i32
      %dma_start3A_216 = arith.constant 0 : i32
      %dma_start3A_217 = tpu.memref_slice %arg9[%dma_start3A_215, %dma_start3A_216] : memref<10112x128xf32, #tpu.memory_space<vmem_shared>> -> memref<10112x128xf32, #tpu.memory_space<vmem_shared>>
      %dma_start3A_218 = arith.constant -1 : i32
      %dma_start3A_219 = tpu.memref_slice %arg13[%rem3A_203] : memref<3x!tpu.dma_semaphore, #tpu.memory_space<semaphore_mem>> -> memref<1x!tpu.dma_semaphore, #tpu.memory_space<semaphore_mem>>
      %dma_start3A_220 = tpu.memref_squeeze %dma_start3A_219 : memref<1x!tpu.dma_semaphore, #tpu.memory_space<semaphore_mem>> -> memref<!tpu.dma_semaphore, #tpu.memory_space<semaphore_mem>>
      tpu.enqueue_indirect_dma source(%dma_start3A_211 : memref<120x128xf32, #tpu.memory_space<vmem>>) target(%dma_start3A_217 : memref<10112x128xf32, #tpu.memory_space<vmem_shared>>) offsets(%dma_start3A_214 : memref<120xi32, #tpu.memory_space<vmem>>) offset_filter(%dma_start3A_218) semaphore(%dma_start3A_220 : memref<!tpu.dma_semaphore, #tpu.memory_space<semaphore_mem>>) {add = true}
    }
    %scan3A_128 = arith.constant 84 : i32
    %rem3A_129 = arith.constant 82 : i32
    %rem3A_130 = arith.constant 3 : i32
    %rem3A_131 = arith.remsi %rem3A_129, %rem3A_130 : i32
    %rem3A_132 = arith.constant 82 : i32
    %rem3A_133 = arith.constant 4 : i32
    %rem3A_134 = arith.remsi %rem3A_132, %rem3A_133 : i32
    %add3A_135 = arith.constant 4 : i32
    %add3A_136 = arith.addi %add3A_135, %rem3A_134 : i32
    %dma_wait3A_137 = arith.constant 0 : i32
    %dma_wait3A_138 = arith.constant 0 : i32
    %dma_wait3A_139 = tpu.memref_slice %arg8[%rem3A_131, %dma_wait3A_137, %dma_wait3A_138] : memref<3x120x128xf32, #tpu.memory_space<vmem>> -> memref<1x120x128xf32, #tpu.memory_space<vmem>>
    %dma_wait3A_140 = tpu.memref_squeeze %dma_wait3A_139 : memref<1x120x128xf32, #tpu.memory_space<vmem>> -> memref<120x128xf32, #tpu.memory_space<vmem>>
    %dma_wait3A_141 = arith.constant 0 : i32
    %dma_wait3A_142 = tpu.memref_slice %arg7[%add3A_136, %dma_wait3A_141] : memref<8x120xi32, #tpu.memory_space<vmem>> -> memref<1x120xi32, #tpu.memory_space<vmem>>
    %dma_wait3A_143 = tpu.memref_squeeze %dma_wait3A_142 : memref<1x120xi32, #tpu.memory_space<vmem>> -> memref<120xi32, #tpu.memory_space<vmem>>
    %dma_wait3A_144 = arith.constant 0 : i32
    %dma_wait3A_145 = arith.constant 0 : i32
    %dma_wait3A_146 = tpu.memref_slice %arg9[%dma_wait3A_144, %dma_wait3A_145] : memref<10112x128xf32, #tpu.memory_space<vmem_shared>> -> memref<10112x128xf32, #tpu.memory_space<vmem_shared>>
    %dma_wait3A_147 = tpu.memref_slice %arg13[%rem3A_131] : memref<3x!tpu.dma_semaphore, #tpu.memory_space<semaphore_mem>> -> memref<1x!tpu.dma_semaphore, #tpu.memory_space<semaphore_mem>>
    %dma_wait3A_148 = tpu.memref_squeeze %dma_wait3A_147 : memref<1x!tpu.dma_semaphore, #tpu.memory_space<semaphore_mem>> -> memref<!tpu.dma_semaphore, #tpu.memory_space<semaphore_mem>>
    tpu.wait_indirect_dma semaphore(%dma_wait3A_148 : memref<!tpu.dma_semaphore, #tpu.memory_space<semaphore_mem>>) src(%dma_wait3A_140 : memref<120x128xf32, #tpu.memory_space<vmem>>) dst(%dma_wait3A_146 : memref<10112x128xf32, #tpu.memory_space<vmem_shared>>)
    %rem3A_149 = arith.constant 83 : i32
    %rem3A_150 = arith.constant 3 : i32
    %rem3A_151 = arith.remsi %rem3A_149, %rem3A_150 : i32
    %rem3A_152 = arith.constant 83 : i32
    %rem3A_153 = arith.constant 4 : i32
    %rem3A_154 = arith.remsi %rem3A_152, %rem3A_153 : i32
    %add3A_155 = arith.constant 4 : i32
    %add3A_156 = arith.addi %add3A_155, %rem3A_154 : i32
    %dma_wait3A_157 = arith.constant 0 : i32
    %dma_wait3A_158 = arith.constant 0 : i32
    %dma_wait3A_159 = tpu.memref_slice %arg8[%rem3A_151, %dma_wait3A_157, %dma_wait3A_158] : memref<3x120x128xf32, #tpu.memory_space<vmem>> -> memref<1x120x128xf32, #tpu.memory_space<vmem>>
    %dma_wait3A_160 = tpu.memref_squeeze %dma_wait3A_159 : memref<1x120x128xf32, #tpu.memory_space<vmem>> -> memref<120x128xf32, #tpu.memory_space<vmem>>
    %dma_wait3A_161 = arith.constant 0 : i32
    %dma_wait3A_162 = tpu.memref_slice %arg7[%add3A_156, %dma_wait3A_161] : memref<8x120xi32, #tpu.memory_space<vmem>> -> memref<1x120xi32, #tpu.memory_space<vmem>>
    %dma_wait3A_163 = tpu.memref_squeeze %dma_wait3A_162 : memref<1x120xi32, #tpu.memory_space<vmem>> -> memref<120xi32, #tpu.memory_space<vmem>>
    %dma_wait3A_164 = arith.constant 0 : i32
    %dma_wait3A_165 = arith.constant 0 : i32
    %dma_wait3A_166 = tpu.memref_slice %arg9[%dma_wait3A_164, %dma_wait3A_165] : memref<10112x128xf32, #tpu.memory_space<vmem_shared>> -> memref<10112x128xf32, #tpu.memory_space<vmem_shared>>
    %dma_wait3A_167 = tpu.memref_slice %arg13[%rem3A_151] : memref<3x!tpu.dma_semaphore, #tpu.memory_space<semaphore_mem>> -> memref<1x!tpu.dma_semaphore, #tpu.memory_space<semaphore_mem>>
    %dma_wait3A_168 = tpu.memref_squeeze %dma_wait3A_167 : memref<1x!tpu.dma_semaphore, #tpu.memory_space<semaphore_mem>> -> memref<!tpu.dma_semaphore, #tpu.memory_space<semaphore_mem>>
    tpu.wait_indirect_dma semaphore(%dma_wait3A_168 : memref<!tpu.dma_semaphore, #tpu.memory_space<semaphore_mem>>) src(%dma_wait3A_160 : memref<120x128xf32, #tpu.memory_space<vmem>>) dst(%dma_wait3A_166 : memref<10112x128xf32, #tpu.memory_space<vmem_shared>>)
    %barrier3A_169 = arith.constant 0 : index
    tpu.barrier barrier_id(%barrier3A_169)
    "tpu.region"() ({
      %run_scoped3A = tpu.sem_alloc : memref<!tpu.dma_semaphore, #tpu.memory_space<semaphore_mem>>
      %dma_start3A_170 = arith.constant 0 : i32
      %dma_start3A_171 = tpu.memref_slice %arg6[%arg0, %mul3A_2, %dma_start3A_170] : memref<2x10112x128xf32, #tpu.memory_space<hbm>> -> memref<1x632x128xf32, #tpu.memory_space<hbm>>
      %dma_start3A_172 = tpu.memref_squeeze %dma_start3A_171 : memref<1x632x128xf32, #tpu.memory_space<hbm>> -> memref<632x128xf32, #tpu.memory_space<hbm>>
      %dma_start3A_173 = arith.constant 0 : i32
      %dma_start3A_174 = tpu.memref_slice %arg9[%mul3A_2, %dma_start3A_173] : memref<10112x128xf32, #tpu.memory_space<vmem_shared>> -> memref<632x128xf32, #tpu.memory_space<vmem_shared>>
      tpu.enqueue_dma source(%dma_start3A_174 : memref<632x128xf32, #tpu.memory_space<vmem_shared>>) target(%dma_start3A_172 : memref<632x128xf32, #tpu.memory_space<hbm>>) target_semaphore(%run_scoped3A : memref<!tpu.dma_semaphore, #tpu.memory_space<semaphore_mem>>)
      %dma_wait3A_175 = arith.constant 0 : i32
      %dma_wait3A_176 = tpu.memref_slice %arg6[%arg0, %mul3A_2, %dma_wait3A_175] : memref<2x10112x128xf32, #tpu.memory_space<hbm>> -> memref<1x632x128xf32, #tpu.memory_space<hbm>>
      %dma_wait3A_177 = tpu.memref_squeeze %dma_wait3A_176 : memref<1x632x128xf32, #tpu.memory_space<hbm>> -> memref<632x128xf32, #tpu.memory_space<hbm>>
      %dma_wait3A_178 = arith.constant 0 : i32
      %dma_wait3A_179 = tpu.memref_slice %arg9[%mul3A_2, %dma_wait3A_178] : memref<10112x128xf32, #tpu.memory_space<vmem_shared>> -> memref<632x128xf32, #tpu.memory_space<vmem_shared>>
      tpu.wait_dma2 semaphore(%run_scoped3A : memref<!tpu.dma_semaphore, #tpu.memory_space<semaphore_mem>>) src(%dma_wait3A_179 : memref<632x128xf32, #tpu.memory_space<vmem_shared>>) dst(%dma_wait3A_177 : memref<632x128xf32, #tpu.memory_space<hbm>>)
      tpu.yield
    }) : () -> ()
    return
  }
}

module attributes {stable_mosaic.version = 14 : i64} {
  func.func @_prologue_tc(%arg0: i32, %arg1: memref<1264x128xf32, #tpu.memory_space<vmem>>, %arg2: memref<1264x128xf32, #tpu.memory_space<vmem>>, %arg3: memref<1264x128xf32, #tpu.memory_space<vmem>>, %arg4: memref<1264x128xf32, #tpu.memory_space<vmem>>, %arg5: memref<1264x128xf32, #tpu.memory_space<vmem>>) attributes {dimension_semantics = [#tpu.dimension_semantics<arbitrary>], iteration_bounds = array<i64: 8>, scalar_prefetch = 0 : i64, scratch_operands = 0 : i64, tpu.core_type = #tpu.core_type<tc>, window_params = [{transform_indices = @transform_0, window_bounds = array<i64: 1264, 128>}, {transform_indices = @transform_1, window_bounds = array<i64: 1264, 128>}, {transform_indices = @transform_2, window_bounds = array<i64: 1264, 128>}, {transform_indices = @transform_3, window_bounds = array<i64: 1264, 128>}, {transform_indices = @transform_4, window_bounds = array<i64: 1264, 128>}]} {
    %get3A = arith.constant 0 : index
    %get3A_0 = arith.constant 0 : index
    %get3A_1 = vector.load %arg1[%get3A, %get3A_0] : memref<1264x128xf32, #tpu.memory_space<vmem>>, vector<1264x1xf32>
    %get3A_2 = arith.constant 0 : index
    %get3A_3 = arith.constant 0 : index
    %get3A_4 = vector.load %arg2[%get3A_2, %get3A_3] : memref<1264x128xf32, #tpu.memory_space<vmem>>, vector<1264x1xf32>
    %add3A = arith.addf %get3A_1, %get3A_4 : vector<1264x1xf32>
    %gt3A = arith.constant 0.000000e+00 : f32
    %gt3A_5 = vector.broadcast %gt3A : f32 to vector<1264x1xf32>
    %gt3A_6 = arith.cmpf ogt, %add3A, %gt3A_5 : vector<1264x1xf32>
    %rsqrt3A = math.rsqrt %add3A : vector<1264x1xf32>
    %jit3A = arith.constant 0.000000e+00 : f32
    %broadcast_in_dim3A = vector.broadcast %jit3A : f32 to vector<1264x1xf32>
    %select_n3A = arith.select %gt3A_6, %rsqrt3A, %broadcast_in_dim3A : vector<1264x1xi1>, vector<1264x1xf32>
    %broadcast_in_dim3A_7 = vector.shape_cast %select_n3A : vector<1264x1xf32> to vector<1264x1xf32>
    %broadcast_in_dim3A_8 = vector.broadcast %broadcast_in_dim3A_7 : vector<1264x1xf32> to vector<1264x128xf32>
    %swap3A = arith.constant 0 : index
    %swap3A_9 = arith.constant 0 : index
    %swap3A_10 = vector.load %arg5[%swap3A, %swap3A_9] : memref<1264x128xf32, #tpu.memory_space<vmem>>, vector<1264x128xf32>
    tpu.vector_store %arg5[%swap3A, %swap3A_9], %broadcast_in_dim3A_8 {strides = array<i32>} : memref<1264x128xf32, #tpu.memory_space<vmem>>, vector<1264x128xf32>,
    %get3A_11 = arith.constant 0 : index
    %get3A_12 = arith.constant 0 : index
    %get3A_13 = vector.load %arg3[%get3A_11, %get3A_12] : memref<1264x128xf32, #tpu.memory_space<vmem>>, vector<1264x128xf32>
    %mul3A = arith.mulf %broadcast_in_dim3A_8, %get3A_13 : vector<1264x128xf32>
    %swap3A_14 = arith.constant 0 : index
    %swap3A_15 = arith.constant 0 : index
    %swap3A_16 = vector.load %arg4[%swap3A_14, %swap3A_15] : memref<1264x128xf32, #tpu.memory_space<vmem>>, vector<1264x128xf32>
    tpu.vector_store %arg4[%swap3A_14, %swap3A_15], %mul3A {strides = array<i32>} : memref<1264x128xf32, #tpu.memory_space<vmem>>, vector<1264x128xf32>,
    return
  }
  func.func @transform_0(%arg0: i32) -> (i32, i32) {
    %c0_i32 = arith.constant 0 : i32
    %c0_i32_0 = arith.constant 0 : i32
    return %arg0, %c0_i32 : i32, i32
  }
  func.func @transform_1(%arg0: i32) -> (i32, i32) {
    %c0_i32 = arith.constant 0 : i32
    %c0_i32_0 = arith.constant 0 : i32
    return %arg0, %c0_i32 : i32, i32
  }
  func.func @transform_2(%arg0: i32) -> (i32, i32) {
    %c0_i32 = arith.constant 0 : i32
    %c0_i32_0 = arith.constant 0 : i32
    return %arg0, %c0_i32 : i32, i32
  }
  func.func @transform_3(%arg0: i32) -> (i32, i32) {
    %c0_i32 = arith.constant 0 : i32
    %c0_i32_0 = arith.constant 0 : i32
    return %arg0, %c0_i32 : i32, i32
  }
  func.func @transform_4(%arg0: i32) -> (i32, i32) {
    %c0_i32 = arith.constant 0 : i32
    %c0_i32_0 = arith.constant 0 : i32
    return %arg0, %c0_i32 : i32, i32
  }
}

module attributes {stable_mosaic.version = 14 : i64} {
  func.func @_layer_tc(%arg0: i32, %arg1: memref<1264x128xf32, #tpu.memory_space<vmem>>, %arg2: memref<1264x128xf32, #tpu.memory_space<vmem>>, %arg3: memref<1264x128xf32, #tpu.memory_space<vmem>>, %arg4: memref<1264x128xf32, #tpu.memory_space<vmem>>, %arg5: memref<1264x128xf32, #tpu.memory_space<vmem>>, %arg6: memref<1264x128xf32, #tpu.memory_space<vmem>>) attributes {dimension_semantics = [#tpu.dimension_semantics<arbitrary>], iteration_bounds = array<i64: 8>, scalar_prefetch = 0 : i64, scratch_operands = 0 : i64, tpu.core_type = #tpu.core_type<tc>, window_params = [{transform_indices = @transform_0, window_bounds = array<i64: 1264, 128>}, {transform_indices = @transform_1, window_bounds = array<i64: 1264, 128>}, {transform_indices = @transform_2, window_bounds = array<i64: 1264, 128>}, {transform_indices = @transform_3, window_bounds = array<i64: 1264, 128>}, {transform_indices = @transform_4, window_bounds = array<i64: 1264, 128>}, {transform_indices = @transform_5, window_bounds = array<i64: 1264, 128>}]} {
    %get3A = arith.constant 0 : index
    %get3A_0 = arith.constant 0 : index
    %get3A_1 = vector.load %arg3[%get3A, %get3A_0] : memref<1264x128xf32, #tpu.memory_space<vmem>>, vector<1264x128xf32>
    %get3A_2 = arith.constant 0 : index
    %get3A_3 = arith.constant 0 : index
    %get3A_4 = vector.load %arg1[%get3A_2, %get3A_3] : memref<1264x128xf32, #tpu.memory_space<vmem>>, vector<1264x128xf32>
    %get3A_5 = arith.constant 0 : index
    %get3A_6 = arith.constant 0 : index
    %get3A_7 = vector.load %arg2[%get3A_5, %get3A_6] : memref<1264x128xf32, #tpu.memory_space<vmem>>, vector<1264x128xf32>
    %add3A = arith.addf %get3A_4, %get3A_7 : vector<1264x128xf32>
    %mul3A = arith.mulf %get3A_1, %add3A : vector<1264x128xf32>
    %get3A_8 = arith.constant 0 : index
    %get3A_9 = arith.constant 0 : index
    %get3A_10 = vector.load %arg4[%get3A_8, %get3A_9] : memref<1264x128xf32, #tpu.memory_space<vmem>>, vector<1264x128xf32>
    %add3A_11 = arith.addf %get3A_10, %mul3A : vector<1264x128xf32>
    %swap3A = arith.constant 0 : index
    %swap3A_12 = arith.constant 0 : index
    %swap3A_13 = vector.load %arg5[%swap3A, %swap3A_12] : memref<1264x128xf32, #tpu.memory_space<vmem>>, vector<1264x128xf32>
    tpu.vector_store %arg5[%swap3A, %swap3A_12], %add3A_11 {strides = array<i32>} : memref<1264x128xf32, #tpu.memory_space<vmem>>, vector<1264x128xf32>,
    %get3A_14 = arith.constant 0 : index
    %get3A_15 = arith.constant 0 : index
    %get3A_16 = vector.load %arg3[%get3A_14, %get3A_15] : memref<1264x128xf32, #tpu.memory_space<vmem>>, vector<1264x128xf32>
    %mul3A_17 = arith.mulf %get3A_16, %mul3A : vector<1264x128xf32>
    %swap3A_18 = arith.constant 0 : index
    %swap3A_19 = arith.constant 0 : index
    %swap3A_20 = vector.load %arg6[%swap3A_18, %swap3A_19] : memref<1264x128xf32, #tpu.memory_space<vmem>>, vector<1264x128xf32>
    tpu.vector_store %arg6[%swap3A_18, %swap3A_19], %mul3A_17 {strides = array<i32>} : memref<1264x128xf32, #tpu.memory_space<vmem>>, vector<1264x128xf32>,
    return
  }
  func.func @transform_0(%arg0: i32) -> (i32, i32) {
    %c0_i32 = arith.constant 0 : i32
    %c0_i32_0 = arith.constant 0 : i32
    return %arg0, %c0_i32 : i32, i32
  }
  func.func @transform_1(%arg0: i32) -> (i32, i32) {
    %c0_i32 = arith.constant 0 : i32
    %c0_i32_0 = arith.constant 0 : i32
    return %arg0, %c0_i32 : i32, i32
  }
  func.func @transform_2(%arg0: i32) -> (i32, i32) {
    %c0_i32 = arith.constant 0 : i32
    %c0_i32_0 = arith.constant 0 : i32
    return %arg0, %c0_i32 : i32, i32
  }
  func.func @transform_3(%arg0: i32) -> (i32, i32) {
    %c0_i32 = arith.constant 0 : i32
    %c0_i32_0 = arith.constant 0 : i32
    return %arg0, %c0_i32 : i32, i32
  }
  func.func @transform_4(%arg0: i32) -> (i32, i32) {
    %c0_i32 = arith.constant 0 : i32
    %c0_i32_0 = arith.constant 0 : i32
    return %arg0, %c0_i32 : i32, i32
  }
  func.func @transform_5(%arg0: i32) -> (i32, i32) {
    %c0_i32 = arith.constant 0 : i32
    %c0_i32_0 = arith.constant 0 : i32
    return %arg0, %c0_i32 : i32, i32
  }
}

module attributes {stable_mosaic.version = 14 : i64} {
  func.func @_final_tc(%arg0: i32, %arg1: memref<1264x128xf32, #tpu.memory_space<vmem>>, %arg2: memref<1264x128xf32, #tpu.memory_space<vmem>>, %arg3: memref<1264x128xf32, #tpu.memory_space<vmem>>, %arg4: memref<1264x128xf32, #tpu.memory_space<vmem>>, %arg5: memref<1264x128xf32, #tpu.memory_space<vmem>>) attributes {dimension_semantics = [#tpu.dimension_semantics<arbitrary>], iteration_bounds = array<i64: 8>, scalar_prefetch = 0 : i64, scratch_operands = 0 : i64, tpu.core_type = #tpu.core_type<tc>, window_params = [{transform_indices = @transform_0, window_bounds = array<i64: 1264, 128>}, {transform_indices = @transform_1, window_bounds = array<i64: 1264, 128>}, {transform_indices = @transform_2, window_bounds = array<i64: 1264, 128>}, {transform_indices = @transform_3, window_bounds = array<i64: 1264, 128>}, {transform_indices = @transform_4, window_bounds = array<i64: 1264, 128>}]} {
    %get3A = arith.constant 0 : index
    %get3A_0 = arith.constant 0 : index
    %get3A_1 = vector.load %arg3[%get3A, %get3A_0] : memref<1264x128xf32, #tpu.memory_space<vmem>>, vector<1264x128xf32>
    %get3A_2 = arith.constant 0 : index
    %get3A_3 = arith.constant 0 : index
    %get3A_4 = vector.load %arg1[%get3A_2, %get3A_3] : memref<1264x128xf32, #tpu.memory_space<vmem>>, vector<1264x128xf32>
    %get3A_5 = arith.constant 0 : index
    %get3A_6 = arith.constant 0 : index
    %get3A_7 = vector.load %arg2[%get3A_5, %get3A_6] : memref<1264x128xf32, #tpu.memory_space<vmem>>, vector<1264x128xf32>
    %add3A = arith.addf %get3A_4, %get3A_7 : vector<1264x128xf32>
    %mul3A = arith.mulf %get3A_1, %add3A : vector<1264x128xf32>
    %get3A_8 = arith.constant 0 : index
    %get3A_9 = arith.constant 0 : index
    %get3A_10 = vector.load %arg4[%get3A_8, %get3A_9] : memref<1264x128xf32, #tpu.memory_space<vmem>>, vector<1264x128xf32>
    %add3A_11 = arith.addf %get3A_10, %mul3A : vector<1264x128xf32>
    %mul3A_12 = arith.constant 2.500000e-01 : f32
    %mul3A_13 = vector.broadcast %mul3A_12 : f32 to vector<1264x128xf32>
    %mul3A_14 = arith.mulf %add3A_11, %mul3A_13 : vector<1264x128xf32>
    %swap3A = arith.constant 0 : index
    %swap3A_15 = arith.constant 0 : index
    %swap3A_16 = vector.load %arg5[%swap3A, %swap3A_15] : memref<1264x128xf32, #tpu.memory_space<vmem>>, vector<1264x128xf32>
    tpu.vector_store %arg5[%swap3A, %swap3A_15], %mul3A_14 {strides = array<i32>} : memref<1264x128xf32, #tpu.memory_space<vmem>>, vector<1264x128xf32>,
    return
  }
  func.func @transform_0(%arg0: i32) -> (i32, i32) {
    %c0_i32 = arith.constant 0 : i32
    %c0_i32_0 = arith.constant 0 : i32
    return %arg0, %c0_i32 : i32, i32
  }
  func.func @transform_1(%arg0: i32) -> (i32, i32) {
    %c0_i32 = arith.constant 0 : i32
    %c0_i32_0 = arith.constant 0 : i32
    return %arg0, %c0_i32 : i32, i32
  }
  func.func @transform_2(%arg0: i32) -> (i32, i32) {
    %c0_i32 = arith.constant 0 : i32
    %c0_i32_0 = arith.constant 0 : i32
    return %arg0, %c0_i32 : i32, i32
  }
  func.func @transform_3(%arg0: i32) -> (i32, i32) {
    %c0_i32 = arith.constant 0 : i32
    %c0_i32_0 = arith.constant 0 : i32
    return %arg0, %c0_i32 : i32, i32
  }
  func.func @transform_4(%arg0: i32) -> (i32, i32) {
    %c0_i32 = arith.constant 0 : i32
    %c0_i32_0 = arith.constant 0 : i32
    return %arg0, %c0_i32 : i32, i32
  }
}

</mosaic_0001>

<sc_bundles>
// kernel: kernel.10.cloned.1.call-start
scs
__scs_entry_jumppad:
0x0: {  	(pc) =	sbr.rel $0x88, $3  }
0x1: {  	(tag) =	ssettag $0x0;
	lr =	simm.s32 $0x1  }
0x2: {  	[smem:$0x3F9F] =	sst lr;
	_ =	strace $0xD0000000  }
0x3: {  	_ = 	snop  }
0x4: {  	_ = 	snop  }
0x5: {  	_ = 	snop  }
0x6: {  	_ = 	snop  }
0x7: {  	_ = 	snop  }
__scs_overlays_trampoline_lowered:
0x8: {  	[smem:$0x3FAE] =	sst s0  }
0x9: {  	[smem:$0x3FAF] =	sst s1  }
0xa: {  	[smem:$0x3FB0] =	sst s2  }
0xb: {  	[smem:$0x3FB1] =	sst s3  }
0xc: {  	[smem:$0x3FB2] =	sst s4  }
0xd: {  	[smem:$0x3FB3] =	sst s5  }
0xe: {  	[smem:$0x3FB4] =	sst s6  }
0xf: {  	[smem:$0x3FB5] =	sst s7  }
0x10: {  	[smem:$0x3FB6] =	sst s8  }
0x11: {  	[smem:$0x3FB7] =	sst s9;
	s0 =	simm.s32 @!p0 $0x0  }
0x12: {  	s1 =	sld [smem:$0x3F9D];
	s0 =	simm.s32 @p0 $0x1  }
0x13: {  	[smem:$0x3FB8] =	sst s0;
	s0 =	simm.s32 @!p1 $0x0  }
0x14: {  	s2 =	sld [smem:$0x3F9C];
	s0 =	simm.s32 @p1 $0x1  }
0x15: {  	[smem:$0x3FB9] =	sst s0;
	s0 =	simm.s32 @!p2 $0x0  }
0x16: {  	s3 =	sld [smem:$0x3FDB];
	s0 =	simm.s32 @p2 $0x1  }
0x17: {  	s4 =	simm.s32 $0x1BF5;
	[smem:$0x3FBB] =	sst s0  }
0x18: {  	s0 =	sld [smem:$0x3F9E];
	_ =	swait.ge [sflag:s4], $0x0  }
0x19: {  	s7 =	sld [smem:$0x3F9F]  }
0x1a: {  	s8 =	sadd.s32 $0xFFFFE003, lr  }
0x1b: {  	s9 =	sadd.s32 $0xFFFFFEF7, lr;
	s5 =	simm.s32 $0xFFFFFFFF;
	p2 =	slt.u32 s8, $0xFFFFF086  }
0x1c: {  	p1 =	slt.u32 s9, $0xF7A;
	s5 =	simm.s32 @!p2 $0x0  }
0x1d: {  	s5 =	simm.s32 @p1 $0x1;
	p0 =	seq.s32 s7, s2  }
0x1e: {  	s7 =	smul.u32 @!p0 $0xF7A, s2;
	p2 =	seq.s32 @!p0 s5, $0x0  }
0x1f: {  	s9 =	smul.u32 $0xF7A, s1;
	s8 =	simm.s32 @!p0 $0x1BF5;
	p2 =	por !p2, p0  }
0x20: {  	[sflag:s8] =	ssyncset.s32 @!p0 $0xFFFFF086;
	s6 =	sadd.s32 @!p0 s3, s7;
	s7 =	simm.s32 @!p0 $0x108  }
0x21: {  	s3 =	sadd.s32 s3, s9;
	s6 =	sadd.s32 @!p0 $0x88, s6;
	s7 =	simm.s32 @p2 $0x1082  }
0x22: {  	[simem:s7], [sflag:s8] =	dma.local @!p0 [hbm:s6], $0xF7A  }
0x23: {  	s9 =	sor.u32 $0xD0000000, s2;
	s6 =	simm.s32 $0x108;
	_ =	swait.ge @!p0 [sflag:s8], $0x0  }
0x24: {  	s3 =	sadd.s32 $0x88, s3;
	s6 =	simm.s32 @!p1 $0x1082;
	[sflag:s4] =	ssyncset.s32 $0xFFFFF086  }
0x25: {  	[simem:s6], [sflag:s4] =	dma.local [hbm:s3], $0xF7A  }
0x26: {  	[smem:$0x3F9F] =	sst s1;
	(tag) =	ssettag s2;
	_ =	strace s9  }
0x27: {  	s1 =	sld [smem:$0x3FAF]  }
0x28: {  	s2 =	sld [smem:$0x3FB0]  }
0x29: {  	s4 =	sld [smem:$0x3FB2]  }
0x2a: {  	p0 =	seq.s32 s5, $0x0;
	s5 =	sld [smem:$0x3FB3]  }
0x2b: {  	s6 =	sld [smem:$0x3FB4]  }
0x2c: {  	s7 =	sld [smem:$0x3FB5]  }
0x2d: {  	s3 =	simm.s32 $0x108;
	s8 =	sld [smem:$0x3FB6]  }
0x2e: {  	s3 =	simm.s32 @!p0 $0x1082;
	s9 =	sld [smem:$0x3FB7]  }
0x2f: {  	lr =	sadd.s32 s0, s3;
	s0 =	sld [smem:$0x3FAE]  }
0x30: {  	s3 =	sld [smem:$0x3FB1]  }
0x31: {  	[smem:$0x3FBA] =	sst s10  }
0x32: {  	s10 =	sld [smem:$0x3FB8];
	_ =	sdelay $0x3  }
0x33: {  	p0 =	seq.s32 s10, $0x1;
	s10 =	sld [smem:$0x3FBA];
	_ =	sdelay $0x3  }
0x34: {  	[smem:$0x3FBA] =	sst s10  }
0x35: {  	s10 =	sld [smem:$0x3FB9];
	_ =	sdelay $0x3  }
0x36: {  	p1 =	seq.s32 s10, $0x1;
	s10 =	sld [smem:$0x3FBA];
	_ =	sdelay $0x3  }
0x37: {  	[smem:$0x3FBA] =	sst s10  }
0x38: {  	s10 =	sld [smem:$0x3FBB]  }
0x39: {  	_ = 	snop;
	(pc) =	sbr.ind lr, $3  }
0x3a: {  	_ = 	snop  }
0x3b: {  	_ = 	snop  }
0x3c: {  	p2 =	seq.s32 s10, $0x1;
	s10 =	sld [smem:$0x3FBA]  }
0x3d: {  	_ =	shalt  }
0x3e: {  	_ =	shalt  }
0x3f: {  	_ =	shalt  }
0x40: {  	_ =	shalt  }
0x41: {  	_ =	shalt  }
0x42: {  	_ =	shalt  }
0x43: {  	_ =	shalt  }
0x44: {  	_ =	shalt  }
0x45: {  	_ =	shalt  }
0x46: {  	_ =	shalt  }
0x47: {  	_ =	shalt  }
0x48: {  	_ =	shalt  }
0x49: {  	_ =	shalt  }
0x4a: {  	_ =	shalt  }
0x4b: {  	_ =	shalt  }
0x4c: {  	_ =	shalt  }
0x4d: {  	_ =	shalt  }
0x4e: {  	_ =	shalt  }
0x4f: {  	_ =	shalt  }
0x50: {  	_ =	shalt  }
0x51: {  	_ =	shalt  }
0x52: {  	_ =	shalt  }
0x53: {  	_ =	shalt  }
0x54: {  	_ =	shalt  }
0x55: {  	_ =	shalt  }
0x56: {  	_ =	shalt  }
0x57: {  	_ =	shalt  }
0x58: {  	_ =	shalt  }
0x59: {  	_ =	shalt  }
0x5a: {  	_ =	shalt  }
0x5b: {  	_ =	shalt  }
0x5c: {  	_ =	shalt  }
0x5d: {  	_ =	shalt  }
0x5e: {  	_ =	shalt  }
0x5f: {  	_ =	shalt  }
0x60: {  	_ =	shalt  }
0x61: {  	_ =	shalt  }
0x62: {  	_ =	shalt  }
0x63: {  	_ =	shalt  }
0x64: {  	_ =	shalt  }
0x65: {  	_ =	shalt  }
0x66: {  	_ =	shalt  }
0x67: {  	_ =	shalt  }
0x68: {  	_ =	shalt  }
0x69: {  	_ =	shalt  }
0x6a: {  	_ =	shalt  }
0x6b: {  	_ =	shalt  }
0x6c: {  	_ =	shalt  }
0x6d: {  	_ =	shalt  }
0x6e: {  	_ =	shalt  }
0x6f: {  	_ =	shalt  }
0x70: {  	_ =	shalt  }
0x71: {  	_ =	shalt  }
0x72: {  	_ =	shalt  }
0x73: {  	_ =	shalt  }
0x74: {  	_ =	shalt  }
0x75: {  	_ =	shalt  }
0x76: {  	_ =	shalt  }
0x77: {  	_ =	shalt  }
0x78: {  	_ =	shalt  }
0x79: {  	_ =	shalt  }
0x7a: {  	_ =	shalt  }
0x7b: {  	_ =	shalt  }
0x7c: {  	_ =	shalt  }
0x7d: {  	_ =	shalt  }
0x7e: {  	_ =	shalt  }
0x7f: {  	_ =	shalt  }
0x80: {  	_ =	shalt  }
0x81: {  	_ =	shalt  }
0x82: {  	_ =	shalt  }
0x83: {  	_ =	shalt  }
0x84: {  	_ =	shalt  }
0x85: {  	_ =	shalt  }
0x86: {  	_ =	shalt  }
0x87: {  	_ =	shalt  }
.Lfunc_end0:
.L_simem_size_0:
called_computation_lowered:
.L_overlay_start_0:
0x88: {  	s2 =	sld [smem:$0x3FD9]  }
0x89: {  	s3 =	sld [smem:$0x3FFE];
	_ =	sdelay $0x1  }
0x8a: {  	s1 =	srdreg.scid  }
0x8b: {  	s0 =	sand.u32 $0x1, s1  }
0x8c: {  	s17 =	sshll.u32 s0, $0xA;
	s2 =	sadd.s32 s3, s2  }
0x8d: {  	s2 =	sadd.s32 s2, s17  }
0x8e: {  	[smem:$0x3FC6] =	sst s2  }
0x8f: {  	_ = 	snop  }
0x90: {  	s2 =	sld [smem:$0x3FD0];
	(tm) =	ssettm $0x1  }
0x91: {  	s18 =	sld [smem:$0x3FFB];
	_ =	sdelay $0x3  }
0x92: {  	_ =	strace s18  }
0x93: {  	s3 =	sld [smem:$0x3FFC];
	_ =	sdelay $0x3  }
0x94: {  	_ =	strace s3  }
0x95: {  	s3 =	sld [smem:$0x3FFD];
	_ =	sdelay $0x3  }
0x96: {  	_ =	strace s3  }
0x97: {  	_ =	strace $0x8FFFFFFF  }
0x98: {  	s19 =	sld [smem:$0x3FDB];
	_ =	sdelay $0x1  }
0x99: {  	s4 =	simm.s32 $_scs_section_size  }
0x9a: {  	s5 =	simm.s32 $_size__tile_overlayer_lowered;
	s6 =	simm.s32 $_tile_overlayer_lowered  }
0x9b: {  	s22 =	simm.s32 $0x1BFF;
	s21 =	sshll.u32 s6, $0x1;
	s3 =	sadd.s32 s4, s19  }
0x9c: {  	s7 =	simm.s32 $0x0;
	s20 =	sshll.u32 s5, $0x1;
	s5 =	sadd.s32 s21, s3  }
0x9d: {  	[timem:s7], [sflag:s22] =	dma.local [hbm:s5], s20  }
0x9e: {  	_ =	swait.ge [sflag:s22], s20  }
0x9f: {  	s4 =	ssub.s32 $0x0, s20;
	[sflag:s22] =	ssyncset.done $0x0  }
0xa0: {  	[sflag:s22] =	ssyncadd.s32 s4;
	_ =	sdelay $0x1  }
0xa1: {  	s23 =	simm.s32 $0x1B8B  }
0xa2: {  	_ =	swait.ge [sflag:s23], $0x1  }
0xa3: {  	[sflag:s23] =	ssyncset.done $0x0  }
0xa4: {  	s25 =	simm.s32 $0x1B8E;
	s24 =	sld [smem:$0x3FFE];
	[sflag:s23] =	ssyncadd.s32 $0xFFFFFFFF  }
0xa5: {  	s26 =	simm.s32 $execute0_lowered;
	[smem:$0x3FD2] =	sst s25  }
0xa6: {  	s5 =	sshll.u32 s26, $0x1;
	_ =	strace $0x80000046;
	[dreg:$0x1] =	wrdreg $0xFFFFFFFF  }
0xa7: {  	s28 =	simm.s32 $_size_execute0_lowered;
	s3 =	sadd.s32 s3, s5;
	[dreg:$0x0] =	wrdreg $0x0  }
0xa8: {  	s5 =	sshll.u32 s28, $0x1;
	[dreg:$0x2] =	wrdreg s3  }
0xa9: {  	[dreg:$0x3] =	wrdreg s5  }
0xaa: {  	[dreg:$0x4] =	wrdreg $0xC0  }
0xab: {  	_ =	task [dreg:s7], $0x5FFFF  }
0xac: {  	[dreg:$0x1] =	wrdreg $0xFFFFFFFF  }
0xad: {  	[dreg:$0x0] =	wrdreg $0x60  }
0xae: {  	[dreg:$0x2] =	wrdreg s2  }
0xaf: {  	[dreg:$0x3] =	wrdreg s24  }
0xb0: {  	[dreg:$0x4] =	wrdreg $0x68000  }
0xb1: {  	[dreg:$0x5] =	wrdreg $0x9  }
0xb2: {  	_ =	task.clear_ibuf [dreg:s7], $0x6FFFF;
	_ =	strace $0x90000046  }
0xb3: {  	s29 =	simm.s32 $0x9;
	_ =	strace $0x80000048  }
0xb4: {  	_ =	swait.ge [sflag:s29], $0x1  }
0xb5: {  	[sflag:s29] =	ssyncadd.s32 $0xFFFFFFFF  }
0xb6: {  	_ =	strace $0x90000048  }
0xb7: {  	_ =	sfence  }
0xb8: {  	s30 =	sld [smem:$0x0];
	_ =	sdelay $0x2  }
0xb9: {  	s31 =	sshll.u32 s1, $0xD;
	s1 =	sshrl.u32 s1, $0x2  }
0xba: {  	s3 =	sand.u32 $0x4000, s31;
	s1 =	sadd.s32 s1, s30  }
0xbb: {  	s0 =	sor.u32 s3, s0;
	s1 =	sshll.u32 s1, $0x11  }
0xbc: {  	s0 =	sor.u32 s1, s0  }
0xbd: {  	s0 =	sadd.s32 $0x8F2B, s0  }
0xbe: {  	[sflag:s0] =	ssyncadd.remote.s32 $0x1  }
0xbf: {  	_ =	sfence.sel $0xFFFF  }
0xc0: {  	[dreg:$0x0] =	wrdreg $0xFFFFFFFF;
	(pc) =	sbr.abs _section_cstart, $3  }
0xc1: {  	[dreg:$0x1] =	wrdreg $0xFFFFFFFF  }
0xc2: {  	_ =	task.clear_ibuf [dreg:s7], $0x2FFFF;
	_ =	strace $0x9FFFFFFF  }
0xc3: {  	(tm) =	ssettm $0x7FFFFFFF  }
tec
execute0_lowered:
.L_overlay_start_1:
0x0: {  	(tag) =	ssettag $0x1  }
0x1: {  	s7 =	rddreg [dreg:$0x0]  }
0x2: {  	s5 =	rddreg [dreg:$0x1]  }
0x3: {  	s2 =	rddreg [dreg:$0x2]  }
0x4: {  	s0 =	rddreg [dreg:$0x3]  }
0x5: {  	s1 =	stileid.u32;
	s4 =	srdreg.scid  }
0x6: {  	s3 =	simm.s32 $0x0;
	s15 =	simm.s32 $0x0;
	s6 =	smul.u32 $0x13C00, s1  }
0x7: {  	s8 =	sand.u32 $0x1, s4;
	[smem:$0x7FF] =	sst s3;
	s4 =	sadd.s32 $0x3200, s5  }
0x8: {  	s12 =	smul.u32 $0x4F000, s1;
	s13 =	sshll.u32 s1, $0x1;
	s30 =	sshll.u32 s1, $0x6  }
0x9: {  	s9 =	smul.u32 $0x13C000, s8;
	_ =	strace $0x80000047;
	s26 =	ssub.s32 $0x2, s8  }
0xa: {  	s28 =	sor.u32 s8, s13;
	s13 =	simm.s32 $0x78;
	s10 =	sshrl.u32 s6, $0x3  }
0xb: {  	s11 =	sshrl.u32 s26, $0x1;
	s29 =	sshrl.u32 s12, $0x2;
	s31 =	smul.u32 $0x580, s28  }
0xc: {  	s6 =	sadd.s32 s6, s9;
	s25 =	sadd.s32 s10, s5;
	s10 =	ssub.s32 s26, s11  }
0xd: {  	s12 =	sadd.s32 s29, s2;
	s11 =	simm.s32 $0x2;
	s6 =	sshrl.u32 s6, $0x3  }
0xe: {  	s7 =	sadd.s32 s7, s31;
	s9 =	smax.u32 s10, $0x1;
	s10 =	sshrl.u32 s12, $0x3  }
0xf: {  	s12 =	simm.s32 $0x2C00;
	s14 =	sadd.s32 s6, s5;
	s5 =	sadd.s32 $0x3A00, s25  }
0x10: {  	s6 =	sor.u32 $0x1C02, s30;
	s8 =	sadd.s32 $0x2B200, s14;
	s14 =	simm.s32 $0x1  }
.LBB2_1:
0x11: {  	[spmem:s10], [sflag:s6] =	dma.local [hbm:s5], $0x2780  }
0x12: {  	_ =	swait.ge [sflag:s11], $0x2780  }
0x13: {  	[sflag:s11] =	ssyncset.done $0x0  }
0x14: {  	[sflag:s11] =	ssyncadd.s32 $0xFFFFD880  }
0x15: {  	[tilespmem:s3], [sflag:$0x2] =	stream.linear.gather [hbm4b:s7+s3], $0x2A00, $0x38;
	[tilespmem:$0x1A400] =	vst v63  }
0x16: {  	_ =	swait.ge [sflag:s11], $0x2A00  }
0x17: {  	[sflag:s11] =	ssyncset.done $0x0  }
0x18: {  	[sflag:s11] =	ssyncadd.s32 $0xFFFFD600  }
0x19: {  	[tilespmem:s12], [sflag:$0x2] =	stream.linear.gather [hbm4b:s4+s3], $0x3C00, $0x38;
	[tilespmem:$0x1A400] =	vst v63  }
0x1a: {  	_ =	swait.ge [sflag:s11], $0x3C00  }
0x1b: {  	[sflag:s11] =	ssyncset.done $0x0  }
0x1c: {  	[sflag:s11] =	ssyncadd.s32 $0xFFFFC400  }
0x1d: {  	s16 =	simm.s32 $0x0;
	[bflag:$0x0] =	sbarrier.arrive $0xFFFF  }
.LBB2_2:
0x1e: {  	p0 =	sne.s32 s16, $0xA600  }
.Ltmp0:
0x1f: {  	_ = 	snop;
	(pc) =	sbr.rel @p0 .LBB2_2-.Ltmp0, $3  }
0x20: {  	_ =	sdelay $0x1  }
0x21: {  	s17 =	sshra.s32 s16, $0x2;
	(ifvalue) =	ssetifvalue $0xFFFFFFFF;
	s16 =	sadd.s32 $0x200, s16  }
0x22: {  	[spmem:s2] =	stream.indirect.scatter.add.f32 [tilespmem:s12], [sflag:$0x1], $0x80, s17, s13, $0x40b8;
	[tilespmem:$0x1A400] =	vst v63  }
0x23: {  	_ =	swait.ge [sflag:s14], $0x3C00  }
0x24: {  	s16 =	simm.s32 $0x53;
	[sflag:s14] =	ssyncset.done $0x0  }
.LBB2_4:
0x25: {  	p0 =	sne.s32 s16, $0x1;
	s16 =	sadd.s32 $0xFFFFFFFF, s16;
	[sflag:s14] =	ssyncadd.s32 $0xFFFFC400  }
.Ltmp1:
0x26: {  	(pc) =	sbr.rel @p0 .LBB2_4-.Ltmp1, $3  }
0x27: {  	_ =	sdelay $0x1  }
0x28: {  	_ =	swait.ge [sflag:s14], $0x3C00  }
0x29: {  	[sflag:s14] =	ssyncset.done $0x0  }
0x2a: {  	s15 =	sadd.s32 $0x1, s15  }
0x2b: {  	[sflag:s14] =	ssyncadd.s32 $0xFFFFC400;
	p0 =	sne.s32 s15, s9  }
.Ltmp2:
0x2c: {  	[bflag:$0x0] =	sbarrier.arrive $0xFFFF;
	(pc) =	sbr.rel @p0 .LBB2_1-.Ltmp2, $4  }
0x2d: {  	[hbm:s8], [sflag:s6] =	dma.local [spmem:s10], $0x2780  }
0x2e: {  	_ =	swait.ge [sflag:s11], $0x2780  }
0x2f: {  	[sflag:s11] =	ssyncset.done $0x0  }
0x30: {  	[sflag:s11] =	ssyncadd.s32 $0xFFFFD880  }
0x31: {  	_ =	sfence.sel $0x180000  }
0x32: {  	[bflag:$0x0] =	sbarrier.arrive $0xFFFF  }
0x33: {  	p0 =	sne.s32 s1, $0x0;
	_ =	strace $0x90000047  }
0x34: {  	s0 =	sadd.s32 @!p0 $0x100000, s0;
	[bflag:$0x2] =	sbarrier.arrive $0xFFFF  }
0x35: {  	[sflag:s0] =	ssyncadd.tile.s32 @!p0 $0x1;
	_ =	shalt  }
.Lfunc_end2:
_tile_overlayer_lowered:
.L_overlay_start_2:
0x36: {  	(tag) =	ssettag $0x2  }
0x37: {  	s0 =	rddreg [dreg:$0x0];
	s2 =	stileid.u32  }
0x38: {  	s1 =	rddreg [dreg:$0x1];
	p0 =	sne.s32 s2, $0x0  }
0x39: {  	s3 =	rddreg [dreg:$0x2];
	[bflag:$0x3] =	sbarrier.arrive $0xFFFF;
	s2 =	simm.s32 @!p0 $0x1C02  }
0x3a: {  	[timem:s3], [sflag:s2] =	dma.local @!p0 [hbm:s0], s1  }
0x3b: {  	s0 =	simm.s32 @!p0 $0x2  }
0x3c: {  	_ =	swait.ge @!p0 [sflag:s0], s1  }
0x3d: {  	s1 =	ssub.s32 @!p0 $0x0, s1;
	[sflag:s0] =	ssyncset.done @!p0 $0x0  }
0x3e: {  	[sflag:s0] =	ssyncadd.s32 @!p0 s1  }
0x3f: {  	[bflag:$0x3] =	sbarrier.arrive $0xFFFF  }
0x40: {  	_ =	shalt  }

// kernel: kernel.13.cloned.1.call-start
scs
__scs_entry_jumppad:
0x0: {  	(pc) =	sbr.rel $0x88, $3  }
0x1: {  	(tag) =	ssettag $0x0;
	lr =	simm.s32 $0x1  }
0x2: {  	[smem:$0x3F9F] =	sst lr;
	_ =	strace $0xD0000000  }
0x3: {  	_ = 	snop  }
0x4: {  	_ = 	snop  }
0x5: {  	_ = 	snop  }
0x6: {  	_ = 	snop  }
0x7: {  	_ = 	snop  }
__scs_overlays_trampoline_lowered:
0x8: {  	[smem:$0x3FAE] =	sst s0  }
0x9: {  	[smem:$0x3FAF] =	sst s1  }
0xa: {  	[smem:$0x3FB0] =	sst s2  }
0xb: {  	[smem:$0x3FB1] =	sst s3  }
0xc: {  	[smem:$0x3FB2] =	sst s4  }
0xd: {  	[smem:$0x3FB3] =	sst s5  }
0xe: {  	[smem:$0x3FB4] =	sst s6  }
0xf: {  	[smem:$0x3FB5] =	sst s7  }
0x10: {  	[smem:$0x3FB6] =	sst s8  }
0x11: {  	[smem:$0x3FB7] =	sst s9;
	s0 =	simm.s32 @!p0 $0x0  }
0x12: {  	s1 =	sld [smem:$0x3F9D];
	s0 =	simm.s32 @p0 $0x1  }
0x13: {  	[smem:$0x3FB8] =	sst s0;
	s0 =	simm.s32 @!p1 $0x0  }
0x14: {  	s2 =	sld [smem:$0x3F9C];
	s0 =	simm.s32 @p1 $0x1  }
0x15: {  	[smem:$0x3FB9] =	sst s0;
	s0 =	simm.s32 @!p2 $0x0  }
0x16: {  	s3 =	sld [smem:$0x3FDB];
	s0 =	simm.s32 @p2 $0x1  }
0x17: {  	s4 =	simm.s32 $0x1BF5;
	[smem:$0x3FBB] =	sst s0  }
0x18: {  	s0 =	sld [smem:$0x3F9E];
	_ =	swait.ge [sflag:s4], $0x0  }
0x19: {  	s7 =	sld [smem:$0x3F9F]  }
0x1a: {  	s8 =	sadd.s32 $0xFFFFE003, lr  }
0x1b: {  	s9 =	sadd.s32 $0xFFFFFEF7, lr;
	s5 =	simm.s32 $0xFFFFFFFF;
	p2 =	slt.u32 s8, $0xFFFFF086  }
0x1c: {  	p1 =	slt.u32 s9, $0xF7A;
	s5 =	simm.s32 @!p2 $0x0  }
0x1d: {  	s5 =	simm.s32 @p1 $0x1;
	p0 =	seq.s32 s7, s2  }
0x1e: {  	s7 =	smul.u32 @!p0 $0xF7A, s2;
	p2 =	seq.s32 @!p0 s5, $0x0  }
0x1f: {  	s9 =	smul.u32 $0xF7A, s1;
	s8 =	simm.s32 @!p0 $0x1BF5;
	p2 =	por !p2, p0  }
0x20: {  	[sflag:s8] =	ssyncset.s32 @!p0 $0xFFFFF086;
	s6 =	sadd.s32 @!p0 s3, s7;
	s7 =	simm.s32 @!p0 $0x108  }
0x21: {  	s3 =	sadd.s32 s3, s9;
	s6 =	sadd.s32 @!p0 $0x88, s6;
	s7 =	simm.s32 @p2 $0x1082  }
0x22: {  	[simem:s7], [sflag:s8] =	dma.local @!p0 [hbm:s6], $0xF7A  }
0x23: {  	s9 =	sor.u32 $0xD0000000, s2;
	s6 =	simm.s32 $0x108;
	_ =	swait.ge @!p0 [sflag:s8], $0x0  }
0x24: {  	s3 =	sadd.s32 $0x88, s3;
	s6 =	simm.s32 @!p1 $0x1082;
	[sflag:s4] =	ssyncset.s32 $0xFFFFF086  }
0x25: {  	[simem:s6], [sflag:s4] =	dma.local [hbm:s3], $0xF7A  }
0x26: {  	[smem:$0x3F9F] =	sst s1;
	(tag) =	ssettag s2;
	_ =	strace s9  }
0x27: {  	s1 =	sld [smem:$0x3FAF]  }
0x28: {  	s2 =	sld [smem:$0x3FB0]  }
0x29: {  	s4 =	sld [smem:$0x3FB2]  }
0x2a: {  	p0 =	seq.s32 s5, $0x0;
	s5 =	sld [smem:$0x3FB3]  }
0x2b: {  	s6 =	sld [smem:$0x3FB4]  }
0x2c: {  	s7 =	sld [smem:$0x3FB5]  }
0x2d: {  	s3 =	simm.s32 $0x108;
	s8 =	sld [smem:$0x3FB6]  }
0x2e: {  	s3 =	simm.s32 @!p0 $0x1082;
	s9 =	sld [smem:$0x3FB7]  }
0x2f: {  	lr =	sadd.s32 s0, s3;
	s0 =	sld [smem:$0x3FAE]  }
0x30: {  	s3 =	sld [smem:$0x3FB1]  }
0x31: {  	[smem:$0x3FBA] =	sst s10  }
0x32: {  	s10 =	sld [smem:$0x3FB8];
	_ =	sdelay $0x3  }
0x33: {  	p0 =	seq.s32 s10, $0x1;
	s10 =	sld [smem:$0x3FBA];
	_ =	sdelay $0x3  }
0x34: {  	[smem:$0x3FBA] =	sst s10  }
0x35: {  	s10 =	sld [smem:$0x3FB9];
	_ =	sdelay $0x3  }
0x36: {  	p1 =	seq.s32 s10, $0x1;
	s10 =	sld [smem:$0x3FBA];
	_ =	sdelay $0x3  }
0x37: {  	[smem:$0x3FBA] =	sst s10  }
0x38: {  	s10 =	sld [smem:$0x3FBB]  }
0x39: {  	_ = 	snop;
	(pc) =	sbr.ind lr, $3  }
0x3a: {  	_ = 	snop  }
0x3b: {  	_ = 	snop  }
0x3c: {  	p2 =	seq.s32 s10, $0x1;
	s10 =	sld [smem:$0x3FBA]  }
0x3d: {  	_ =	shalt  }
0x3e: {  	_ =	shalt  }
0x3f: {  	_ =	shalt  }
0x40: {  	_ =	shalt  }
0x41: {  	_ =	shalt  }
0x42: {  	_ =	shalt  }
0x43: {  	_ =	shalt  }
0x44: {  	_ =	shalt  }
0x45: {  	_ =	shalt  }
0x46: {  	_ =	shalt  }
0x47: {  	_ =	shalt  }
0x48: {  	_ =	shalt  }
0x49: {  	_ =	shalt  }
0x4a: {  	_ =	shalt  }
0x4b: {  	_ =	shalt  }
0x4c: {  	_ =	shalt  }
0x4d: {  	_ =	shalt  }
0x4e: {  	_ =	shalt  }
0x4f: {  	_ =	shalt  }
0x50: {  	_ =	shalt  }
0x51: {  	_ =	shalt  }
0x52: {  	_ =	shalt  }
0x53: {  	_ =	shalt  }
0x54: {  	_ =	shalt  }
0x55: {  	_ =	shalt  }
0x56: {  	_ =	shalt  }
0x57: {  	_ =	shalt  }
0x58: {  	_ =	shalt  }
0x59: {  	_ =	shalt  }
0x5a: {  	_ =	shalt  }
0x5b: {  	_ =	shalt  }
0x5c: {  	_ =	shalt  }
0x5d: {  	_ =	shalt  }
0x5e: {  	_ =	shalt  }
0x5f: {  	_ =	shalt  }
0x60: {  	_ =	shalt  }
0x61: {  	_ =	shalt  }
0x62: {  	_ =	shalt  }
0x63: {  	_ =	shalt  }
0x64: {  	_ =	shalt  }
0x65: {  	_ =	shalt  }
0x66: {  	_ =	shalt  }
0x67: {  	_ =	shalt  }
0x68: {  	_ =	shalt  }
0x69: {  	_ =	shalt  }
0x6a: {  	_ =	shalt  }
0x6b: {  	_ =	shalt  }
0x6c: {  	_ =	shalt  }
0x6d: {  	_ =	shalt  }
0x6e: {  	_ =	shalt  }
0x6f: {  	_ =	shalt  }
0x70: {  	_ =	shalt  }
0x71: {  	_ =	shalt  }
0x72: {  	_ =	shalt  }
0x73: {  	_ =	shalt  }
0x74: {  	_ =	shalt  }
0x75: {  	_ =	shalt  }
0x76: {  	_ =	shalt  }
0x77: {  	_ =	shalt  }
0x78: {  	_ =	shalt  }
0x79: {  	_ =	shalt  }
0x7a: {  	_ =	shalt  }
0x7b: {  	_ =	shalt  }
0x7c: {  	_ =	shalt  }
0x7d: {  	_ =	shalt  }
0x7e: {  	_ =	shalt  }
0x7f: {  	_ =	shalt  }
0x80: {  	_ =	shalt  }
0x81: {  	_ =	shalt  }
0x82: {  	_ =	shalt  }
0x83: {  	_ =	shalt  }
0x84: {  	_ =	shalt  }
0x85: {  	_ =	shalt  }
0x86: {  	_ =	shalt  }
0x87: {  	_ =	shalt  }
.Lfunc_end0:
.L_simem_size_0:
called_computation.1_lowered:
.L_overlay_start_0:
0x88: {  	s2 =	sld [smem:$0x3FD9]  }
0x89: {  	s3 =	sld [smem:$0x3FFE];
	_ =	sdelay $0x1  }
0x8a: {  	s1 =	srdreg.scid  }
0x8b: {  	s0 =	sand.u32 $0x1, s1  }
0x8c: {  	s17 =	sshll.u32 s0, $0xA;
	s2 =	sadd.s32 s3, s2  }
0x8d: {  	s2 =	sadd.s32 s2, s17  }
0x8e: {  	[smem:$0x3FC6] =	sst s2  }
0x8f: {  	_ = 	snop  }
0x90: {  	s2 =	sld [smem:$0x3FD0];
	(tm) =	ssettm $0x1  }
0x91: {  	s18 =	sld [smem:$0x3FFB];
	_ =	sdelay $0x3  }
0x92: {  	_ =	strace s18  }
0x93: {  	s3 =	sld [smem:$0x3FFC];
	_ =	sdelay $0x3  }
0x94: {  	_ =	strace s3  }
0x95: {  	s3 =	sld [smem:$0x3FFD];
	_ =	sdelay $0x3  }
0x96: {  	_ =	strace s3  }
0x97: {  	_ =	strace $0x8FFFFFFF  }
0x98: {  	s19 =	sld [smem:$0x3FDB];
	_ =	sdelay $0x1  }
0x99: {  	s4 =	simm.s32 $_scs_section_size  }
0x9a: {  	s5 =	simm.s32 $_size__tile_overlayer_lowered;
	s6 =	simm.s32 $_tile_overlayer_lowered  }
0x9b: {  	s22 =	simm.s32 $0x1BFF;
	s21 =	sshll.u32 s6, $0x1;
	s3 =	sadd.s32 s4, s19  }
0x9c: {  	s7 =	simm.s32 $0x0;
	s20 =	sshll.u32 s5, $0x1;
	s5 =	sadd.s32 s21, s3  }
0x9d: {  	[timem:s7], [sflag:s22] =	dma.local [hbm:s5], s20  }
0x9e: {  	_ =	swait.ge [sflag:s22], s20  }
0x9f: {  	s4 =	ssub.s32 $0x0, s20;
	[sflag:s22] =	ssyncset.done $0x0  }
0xa0: {  	[sflag:s22] =	ssyncadd.s32 s4;
	_ =	sdelay $0x1  }
0xa1: {  	s23 =	simm.s32 $0x1B8B  }
0xa2: {  	_ =	swait.ge [sflag:s23], $0x1  }
0xa3: {  	[sflag:s23] =	ssyncset.done $0x0  }
0xa4: {  	s25 =	simm.s32 $0x1B8E;
	s24 =	sld [smem:$0x3FFE];
	[sflag:s23] =	ssyncadd.s32 $0xFFFFFFFF  }
0xa5: {  	s26 =	simm.s32 $execute0_lowered;
	[smem:$0x3FD2] =	sst s25  }
0xa6: {  	s5 =	sshll.u32 s26, $0x1;
	_ =	strace $0x80000049;
	[dreg:$0x1] =	wrdreg $0xFFFFFFFF  }
0xa7: {  	s28 =	simm.s32 $_size_execute0_lowered;
	s3 =	sadd.s32 s3, s5;
	[dreg:$0x0] =	wrdreg $0x0  }
0xa8: {  	s5 =	sshll.u32 s28, $0x1;
	[dreg:$0x2] =	wrdreg s3  }
0xa9: {  	[dreg:$0x3] =	wrdreg s5  }
0xaa: {  	[dreg:$0x4] =	wrdreg $0xC0  }
0xab: {  	_ =	task [dreg:s7], $0x5FFFF  }
0xac: {  	[dreg:$0x1] =	wrdreg $0xFFFFFFFF  }
0xad: {  	[dreg:$0x0] =	wrdreg $0x60  }
0xae: {  	[dreg:$0x2] =	wrdreg s24  }
0xaf: {  	[dreg:$0x3] =	wrdreg s2  }
0xb0: {  	[dreg:$0x4] =	wrdreg $0xB8000  }
0xb1: {  	[dreg:$0x5] =	wrdreg $0x9  }
0xb2: {  	_ =	task.clear_ibuf [dreg:s7], $0x6FFFF;
	_ =	strace $0x90000049  }
0xb3: {  	s29 =	simm.s32 $0x9;
	_ =	strace $0x8000004B  }
0xb4: {  	_ =	swait.ge [sflag:s29], $0x1  }
0xb5: {  	[sflag:s29] =	ssyncadd.s32 $0xFFFFFFFF  }
0xb6: {  	_ =	strace $0x9000004B  }
0xb7: {  	_ =	sfence  }
0xb8: {  	s30 =	sld [smem:$0x0];
	_ =	sdelay $0x2  }
0xb9: {  	s31 =	sshll.u32 s1, $0xD;
	s1 =	sshrl.u32 s1, $0x2  }
0xba: {  	s3 =	sand.u32 $0x4000, s31;
	s1 =	sadd.s32 s1, s30  }
0xbb: {  	s0 =	sor.u32 s3, s0;
	s1 =	sshll.u32 s1, $0x11  }
0xbc: {  	s0 =	sor.u32 s1, s0  }
0xbd: {  	s0 =	sadd.s32 $0x8F2B, s0  }
0xbe: {  	[sflag:s0] =	ssyncadd.remote.s32 $0x1  }
0xbf: {  	_ =	sfence.sel $0xFFFF  }
0xc0: {  	[dreg:$0x0] =	wrdreg $0xFFFFFFFF;
	(pc) =	sbr.abs _section_cstart, $3  }
0xc1: {  	[dreg:$0x1] =	wrdreg $0xFFFFFFFF  }
0xc2: {  	_ =	task.clear_ibuf [dreg:s7], $0x2FFFF;
	_ =	strace $0x9FFFFFFF  }
0xc3: {  	(tm) =	ssettm $0x7FFFFFFF  }
tec
execute0_lowered:
.L_overlay_start_1:
0x0: {  	(tag) =	ssettag $0x1  }
0x1: {  	s8 =	rddreg [dreg:$0x0]  }
0x2: {  	s2 =	rddreg [dreg:$0x1]  }
0x3: {  	s3 =	rddreg [dreg:$0x2];
	s4 =	simm.s32 $0x0  }
0x4: {  	s0 =	stileid.u32;
	s5 =	srdreg.scid;
	s20 =	simm.s32 $0x280  }
0x5: {  	s21 =	simm.s32 $0x1;
	s22 =	simm.s32 $0x5;
	s23 =	simm.s32 $0x78  }
0x6: {  	s28 =	simm.s32 $0x0;
	[smem:$0x7FF] =	sst s4;
	s7 =	smul.u32 $0x13C00, s0  }
0x7: {  	s9 =	sand.u32 $0x1, s5;
	s5 =	sadd.s32 $0x2B200, s8;
	s6 =	sadd.s32 $0x7A200, s8  }
0x8: {  	s24 =	sshll.u32 s0, $0x1;
	s13 =	smul.u32 $0x4F000, s0;
	s29 =	sshll.u32 s0, $0x6  }
0x9: {  	_ =	strace $0x8000004A;
	s10 =	smul.u32 $0x13C000, s9;
	s12 =	ssub.s32 $0x2, s9  }
0xa: {  	s9 =	sor.u32 s9, s24;
	s24 =	simm.s32 $0x400;
	s11 =	sshrl.u32 s7, $0x3  }
0xb: {  	s14 =	sshrl.u32 s12, $0x1;
	s26 =	sshrl.u32 s13, $0x2;
	s11 =	sadd.s32 s11, s8  }
0xc: {  	s7 =	sadd.s32 s7, s10;
	s16 =	ssub.s32 s12, s14;
	s17 =	sadd.s32 s26, s3  }
0xd: {  	s26 =	simm.s32 $0xE;
	s25 =	sshrl.u32 s7, $0x3;
	s7 =	smul.u32 $0x2C00, s9  }
.Ltmp0:
0xe: {  	s9 =	sor.u32 $0x1C0F, s29;
	s15 =	sadd.s32 s25, s8;
	(pc) =	sbr.rel .LBB2_1-.Ltmp0, $4  }
0xf: {  	s8 =	sadd.s32 $0x3A00, s11;
	s25 =	simm.s32 $0xD;
	s30 =	sshrl.u32 s7, $0x3  }
0x10: {  	s14 =	sadd.s32 $0xACA00, s15;
	s15 =	smax.u32 s16, $0x1;
	s16 =	sshrl.u32 s17, $0x3  }
0x11: {  	s17 =	simm.s32 $0xF;
	s31 =	sor.u32 $0x10, s30;
	s10 =	sadd.s32 s6, s30  }
0x12: {  	s11 =	sadd.s32 s2, s30;
	s12 =	sadd.s32 s6, s31;
	s13 =	sadd.s32 s2, s31  }
.LBB2_8:
0x13: {  	_ =	swait.ge [sflag:s25], $0x3C00  }
0x14: {  	[sflag:s25] =	ssyncset.done $0x0  }
0x15: {  	[sflag:s25] =	ssyncadd.s32 $0xFFFFC400  }
0x16: {  	_ =	swait.ge [sflag:s26], $0x3C00  }
0x17: {  	s28 =	sadd.s32 $0x1, s28;
	[sflag:s26] =	ssyncset.done $0x0  }
0x18: {  	p0 =	sne.s32 s28, s15;
	[sflag:s26] =	ssyncadd.s32 $0xFFFFC400  }
.Ltmp1:
0x19: {  	[bflag:$0x0] =	sbarrier.arrive $0xFFFF;
	(pc) =	sbr.rel @!p0 .LBB2_9-.Ltmp1, $4  }
0x1a: {  	[hbm:s14], [sflag:s9] =	dma.local [spmem:s16], $0x2780  }
0x1b: {  	_ =	swait.ge [sflag:s17], $0x2780  }
0x1c: {  	[sflag:s17] =	ssyncset.done $0x0  }
0x1d: {  	[sflag:s17] =	ssyncadd.s32 $0xFFFFD880  }
.LBB2_1:
0x1e: {  	[spmem:s16], [sflag:s9] =	dma.local [hbm:s8], $0x2780  }
0x1f: {  	_ =	swait.ge [sflag:s17], $0x2780  }
0x20: {  	[sflag:s17] =	ssyncset.done $0x0  }
0x21: {  	[sflag:s17] =	ssyncadd.s32 $0xFFFFD880  }
0x22: {  	[bflag:$0x0] =	sbarrier.arrive $0xFFFF  }
0x23: {  	[tilespmem:s4], [sflag:$0x1] =	stream.linear.gather [hbm4b:s10+s4], $0x80, $0x38;
	[tilespmem:$0x1F400] =	vst v63  }
0x24: {  	s0 =	simm.s32 $0x200  }
0x25: {  	[tilespmem:s0], [sflag:$0x5] =	stream.linear.gather [hbm4b:s11+s4], $0x80, $0x38;
	[tilespmem:$0x1F400] =	vst v63  }
0x26: {  	s31 =	simm.s32 $0x80  }
0x27: {  	[tilespmem:s31], [sflag:$0x2] =	stream.linear.gather [hbm4b:s12+s4], $0x80, $0x38;
	[tilespmem:$0x1F400] =	vst v63  }
0x28: {  	_ = 	snop  }
0x29: {  	[tilespmem:s20], [sflag:$0x6] =	stream.linear.gather [hbm4b:s13+s4], $0x80, $0x38;
	[tilespmem:$0x1F400] =	vst v63  }
0x2a: {  	_ =	swait.ge [sflag:s21], $0x80  }
0x2b: {  	[sflag:s21] =	ssyncset.done $0x0  }
0x2c: {  	[sflag:s21] =	ssyncadd.s32 $0xFFFFFF80  }
.Ltmp2:
0x2d: {  	_ =	swait.ge [sflag:s22], $0x80;
	(pc) =	sbr.rel .LBB2_2-.Ltmp2, $4  }
0x2e: {  	[sflag:s22] =	ssyncset.done $0x0  }
0x2f: {  	[sflag:s22] =	ssyncadd.s32 $0xFFFFFF80;
	(ifvalue) =	ssetifvalue $0xFFFFFFFF  }
0x30: {  	s29 =	simm.s32 $0x0;
	(ifvalue) =	ssetifvalue $0xFFFFFFFF  }
0x31: {  	[tilespmem:s24], [sflag:$0x9] =	stream.indirect.gather [hbm4b:s5+s23], $0x80, s4, s23, $0x40b8;
	[tilespmem:$0x1F400] =	vst v63  }
.LBB2_6:
0x32: {  	s30 =	simm.s32 $0x54;
	s31 =	simm.s32 $0x2  }
.LBB2_7:
0x33: {  	s0 =	smul.u32 $0xF000, s31;
	s1 =	sadd.s32 $0x9, s31;
	p0 =	slt.u32 s30, $0x54  }
.Ltmp3:
0x34: {  	s18 =	sshll.u32 s29, $0x7;
	s31 =	sadd.s32 $0xC, s31;
	(pc) =	sbr.rel @!p0 .LBB2_8-.Ltmp3, $4  }
0x35: {  	s29 =	smov.u32 s30;
	_ =	swait.ge [sflag:s1], $0x3C00;
	s0 =	sshrl.u32 s0, $0x2  }
0x36: {  	s19 =	sand.u32 $0x180, s18;
	[sflag:s1] =	ssyncset.done $0x0;
	s0 =	sadd.s32 $0x400, s0  }
0x37: {  	[sflag:s1] =	ssyncadd.s32 $0xFFFFC400;
	s1 =	sor.u32 $0x200, s19;
	(ifvalue) =	ssetifvalue $0xFFFFFFFF  }
0x38: {  	[spmem:s3] =	stream.indirect.scatter.add.f32 [tilespmem:s0], [sflag:s31], $0x80, s1, s23, $0x40b8;
	[tilespmem:$0x1F400] =	vst v63  }
.LBB2_2:
0x39: {  	p0 =	slt.u32 s29, $0x2  }
0x3a: {  	s30 =	sadd.s32 @!p0 $0xFFFFFFFE, s29  }
0x3b: {  	s31 =	sand.u32 @!p0 $0xFF, s30  }
0x3c: {  	s31 =	smul.u32 @!p0 $0xAB, s31;
	_ =	sdelay $0x1  }
0x3d: {  	s31 =	sshrl.u32 @!p0 s31, $0x9  }
0x3e: {  	s31 =	smul.u32 @!p0 $0x3, s31  }
0x3f: {  	p1 =	sgt.u32 @!p0 s29, $0x51  }
0x40: {  	p1 =	por p0, !p1;
	s30 =	ssub.s32 @!p0 s30, s31  }
.Ltmp4:
0x41: {  	s30 =	sor.u32 @!p0 $0xC, s30;
	(pc) =	sbr.rel @!p1 .LBB2_5-.Ltmp4, $4  }
0x42: {  	s30 =	sand.u32 @!p0 $0xFF, s30  }
0x43: {  	_ =	swait.ge @!p0 [sflag:s30], $0x3C00  }
0x44: {  	[sflag:s30] =	ssyncset.done @!p0 $0x0  }
0x45: {  	[sflag:s30] =	ssyncadd.s32 @!p0 $0xFFFFC400  }
0x46: {  	s30 =	sadd.s32 $0x2, s29  }
0x47: {  	s31 =	sshll.u32 s30, $0x7  }
0x48: {  	s0 =	sand.u32 $0x7C00, s31  }
0x49: {  	s31 =	sand.u32 $0x380, s31;
	s0 =	sadd.s32 s7, s0  }
0x4a: {  	s0 =	sor.u32 s31, s0  }
0x4b: {  	s19 =	smul.u32 $0xAB, s29;
	s30 =	sand.u32 $0x3, s30;
	s0 =	sshrl.u32 s0, $0x3  }
0x4c: {  	s1 =	sadd.s32 $0x1, s30;
	s31 =	sshll.u32 s30, $0x7;
	s18 =	sadd.s32 s6, s0  }
0x4d: {  	[tilespmem:s31], [sflag:s1] =	stream.linear.gather [hbm4b:s18+s4], $0x80, $0x38;
	[tilespmem:$0x1F400] =	vst v63  }
0x4e: {  	s18 =	sshrl.u32 s19, $0x9  }
.Ltmp5:
0x4f: {  	s30 =	sadd.s32 $0x5, s30;
	s1 =	sand.u32 $0x7F, s18;
	(pc) =	sbr.rel .LBB2_4-.Ltmp5, $4  }
0x50: {  	s0 =	sadd.s32 s2, s0;
	s19 =	sor.u32 $0x200, s31;
	s1 =	smul.u32 $0x3, s1  }
0x51: {  	[tilespmem:s19], [sflag:s30] =	stream.linear.gather [hbm4b:s0+s4], $0x80, $0x38;
	[tilespmem:$0x1F400] =	vst v63  }
0x52: {  	s30 =	ssub.s32 s29, s1  }
0x53: {  	s31 =	sand.u32 $0xFF, s30  }
.LBB2_5:
0x54: {  	p0 =	seq.s32 s29, $0x53  }
.Ltmp6:
0x55: {  	_ = 	snop;
	(pc) =	sbr.rel @p0 .LBB2_6-.Ltmp6, $2  }
0x56: {  	_ =	sdelay $0x2  }
0x57: {  	s31 =	simm.s32 $0x1  }
.LBB2_4:
0x58: {  	s30 =	sadd.s32 $0x1, s29  }
0x59: {  	s0 =	smul.u32 $0xAB, s30;
	_ =	sdelay $0x1  }
0x5a: {  	s0 =	sshrl.u32 s0, $0x9  }
0x5b: {  	s0 =	sand.u32 $0x7F, s0  }
0x5c: {  	s1 =	sand.u32 $0x3, s30;
	s0 =	smul.u32 $0x3, s0  }
0x5d: {  	s18 =	sadd.s32 $0x1, s1  }
0x5e: {  	_ =	swait.ge [sflag:s18], $0x80;
	s0 =	ssub.s32 s30, s0  }
0x5f: {  	[sflag:s18] =	ssyncset.done $0x0;
	s0 =	sand.u32 $0xFF, s0  }
0x60: {  	[sflag:s18] =	ssyncadd.s32 $0xFFFFFF80;
	s18 =	sadd.s32 $0x5, s1;
	s19 =	smul.u32 $0xF000, s0  }
.Ltmp7:
0x61: {  	_ =	swait.ge [sflag:s18], $0x80;
	(pc) =	sbr.rel .LBB2_7-.Ltmp7, $4  }
0x62: {  	s1 =	sshll.u32 s1, $0x7;
	[sflag:s18] =	ssyncset.done $0x0  }
0x63: {  	[sflag:s18] =	ssyncadd.s32 $0xFFFFFF80;
	(ifvalue) =	ssetifvalue $0xFFFFFFFF;
	s19 =	sshrl.u32 s19, $0x2  }
0x64: {  	s0 =	sadd.s32 $0x9, s0;
	(ifvalue) =	ssetifvalue $0xFFFFFFFF;
	s18 =	sadd.s32 $0x400, s19  }
0x65: {  	[tilespmem:s18], [sflag:s0] =	stream.indirect.gather [hbm4b:s5+s23], $0x80, s1, s23, $0x40b8;
	[tilespmem:$0x1F400] =	vst v63  }
.LBB2_9:
0x66: {  	_ =	sfence.sel $0x180000  }
0x67: {  	[bflag:$0x0] =	sbarrier.arrive $0xFFFF  }
0x68: {  	_ =	strace $0x9000004A  }
0x69: {  	s0 =	stileid.u32;
	[bflag:$0x2] =	sbarrier.arrive $0xFFFF  }
0x6a: {  	p0 =	sne.s32 s0, $0x0;
	s0 =	rddreg [dreg:$0x3]  }
0x6b: {  	s0 =	sadd.s32 @!p0 $0x100000, s0  }
0x6c: {  	[sflag:s0] =	ssyncadd.tile.s32 @!p0 $0x1;
	_ =	shalt  }
.Lfunc_end2:
_tile_overlayer_lowered:
.L_overlay_start_2:
0x6d: {  	(tag) =	ssettag $0x2  }
0x6e: {  	s0 =	rddreg [dreg:$0x0];
	s2 =	stileid.u32  }
0x6f: {  	s1 =	rddreg [dreg:$0x1];
	p0 =	sne.s32 s2, $0x0  }
0x70: {  	s3 =	rddreg [dreg:$0x2];
	[bflag:$0x3] =	sbarrier.arrive $0xFFFF;
	s2 =	simm.s32 @!p0 $0x1C0F  }
0x71: {  	[timem:s3], [sflag:s2] =	dma.local @!p0 [hbm:s0], s1  }
0x72: {  	s0 =	simm.s32 @!p0 $0xF  }
0x73: {  	_ =	swait.ge @!p0 [sflag:s0], s1  }
0x74: {  	s1 =	ssub.s32 @!p0 $0x0, s1;
	[sflag:s0] =	ssyncset.done @!p0 $0x0  }
0x75: {  	[sflag:s0] =	ssyncadd.s32 @!p0 s1  }
0x76: {  	[bflag:$0x3] =	sbarrier.arrive $0xFFFF  }
0x77: {  	_ =	shalt  }

// kernel: kernel.16.cloned.1.call-start
scs
__scs_entry_jumppad:
0x0: {  	(pc) =	sbr.rel $0x88, $3  }
0x1: {  	(tag) =	ssettag $0x0;
	lr =	simm.s32 $0x1  }
0x2: {  	[smem:$0x3F9F] =	sst lr;
	_ =	strace $0xD0000000  }
0x3: {  	_ = 	snop  }
0x4: {  	_ = 	snop  }
0x5: {  	_ = 	snop  }
0x6: {  	_ = 	snop  }
0x7: {  	_ = 	snop  }
__scs_overlays_trampoline_lowered:
0x8: {  	[smem:$0x3FAE] =	sst s0  }
0x9: {  	[smem:$0x3FAF] =	sst s1  }
0xa: {  	[smem:$0x3FB0] =	sst s2  }
0xb: {  	[smem:$0x3FB1] =	sst s3  }
0xc: {  	[smem:$0x3FB2] =	sst s4  }
0xd: {  	[smem:$0x3FB3] =	sst s5  }
0xe: {  	[smem:$0x3FB4] =	sst s6  }
0xf: {  	[smem:$0x3FB5] =	sst s7  }
0x10: {  	[smem:$0x3FB6] =	sst s8  }
0x11: {  	[smem:$0x3FB7] =	sst s9;
	s0 =	simm.s32 @!p0 $0x0  }
0x12: {  	s1 =	sld [smem:$0x3F9D];
	s0 =	simm.s32 @p0 $0x1  }
0x13: {  	[smem:$0x3FB8] =	sst s0;
	s0 =	simm.s32 @!p1 $0x0  }
0x14: {  	s2 =	sld [smem:$0x3F9C];
	s0 =	simm.s32 @p1 $0x1  }
0x15: {  	[smem:$0x3FB9] =	sst s0;
	s0 =	simm.s32 @!p2 $0x0  }
0x16: {  	s3 =	sld [smem:$0x3FDB];
	s0 =	simm.s32 @p2 $0x1  }
0x17: {  	s4 =	simm.s32 $0x1BF5;
	[smem:$0x3FBB] =	sst s0  }
0x18: {  	s0 =	sld [smem:$0x3F9E];
	_ =	swait.ge [sflag:s4], $0x0  }
0x19: {  	s7 =	sld [smem:$0x3F9F]  }
0x1a: {  	s8 =	sadd.s32 $0xFFFFE003, lr  }
0x1b: {  	s9 =	sadd.s32 $0xFFFFFEF7, lr;
	s5 =	simm.s32 $0xFFFFFFFF;
	p2 =	slt.u32 s8, $0xFFFFF086  }
0x1c: {  	p1 =	slt.u32 s9, $0xF7A;
	s5 =	simm.s32 @!p2 $0x0  }
0x1d: {  	s5 =	simm.s32 @p1 $0x1;
	p0 =	seq.s32 s7, s2  }
0x1e: {  	s7 =	smul.u32 @!p0 $0xF7A, s2;
	p2 =	seq.s32 @!p0 s5, $0x0  }
0x1f: {  	s9 =	smul.u32 $0xF7A, s1;
	s8 =	simm.s32 @!p0 $0x1BF5;
	p2 =	por !p2, p0  }
0x20: {  	[sflag:s8] =	ssyncset.s32 @!p0 $0xFFFFF086;
	s6 =	sadd.s32 @!p0 s3, s7;
	s7 =	simm.s32 @!p0 $0x108  }
0x21: {  	s3 =	sadd.s32 s3, s9;
	s6 =	sadd.s32 @!p0 $0x88, s6;
	s7 =	simm.s32 @p2 $0x1082  }
0x22: {  	[simem:s7], [sflag:s8] =	dma.local @!p0 [hbm:s6], $0xF7A  }
0x23: {  	s9 =	sor.u32 $0xD0000000, s2;
	s6 =	simm.s32 $0x108;
	_ =	swait.ge @!p0 [sflag:s8], $0x0  }
0x24: {  	s3 =	sadd.s32 $0x88, s3;
	s6 =	simm.s32 @!p1 $0x1082;
	[sflag:s4] =	ssyncset.s32 $0xFFFFF086  }
0x25: {  	[simem:s6], [sflag:s4] =	dma.local [hbm:s3], $0xF7A  }
0x26: {  	[smem:$0x3F9F] =	sst s1;
	(tag) =	ssettag s2;
	_ =	strace s9  }
0x27: {  	s1 =	sld [smem:$0x3FAF]  }
0x28: {  	s2 =	sld [smem:$0x3FB0]  }
0x29: {  	s4 =	sld [smem:$0x3FB2]  }
0x2a: {  	p0 =	seq.s32 s5, $0x0;
	s5 =	sld [smem:$0x3FB3]  }
0x2b: {  	s6 =	sld [smem:$0x3FB4]  }
0x2c: {  	s7 =	sld [smem:$0x3FB5]  }
0x2d: {  	s3 =	simm.s32 $0x108;
	s8 =	sld [smem:$0x3FB6]  }
0x2e: {  	s3 =	simm.s32 @!p0 $0x1082;
	s9 =	sld [smem:$0x3FB7]  }
0x2f: {  	lr =	sadd.s32 s0, s3;
	s0 =	sld [smem:$0x3FAE]  }
0x30: {  	s3 =	sld [smem:$0x3FB1]  }
0x31: {  	[smem:$0x3FBA] =	sst s10  }
0x32: {  	s10 =	sld [smem:$0x3FB8];
	_ =	sdelay $0x3  }
0x33: {  	p0 =	seq.s32 s10, $0x1;
	s10 =	sld [smem:$0x3FBA];
	_ =	sdelay $0x3  }
0x34: {  	[smem:$0x3FBA] =	sst s10  }
0x35: {  	s10 =	sld [smem:$0x3FB9];
	_ =	sdelay $0x3  }
0x36: {  	p1 =	seq.s32 s10, $0x1;
	s10 =	sld [smem:$0x3FBA];
	_ =	sdelay $0x3  }
0x37: {  	[smem:$0x3FBA] =	sst s10  }
0x38: {  	s10 =	sld [smem:$0x3FBB]  }
0x39: {  	_ = 	snop;
	(pc) =	sbr.ind lr, $3  }
0x3a: {  	_ = 	snop  }
0x3b: {  	_ = 	snop  }
0x3c: {  	p2 =	seq.s32 s10, $0x1;
	s10 =	sld [smem:$0x3FBA]  }
0x3d: {  	_ =	shalt  }
0x3e: {  	_ =	shalt  }
0x3f: {  	_ =	shalt  }
0x40: {  	_ =	shalt  }
0x41: {  	_ =	shalt  }
0x42: {  	_ =	shalt  }
0x43: {  	_ =	shalt  }
0x44: {  	_ =	shalt  }
0x45: {  	_ =	shalt  }
0x46: {  	_ =	shalt  }
0x47: {  	_ =	shalt  }
0x48: {  	_ =	shalt  }
0x49: {  	_ =	shalt  }
0x4a: {  	_ =	shalt  }
0x4b: {  	_ =	shalt  }
0x4c: {  	_ =	shalt  }
0x4d: {  	_ =	shalt  }
0x4e: {  	_ =	shalt  }
0x4f: {  	_ =	shalt  }
0x50: {  	_ =	shalt  }
0x51: {  	_ =	shalt  }
0x52: {  	_ =	shalt  }
0x53: {  	_ =	shalt  }
0x54: {  	_ =	shalt  }
0x55: {  	_ =	shalt  }
0x56: {  	_ =	shalt  }
0x57: {  	_ =	shalt  }
0x58: {  	_ =	shalt  }
0x59: {  	_ =	shalt  }
0x5a: {  	_ =	shalt  }
0x5b: {  	_ =	shalt  }
0x5c: {  	_ =	shalt  }
0x5d: {  	_ =	shalt  }
0x5e: {  	_ =	shalt  }
0x5f: {  	_ =	shalt  }
0x60: {  	_ =	shalt  }
0x61: {  	_ =	shalt  }
0x62: {  	_ =	shalt  }
0x63: {  	_ =	shalt  }
0x64: {  	_ =	shalt  }
0x65: {  	_ =	shalt  }
0x66: {  	_ =	shalt  }
0x67: {  	_ =	shalt  }
0x68: {  	_ =	shalt  }
0x69: {  	_ =	shalt  }
0x6a: {  	_ =	shalt  }
0x6b: {  	_ =	shalt  }
0x6c: {  	_ =	shalt  }
0x6d: {  	_ =	shalt  }
0x6e: {  	_ =	shalt  }
0x6f: {  	_ =	shalt  }
0x70: {  	_ =	shalt  }
0x71: {  	_ =	shalt  }
0x72: {  	_ =	shalt  }
0x73: {  	_ =	shalt  }
0x74: {  	_ =	shalt  }
0x75: {  	_ =	shalt  }
0x76: {  	_ =	shalt  }
0x77: {  	_ =	shalt  }
0x78: {  	_ =	shalt  }
0x79: {  	_ =	shalt  }
0x7a: {  	_ =	shalt  }
0x7b: {  	_ =	shalt  }
0x7c: {  	_ =	shalt  }
0x7d: {  	_ =	shalt  }
0x7e: {  	_ =	shalt  }
0x7f: {  	_ =	shalt  }
0x80: {  	_ =	shalt  }
0x81: {  	_ =	shalt  }
0x82: {  	_ =	shalt  }
0x83: {  	_ =	shalt  }
0x84: {  	_ =	shalt  }
0x85: {  	_ =	shalt  }
0x86: {  	_ =	shalt  }
0x87: {  	_ =	shalt  }
.Lfunc_end0:
.L_simem_size_0:
called_computation.2_lowered:
.L_overlay_start_0:
0x88: {  	s2 =	sld [smem:$0x3FD9]  }
0x89: {  	s3 =	sld [smem:$0x3FFE];
	_ =	sdelay $0x1  }
0x8a: {  	s1 =	srdreg.scid  }
0x8b: {  	s0 =	sand.u32 $0x1, s1  }
0x8c: {  	s17 =	sshll.u32 s0, $0xA;
	s2 =	sadd.s32 s3, s2  }
0x8d: {  	s2 =	sadd.s32 s2, s17  }
0x8e: {  	[smem:$0x3FC6] =	sst s2  }
0x8f: {  	_ = 	snop  }
0x90: {  	s2 =	sld [smem:$0x3FD0];
	(tm) =	ssettm $0x1  }
0x91: {  	s18 =	sld [smem:$0x3FFB];
	_ =	sdelay $0x3  }
0x92: {  	_ =	strace s18  }
0x93: {  	s3 =	sld [smem:$0x3FFC];
	_ =	sdelay $0x3  }
0x94: {  	_ =	strace s3  }
0x95: {  	s3 =	sld [smem:$0x3FFD];
	_ =	sdelay $0x3  }
0x96: {  	_ =	strace s3  }
0x97: {  	_ =	strace $0x8FFFFFFF  }
0x98: {  	s19 =	sld [smem:$0x3FDB];
	_ =	sdelay $0x1  }
0x99: {  	s4 =	simm.s32 $_scs_section_size  }
0x9a: {  	s5 =	simm.s32 $_size__tile_overlayer_lowered;
	s6 =	simm.s32 $_tile_overlayer_lowered  }
0x9b: {  	s22 =	simm.s32 $0x1BFF;
	s21 =	sshll.u32 s6, $0x1;
	s3 =	sadd.s32 s4, s19  }
0x9c: {  	s7 =	simm.s32 $0x0;
	s20 =	sshll.u32 s5, $0x1;
	s5 =	sadd.s32 s21, s3  }
0x9d: {  	[timem:s7], [sflag:s22] =	dma.local [hbm:s5], s20  }
0x9e: {  	_ =	swait.ge [sflag:s22], s20  }
0x9f: {  	s4 =	ssub.s32 $0x0, s20;
	[sflag:s22] =	ssyncset.done $0x0  }
0xa0: {  	[sflag:s22] =	ssyncadd.s32 s4;
	_ =	sdelay $0x1  }
0xa1: {  	s23 =	simm.s32 $0x1B8B  }
0xa2: {  	_ =	swait.ge [sflag:s23], $0x1  }
0xa3: {  	[sflag:s23] =	ssyncset.done $0x0  }
0xa4: {  	s25 =	simm.s32 $0x1B8E;
	s24 =	sld [smem:$0x3FFE];
	[sflag:s23] =	ssyncadd.s32 $0xFFFFFFFF  }
0xa5: {  	s26 =	simm.s32 $execute0_lowered;
	[smem:$0x3FD2] =	sst s25  }
0xa6: {  	s5 =	sshll.u32 s26, $0x1;
	_ =	strace $0x8000004C;
	[dreg:$0x1] =	wrdreg $0xFFFFFFFF  }
0xa7: {  	s28 =	simm.s32 $_size_execute0_lowered;
	s3 =	sadd.s32 s3, s5;
	[dreg:$0x0] =	wrdreg $0x0  }
0xa8: {  	s5 =	sshll.u32 s28, $0x1;
	[dreg:$0x2] =	wrdreg s3  }
0xa9: {  	[dreg:$0x3] =	wrdreg s5  }
0xaa: {  	[dreg:$0x4] =	wrdreg $0xC0  }
0xab: {  	_ =	task [dreg:s7], $0x5FFFF  }
0xac: {  	[dreg:$0x1] =	wrdreg $0xFFFFFFFF  }
0xad: {  	[dreg:$0x0] =	wrdreg $0x60  }
0xae: {  	[dreg:$0x2] =	wrdreg s24  }
0xaf: {  	[dreg:$0x3] =	wrdreg s2  }
0xb0: {  	[dreg:$0x4] =	wrdreg $0xB8000  }
0xb1: {  	[dreg:$0x5] =	wrdreg $0x9  }
0xb2: {  	_ =	task.clear_ibuf [dreg:s7], $0x6FFFF;
	_ =	strace $0x9000004C  }
0xb3: {  	s29 =	simm.s32 $0x9;
	_ =	strace $0x8000004E  }
0xb4: {  	_ =	swait.ge [sflag:s29], $0x1  }
0xb5: {  	[sflag:s29] =	ssyncadd.s32 $0xFFFFFFFF  }
0xb6: {  	_ =	strace $0x9000004E  }
0xb7: {  	_ =	sfence  }
0xb8: {  	s30 =	sld [smem:$0x0];
	_ =	sdelay $0x2  }
0xb9: {  	s31 =	sshll.u32 s1, $0xD;
	s1 =	sshrl.u32 s1, $0x2  }
0xba: {  	s3 =	sand.u32 $0x4000, s31;
	s1 =	sadd.s32 s1, s30  }
0xbb: {  	s0 =	sor.u32 s3, s0;
	s1 =	sshll.u32 s1, $0x11  }
0xbc: {  	s0 =	sor.u32 s1, s0  }
0xbd: {  	s0 =	sadd.s32 $0x8F2B, s0  }
0xbe: {  	[sflag:s0] =	ssyncadd.remote.s32 $0x1  }
0xbf: {  	_ =	sfence.sel $0xFFFF  }
0xc0: {  	[dreg:$0x0] =	wrdreg $0xFFFFFFFF;
	(pc) =	sbr.abs _section_cstart, $3  }
0xc1: {  	[dreg:$0x1] =	wrdreg $0xFFFFFFFF  }
0xc2: {  	_ =	task.clear_ibuf [dreg:s7], $0x2FFFF;
	_ =	strace $0x9FFFFFFF  }
0xc3: {  	(tm) =	ssettm $0x7FFFFFFF  }
tec
execute0_lowered:
.L_overlay_start_1:
0x0: {  	(tag) =	ssettag $0x1  }
0x1: {  	s8 =	rddreg [dreg:$0x0]  }
0x2: {  	s2 =	rddreg [dreg:$0x1]  }
0x3: {  	s3 =	rddreg [dreg:$0x2];
	s4 =	simm.s32 $0x0  }
0x4: {  	s0 =	stileid.u32;
	s5 =	srdreg.scid;
	s20 =	simm.s32 $0x280  }
0x5: {  	s21 =	simm.s32 $0x1;
	s22 =	simm.s32 $0x5;
	s23 =	simm.s32 $0x78  }
0x6: {  	s28 =	simm.s32 $0x0;
	[smem:$0x7FF] =	sst s4;
	s7 =	smul.u32 $0x13C00, s0  }
0x7: {  	s9 =	sand.u32 $0x1, s5;
	s5 =	sadd.s32 $0x2B200, s8;
	s6 =	sadd.s32 $0x7A200, s8  }
0x8: {  	s24 =	sshll.u32 s0, $0x1;
	s13 =	smul.u32 $0x4F000, s0;
	s29 =	sshll.u32 s0, $0x6  }
0x9: {  	_ =	strace $0x8000004D;
	s10 =	smul.u32 $0x13C000, s9;
	s12 =	ssub.s32 $0x2, s9  }
0xa: {  	s9 =	sor.u32 s9, s24;
	s24 =	simm.s32 $0x400;
	s11 =	sshrl.u32 s7, $0x3  }
0xb: {  	s14 =	sshrl.u32 s12, $0x1;
	s26 =	sshrl.u32 s13, $0x2;
	s11 =	sadd.s32 s11, s8  }
0xc: {  	s7 =	sadd.s32 s7, s10;
	s16 =	ssub.s32 s12, s14;
	s17 =	sadd.s32 s26, s3  }
0xd: {  	s26 =	simm.s32 $0xE;
	s25 =	sshrl.u32 s7, $0x3;
	s7 =	smul.u32 $0x2C00, s9  }
.Ltmp0:
0xe: {  	s9 =	sor.u32 $0x1C0F, s29;
	s15 =	sadd.s32 s25, s8;
	(pc) =	sbr.rel .LBB2_1-.Ltmp0, $4  }
0xf: {  	s8 =	sadd.s32 $0x3A00, s11;
	s25 =	simm.s32 $0xD;
	s30 =	sshrl.u32 s7, $0x3  }
0x10: {  	s14 =	sadd.s32 $0xACA00, s15;
	s15 =	smax.u32 s16, $0x1;
	s16 =	sshrl.u32 s17, $0x3  }
0x11: {  	s17 =	simm.s32 $0xF;
	s31 =	sor.u32 $0x10, s30;
	s10 =	sadd.s32 s6, s30  }
0x12: {  	s11 =	sadd.s32 s2, s30;
	s12 =	sadd.s32 s6, s31;
	s13 =	sadd.s32 s2, s31  }
.LBB2_8:
0x13: {  	_ =	swait.ge [sflag:s25], $0x3C00  }
0x14: {  	[sflag:s25] =	ssyncset.done $0x0  }
0x15: {  	[sflag:s25] =	ssyncadd.s32 $0xFFFFC400  }
0x16: {  	_ =	swait.ge [sflag:s26], $0x3C00  }
0x17: {  	s28 =	sadd.s32 $0x1, s28;
	[sflag:s26] =	ssyncset.done $0x0  }
0x18: {  	p0 =	sne.s32 s28, s15;
	[sflag:s26] =	ssyncadd.s32 $0xFFFFC400  }
.Ltmp1:
0x19: {  	[bflag:$0x0] =	sbarrier.arrive $0xFFFF;
	(pc) =	sbr.rel @!p0 .LBB2_9-.Ltmp1, $4  }
0x1a: {  	[hbm:s14], [sflag:s9] =	dma.local [spmem:s16], $0x2780  }
0x1b: {  	_ =	swait.ge [sflag:s17], $0x2780  }
0x1c: {  	[sflag:s17] =	ssyncset.done $0x0  }
0x1d: {  	[sflag:s17] =	ssyncadd.s32 $0xFFFFD880  }
.LBB2_1:
0x1e: {  	[spmem:s16], [sflag:s9] =	dma.local [hbm:s8], $0x2780  }
0x1f: {  	_ =	swait.ge [sflag:s17], $0x2780  }
0x20: {  	[sflag:s17] =	ssyncset.done $0x0  }
0x21: {  	[sflag:s17] =	ssyncadd.s32 $0xFFFFD880  }
0x22: {  	[bflag:$0x0] =	sbarrier.arrive $0xFFFF  }
0x23: {  	[tilespmem:s4], [sflag:$0x1] =	stream.linear.gather [hbm4b:s10+s4], $0x80, $0x38;
	[tilespmem:$0x1F400] =	vst v63  }
0x24: {  	s0 =	simm.s32 $0x200  }
0x25: {  	[tilespmem:s0], [sflag:$0x5] =	stream.linear.gather [hbm4b:s11+s4], $0x80, $0x38;
	[tilespmem:$0x1F400] =	vst v63  }
0x26: {  	s31 =	simm.s32 $0x80  }
0x27: {  	[tilespmem:s31], [sflag:$0x2] =	stream.linear.gather [hbm4b:s12+s4], $0x80, $0x38;
	[tilespmem:$0x1F400] =	vst v63  }
0x28: {  	_ = 	snop  }
0x29: {  	[tilespmem:s20], [sflag:$0x6] =	stream.linear.gather [hbm4b:s13+s4], $0x80, $0x38;
	[tilespmem:$0x1F400] =	vst v63  }
0x2a: {  	_ =	swait.ge [sflag:s21], $0x80  }
0x2b: {  	[sflag:s21] =	ssyncset.done $0x0  }
0x2c: {  	[sflag:s21] =	ssyncadd.s32 $0xFFFFFF80  }
.Ltmp2:
0x2d: {  	_ =	swait.ge [sflag:s22], $0x80;
	(pc) =	sbr.rel .LBB2_2-.Ltmp2, $4  }
0x2e: {  	[sflag:s22] =	ssyncset.done $0x0  }
0x2f: {  	[sflag:s22] =	ssyncadd.s32 $0xFFFFFF80;
	(ifvalue) =	ssetifvalue $0xFFFFFFFF  }
0x30: {  	s29 =	simm.s32 $0x0;
	(ifvalue) =	ssetifvalue $0xFFFFFFFF  }
0x31: {  	[tilespmem:s24], [sflag:$0x9] =	stream.indirect.gather [hbm4b:s5+s23], $0x80, s4, s23, $0x40b8;
	[tilespmem:$0x1F400] =	vst v63  }
.LBB2_6:
0x32: {  	s30 =	simm.s32 $0x54;
	s31 =	simm.s32 $0x2  }
.LBB2_7:
0x33: {  	s0 =	smul.u32 $0xF000, s31;
	s1 =	sadd.s32 $0x9, s31;
	p0 =	slt.u32 s30, $0x54  }
.Ltmp3:
0x34: {  	s18 =	sshll.u32 s29, $0x7;
	s31 =	sadd.s32 $0xC, s31;
	(pc) =	sbr.rel @!p0 .LBB2_8-.Ltmp3, $4  }
0x35: {  	s29 =	smov.u32 s30;
	_ =	swait.ge [sflag:s1], $0x3C00;
	s0 =	sshrl.u32 s0, $0x2  }
0x36: {  	s19 =	sand.u32 $0x180, s18;
	[sflag:s1] =	ssyncset.done $0x0;
	s0 =	sadd.s32 $0x400, s0  }
0x37: {  	[sflag:s1] =	ssyncadd.s32 $0xFFFFC400;
	s1 =	sor.u32 $0x200, s19;
	(ifvalue) =	ssetifvalue $0xFFFFFFFF  }
0x38: {  	[spmem:s3] =	stream.indirect.scatter.add.f32 [tilespmem:s0], [sflag:s31], $0x80, s1, s23, $0x40b8;
	[tilespmem:$0x1F400] =	vst v63  }
.LBB2_2:
0x39: {  	p0 =	slt.u32 s29, $0x2  }
0x3a: {  	s30 =	sadd.s32 @!p0 $0xFFFFFFFE, s29  }
0x3b: {  	s31 =	sand.u32 @!p0 $0xFF, s30  }
0x3c: {  	s31 =	smul.u32 @!p0 $0xAB, s31;
	_ =	sdelay $0x1  }
0x3d: {  	s31 =	sshrl.u32 @!p0 s31, $0x9  }
0x3e: {  	s31 =	smul.u32 @!p0 $0x3, s31  }
0x3f: {  	p1 =	sgt.u32 @!p0 s29, $0x51  }
0x40: {  	p1 =	por p0, !p1;
	s30 =	ssub.s32 @!p0 s30, s31  }
.Ltmp4:
0x41: {  	s30 =	sor.u32 @!p0 $0xC, s30;
	(pc) =	sbr.rel @!p1 .LBB2_5-.Ltmp4, $4  }
0x42: {  	s30 =	sand.u32 @!p0 $0xFF, s30  }
0x43: {  	_ =	swait.ge @!p0 [sflag:s30], $0x3C00  }
0x44: {  	[sflag:s30] =	ssyncset.done @!p0 $0x0  }
0x45: {  	[sflag:s30] =	ssyncadd.s32 @!p0 $0xFFFFC400  }
0x46: {  	s30 =	sadd.s32 $0x2, s29  }
0x47: {  	s31 =	sshll.u32 s30, $0x7  }
0x48: {  	s0 =	sand.u32 $0x7C00, s31  }
0x49: {  	s31 =	sand.u32 $0x380, s31;
	s0 =	sadd.s32 s7, s0  }
0x4a: {  	s0 =	sor.u32 s31, s0  }
0x4b: {  	s19 =	smul.u32 $0xAB, s29;
	s30 =	sand.u32 $0x3, s30;
	s0 =	sshrl.u32 s0, $0x3  }
0x4c: {  	s1 =	sadd.s32 $0x1, s30;
	s31 =	sshll.u32 s30, $0x7;
	s18 =	sadd.s32 s6, s0  }
0x4d: {  	[tilespmem:s31], [sflag:s1] =	stream.linear.gather [hbm4b:s18+s4], $0x80, $0x38;
	[tilespmem:$0x1F400] =	vst v63  }
0x4e: {  	s18 =	sshrl.u32 s19, $0x9  }
.Ltmp5:
0x4f: {  	s30 =	sadd.s32 $0x5, s30;
	s1 =	sand.u32 $0x7F, s18;
	(pc) =	sbr.rel .LBB2_4-.Ltmp5, $4  }
0x50: {  	s0 =	sadd.s32 s2, s0;
	s19 =	sor.u32 $0x200, s31;
	s1 =	smul.u32 $0x3, s1  }
0x51: {  	[tilespmem:s19], [sflag:s30] =	stream.linear.gather [hbm4b:s0+s4], $0x80, $0x38;
	[tilespmem:$0x1F400] =	vst v63  }
0x52: {  	s30 =	ssub.s32 s29, s1  }
0x53: {  	s31 =	sand.u32 $0xFF, s30  }
.LBB2_5:
0x54: {  	p0 =	seq.s32 s29, $0x53  }
.Ltmp6:
0x55: {  	_ = 	snop;
	(pc) =	sbr.rel @p0 .LBB2_6-.Ltmp6, $2  }
0x56: {  	_ =	sdelay $0x2  }
0x57: {  	s31 =	simm.s32 $0x1  }
.LBB2_4:
0x58: {  	s30 =	sadd.s32 $0x1, s29  }
0x59: {  	s0 =	smul.u32 $0xAB, s30;
	_ =	sdelay $0x1  }
0x5a: {  	s0 =	sshrl.u32 s0, $0x9  }
0x5b: {  	s0 =	sand.u32 $0x7F, s0  }
0x5c: {  	s1 =	sand.u32 $0x3, s30;
	s0 =	smul.u32 $0x3, s0  }
0x5d: {  	s18 =	sadd.s32 $0x1, s1  }
0x5e: {  	_ =	swait.ge [sflag:s18], $0x80;
	s0 =	ssub.s32 s30, s0  }
0x5f: {  	[sflag:s18] =	ssyncset.done $0x0;
	s0 =	sand.u32 $0xFF, s0  }
0x60: {  	[sflag:s18] =	ssyncadd.s32 $0xFFFFFF80;
	s18 =	sadd.s32 $0x5, s1;
	s19 =	smul.u32 $0xF000, s0  }
.Ltmp7:
0x61: {  	_ =	swait.ge [sflag:s18], $0x80;
	(pc) =	sbr.rel .LBB2_7-.Ltmp7, $4  }
0x62: {  	s1 =	sshll.u32 s1, $0x7;
	[sflag:s18] =	ssyncset.done $0x0  }
0x63: {  	[sflag:s18] =	ssyncadd.s32 $0xFFFFFF80;
	(ifvalue) =	ssetifvalue $0xFFFFFFFF;
	s19 =	sshrl.u32 s19, $0x2  }
0x64: {  	s0 =	sadd.s32 $0x9, s0;
	(ifvalue) =	ssetifvalue $0xFFFFFFFF;
	s18 =	sadd.s32 $0x400, s19  }
0x65: {  	[tilespmem:s18], [sflag:s0] =	stream.indirect.gather [hbm4b:s5+s23], $0x80, s1, s23, $0x40b8;
	[tilespmem:$0x1F400] =	vst v63  }
.LBB2_9:
0x66: {  	_ =	sfence.sel $0x180000  }
0x67: {  	[bflag:$0x0] =	sbarrier.arrive $0xFFFF  }
0x68: {  	_ =	strace $0x9000004D  }
0x69: {  	s0 =	stileid.u32;
	[bflag:$0x2] =	sbarrier.arrive $0xFFFF  }
0x6a: {  	p0 =	sne.s32 s0, $0x0;
	s0 =	rddreg [dreg:$0x3]  }
0x6b: {  	s0 =	sadd.s32 @!p0 $0x100000, s0  }
0x6c: {  	[sflag:s0] =	ssyncadd.tile.s32 @!p0 $0x1;
	_ =	shalt  }
.Lfunc_end2:
_tile_overlayer_lowered:
.L_overlay_start_2:
0x6d: {  	(tag) =	ssettag $0x2  }
0x6e: {  	s0 =	rddreg [dreg:$0x0];
	s2 =	stileid.u32  }
0x6f: {  	s1 =	rddreg [dreg:$0x1];
	p0 =	sne.s32 s2, $0x0  }
0x70: {  	s3 =	rddreg [dreg:$0x2];
	[bflag:$0x3] =	sbarrier.arrive $0xFFFF;
	s2 =	simm.s32 @!p0 $0x1C0F  }
0x71: {  	[timem:s3], [sflag:s2] =	dma.local @!p0 [hbm:s0], s1  }
0x72: {  	s0 =	simm.s32 @!p0 $0xF  }
0x73: {  	_ =	swait.ge @!p0 [sflag:s0], s1  }
0x74: {  	s1 =	ssub.s32 @!p0 $0x0, s1;
	[sflag:s0] =	ssyncset.done @!p0 $0x0  }
0x75: {  	[sflag:s0] =	ssyncadd.s32 @!p0 s1  }
0x76: {  	[bflag:$0x3] =	sbarrier.arrive $0xFFFF  }
0x77: {  	_ =	shalt  }

// kernel: kernel.19.cloned.1.call-start
scs
__scs_entry_jumppad:
0x0: {  	(pc) =	sbr.rel $0x88, $3  }
0x1: {  	(tag) =	ssettag $0x0;
	lr =	simm.s32 $0x1  }
0x2: {  	[smem:$0x3F9F] =	sst lr;
	_ =	strace $0xD0000000  }
0x3: {  	_ = 	snop  }
0x4: {  	_ = 	snop  }
0x5: {  	_ = 	snop  }
0x6: {  	_ = 	snop  }
0x7: {  	_ = 	snop  }
__scs_overlays_trampoline_lowered:
0x8: {  	[smem:$0x3FAE] =	sst s0  }
0x9: {  	[smem:$0x3FAF] =	sst s1  }
0xa: {  	[smem:$0x3FB0] =	sst s2  }
0xb: {  	[smem:$0x3FB1] =	sst s3  }
0xc: {  	[smem:$0x3FB2] =	sst s4  }
0xd: {  	[smem:$0x3FB3] =	sst s5  }
0xe: {  	[smem:$0x3FB4] =	sst s6  }
0xf: {  	[smem:$0x3FB5] =	sst s7  }
0x10: {  	[smem:$0x3FB6] =	sst s8  }
0x11: {  	[smem:$0x3FB7] =	sst s9;
	s0 =	simm.s32 @!p0 $0x0  }
0x12: {  	s1 =	sld [smem:$0x3F9D];
	s0 =	simm.s32 @p0 $0x1  }
0x13: {  	[smem:$0x3FB8] =	sst s0;
	s0 =	simm.s32 @!p1 $0x0  }
0x14: {  	s2 =	sld [smem:$0x3F9C];
	s0 =	simm.s32 @p1 $0x1  }
0x15: {  	[smem:$0x3FB9] =	sst s0;
	s0 =	simm.s32 @!p2 $0x0  }
0x16: {  	s3 =	sld [smem:$0x3FDB];
	s0 =	simm.s32 @p2 $0x1  }
0x17: {  	s4 =	simm.s32 $0x1BF5;
	[smem:$0x3FBB] =	sst s0  }
0x18: {  	s0 =	sld [smem:$0x3F9E];
	_ =	swait.ge [sflag:s4], $0x0  }
0x19: {  	s7 =	sld [smem:$0x3F9F]  }
0x1a: {  	s8 =	sadd.s32 $0xFFFFE003, lr  }
0x1b: {  	s9 =	sadd.s32 $0xFFFFFEF7, lr;
	s5 =	simm.s32 $0xFFFFFFFF;
	p2 =	slt.u32 s8, $0xFFFFF086  }
0x1c: {  	p1 =	slt.u32 s9, $0xF7A;
	s5 =	simm.s32 @!p2 $0x0  }
0x1d: {  	s5 =	simm.s32 @p1 $0x1;
	p0 =	seq.s32 s7, s2  }
0x1e: {  	s7 =	smul.u32 @!p0 $0xF7A, s2;
	p2 =	seq.s32 @!p0 s5, $0x0  }
0x1f: {  	s9 =	smul.u32 $0xF7A, s1;
	s8 =	simm.s32 @!p0 $0x1BF5;
	p2 =	por !p2, p0  }
0x20: {  	[sflag:s8] =	ssyncset.s32 @!p0 $0xFFFFF086;
	s6 =	sadd.s32 @!p0 s3, s7;
	s7 =	simm.s32 @!p0 $0x108  }
0x21: {  	s3 =	sadd.s32 s3, s9;
	s6 =	sadd.s32 @!p0 $0x88, s6;
	s7 =	simm.s32 @p2 $0x1082  }
0x22: {  	[simem:s7], [sflag:s8] =	dma.local @!p0 [hbm:s6], $0xF7A  }
0x23: {  	s9 =	sor.u32 $0xD0000000, s2;
	s6 =	simm.s32 $0x108;
	_ =	swait.ge @!p0 [sflag:s8], $0x0  }
0x24: {  	s3 =	sadd.s32 $0x88, s3;
	s6 =	simm.s32 @!p1 $0x1082;
	[sflag:s4] =	ssyncset.s32 $0xFFFFF086  }
0x25: {  	[simem:s6], [sflag:s4] =	dma.local [hbm:s3], $0xF7A  }
0x26: {  	[smem:$0x3F9F] =	sst s1;
	(tag) =	ssettag s2;
	_ =	strace s9  }
0x27: {  	s1 =	sld [smem:$0x3FAF]  }
0x28: {  	s2 =	sld [smem:$0x3FB0]  }
0x29: {  	s4 =	sld [smem:$0x3FB2]  }
0x2a: {  	p0 =	seq.s32 s5, $0x0;
	s5 =	sld [smem:$0x3FB3]  }
0x2b: {  	s6 =	sld [smem:$0x3FB4]  }
0x2c: {  	s7 =	sld [smem:$0x3FB5]  }
0x2d: {  	s3 =	simm.s32 $0x108;
	s8 =	sld [smem:$0x3FB6]  }
0x2e: {  	s3 =	simm.s32 @!p0 $0x1082;
	s9 =	sld [smem:$0x3FB7]  }
0x2f: {  	lr =	sadd.s32 s0, s3;
	s0 =	sld [smem:$0x3FAE]  }
0x30: {  	s3 =	sld [smem:$0x3FB1]  }
0x31: {  	[smem:$0x3FBA] =	sst s10  }
0x32: {  	s10 =	sld [smem:$0x3FB8];
	_ =	sdelay $0x3  }
0x33: {  	p0 =	seq.s32 s10, $0x1;
	s10 =	sld [smem:$0x3FBA];
	_ =	sdelay $0x3  }
0x34: {  	[smem:$0x3FBA] =	sst s10  }
0x35: {  	s10 =	sld [smem:$0x3FB9];
	_ =	sdelay $0x3  }
0x36: {  	p1 =	seq.s32 s10, $0x1;
	s10 =	sld [smem:$0x3FBA];
	_ =	sdelay $0x3  }
0x37: {  	[smem:$0x3FBA] =	sst s10  }
0x38: {  	s10 =	sld [smem:$0x3FBB]  }
0x39: {  	_ = 	snop;
	(pc) =	sbr.ind lr, $3  }
0x3a: {  	_ = 	snop  }
0x3b: {  	_ = 	snop  }
0x3c: {  	p2 =	seq.s32 s10, $0x1;
	s10 =	sld [smem:$0x3FBA]  }
0x3d: {  	_ =	shalt  }
0x3e: {  	_ =	shalt  }
0x3f: {  	_ =	shalt  }
0x40: {  	_ =	shalt  }
0x41: {  	_ =	shalt  }
0x42: {  	_ =	shalt  }
0x43: {  	_ =	shalt  }
0x44: {  	_ =	shalt  }
0x45: {  	_ =	shalt  }
0x46: {  	_ =	shalt  }
0x47: {  	_ =	shalt  }
0x48: {  	_ =	shalt  }
0x49: {  	_ =	shalt  }
0x4a: {  	_ =	shalt  }
0x4b: {  	_ =	shalt  }
0x4c: {  	_ =	shalt  }
0x4d: {  	_ =	shalt  }
0x4e: {  	_ =	shalt  }
0x4f: {  	_ =	shalt  }
0x50: {  	_ =	shalt  }
0x51: {  	_ =	shalt  }
0x52: {  	_ =	shalt  }
0x53: {  	_ =	shalt  }
0x54: {  	_ =	shalt  }
0x55: {  	_ =	shalt  }
0x56: {  	_ =	shalt  }
0x57: {  	_ =	shalt  }
0x58: {  	_ =	shalt  }
0x59: {  	_ =	shalt  }
0x5a: {  	_ =	shalt  }
0x5b: {  	_ =	shalt  }
0x5c: {  	_ =	shalt  }
0x5d: {  	_ =	shalt  }
0x5e: {  	_ =	shalt  }
0x5f: {  	_ =	shalt  }
0x60: {  	_ =	shalt  }
0x61: {  	_ =	shalt  }
0x62: {  	_ =	shalt  }
0x63: {  	_ =	shalt  }
0x64: {  	_ =	shalt  }
0x65: {  	_ =	shalt  }
0x66: {  	_ =	shalt  }
0x67: {  	_ =	shalt  }
0x68: {  	_ =	shalt  }
0x69: {  	_ =	shalt  }
0x6a: {  	_ =	shalt  }
0x6b: {  	_ =	shalt  }
0x6c: {  	_ =	shalt  }
0x6d: {  	_ =	shalt  }
0x6e: {  	_ =	shalt  }
0x6f: {  	_ =	shalt  }
0x70: {  	_ =	shalt  }
0x71: {  	_ =	shalt  }
0x72: {  	_ =	shalt  }
0x73: {  	_ =	shalt  }
0x74: {  	_ =	shalt  }
0x75: {  	_ =	shalt  }
0x76: {  	_ =	shalt  }
0x77: {  	_ =	shalt  }
0x78: {  	_ =	shalt  }
0x79: {  	_ =	shalt  }
0x7a: {  	_ =	shalt  }
0x7b: {  	_ =	shalt  }
0x7c: {  	_ =	shalt  }
0x7d: {  	_ =	shalt  }
0x7e: {  	_ =	shalt  }
0x7f: {  	_ =	shalt  }
0x80: {  	_ =	shalt  }
0x81: {  	_ =	shalt  }
0x82: {  	_ =	shalt  }
0x83: {  	_ =	shalt  }
0x84: {  	_ =	shalt  }
0x85: {  	_ =	shalt  }
0x86: {  	_ =	shalt  }
0x87: {  	_ =	shalt  }
.Lfunc_end0:
.L_simem_size_0:
called_computation.3_lowered:
.L_overlay_start_0:
0x88: {  	s2 =	sld [smem:$0x3FD9]  }
0x89: {  	s3 =	sld [smem:$0x3FFE];
	_ =	sdelay $0x1  }
0x8a: {  	s1 =	srdreg.scid  }
0x8b: {  	s0 =	sand.u32 $0x1, s1  }
0x8c: {  	s17 =	sshll.u32 s0, $0xA;
	s2 =	sadd.s32 s3, s2  }
0x8d: {  	s2 =	sadd.s32 s2, s17  }
0x8e: {  	[smem:$0x3FC6] =	sst s2  }
0x8f: {  	_ = 	snop  }
0x90: {  	s2 =	sld [smem:$0x3FD0];
	(tm) =	ssettm $0x1  }
0x91: {  	s18 =	sld [smem:$0x3FFB];
	_ =	sdelay $0x3  }
0x92: {  	_ =	strace s18  }
0x93: {  	s3 =	sld [smem:$0x3FFC];
	_ =	sdelay $0x3  }
0x94: {  	_ =	strace s3  }
0x95: {  	s3 =	sld [smem:$0x3FFD];
	_ =	sdelay $0x3  }
0x96: {  	_ =	strace s3  }
0x97: {  	_ =	strace $0x8FFFFFFF  }
0x98: {  	s19 =	sld [smem:$0x3FDB];
	_ =	sdelay $0x1  }
0x99: {  	s4 =	simm.s32 $_scs_section_size  }
0x9a: {  	s5 =	simm.s32 $_size__tile_overlayer_lowered;
	s6 =	simm.s32 $_tile_overlayer_lowered  }
0x9b: {  	s22 =	simm.s32 $0x1BFF;
	s21 =	sshll.u32 s6, $0x1;
	s3 =	sadd.s32 s4, s19  }
0x9c: {  	s7 =	simm.s32 $0x0;
	s20 =	sshll.u32 s5, $0x1;
	s5 =	sadd.s32 s21, s3  }
0x9d: {  	[timem:s7], [sflag:s22] =	dma.local [hbm:s5], s20  }
0x9e: {  	_ =	swait.ge [sflag:s22], s20  }
0x9f: {  	s4 =	ssub.s32 $0x0, s20;
	[sflag:s22] =	ssyncset.done $0x0  }
0xa0: {  	[sflag:s22] =	ssyncadd.s32 s4;
	_ =	sdelay $0x1  }
0xa1: {  	s23 =	simm.s32 $0x1B8B  }
0xa2: {  	_ =	swait.ge [sflag:s23], $0x1  }
0xa3: {  	[sflag:s23] =	ssyncset.done $0x0  }
0xa4: {  	s25 =	simm.s32 $0x1B8E;
	s24 =	sld [smem:$0x3FFE];
	[sflag:s23] =	ssyncadd.s32 $0xFFFFFFFF  }
0xa5: {  	s26 =	simm.s32 $execute0_lowered;
	[smem:$0x3FD2] =	sst s25  }
0xa6: {  	s5 =	sshll.u32 s26, $0x1;
	_ =	strace $0x8000004F;
	[dreg:$0x1] =	wrdreg $0xFFFFFFFF  }
0xa7: {  	s28 =	simm.s32 $_size_execute0_lowered;
	s3 =	sadd.s32 s3, s5;
	[dreg:$0x0] =	wrdreg $0x0  }
0xa8: {  	s5 =	sshll.u32 s28, $0x1;
	[dreg:$0x2] =	wrdreg s3  }
0xa9: {  	[dreg:$0x3] =	wrdreg s5  }
0xaa: {  	[dreg:$0x4] =	wrdreg $0xC0  }
0xab: {  	_ =	task [dreg:s7], $0x5FFFF  }
0xac: {  	[dreg:$0x1] =	wrdreg $0xFFFFFFFF  }
0xad: {  	[dreg:$0x0] =	wrdreg $0x60  }
0xae: {  	[dreg:$0x2] =	wrdreg s24  }
0xaf: {  	[dreg:$0x3] =	wrdreg s2  }
0xb0: {  	[dreg:$0x4] =	wrdreg $0xB8000  }
0xb1: {  	[dreg:$0x5] =	wrdreg $0x9  }
0xb2: {  	_ =	task.clear_ibuf [dreg:s7], $0x6FFFF;
	_ =	strace $0x9000004F  }
0xb3: {  	s29 =	simm.s32 $0x9;
	_ =	strace $0x80000051  }
0xb4: {  	_ =	swait.ge [sflag:s29], $0x1  }
0xb5: {  	[sflag:s29] =	ssyncadd.s32 $0xFFFFFFFF  }
0xb6: {  	_ =	strace $0x90000051  }
0xb7: {  	_ =	sfence  }
0xb8: {  	s30 =	sld [smem:$0x0];
	_ =	sdelay $0x2  }
0xb9: {  	s31 =	sshll.u32 s1, $0xD;
	s1 =	sshrl.u32 s1, $0x2  }
0xba: {  	s3 =	sand.u32 $0x4000, s31;
	s1 =	sadd.s32 s1, s30  }
0xbb: {  	s0 =	sor.u32 s3, s0;
	s1 =	sshll.u32 s1, $0x11  }
0xbc: {  	s0 =	sor.u32 s1, s0  }
0xbd: {  	s0 =	sadd.s32 $0x8F2B, s0  }
0xbe: {  	[sflag:s0] =	ssyncadd.remote.s32 $0x1  }
0xbf: {  	_ =	sfence.sel $0xFFFF  }
0xc0: {  	[dreg:$0x0] =	wrdreg $0xFFFFFFFF;
	(pc) =	sbr.abs _section_cstart, $3  }
0xc1: {  	[dreg:$0x1] =	wrdreg $0xFFFFFFFF  }
0xc2: {  	_ =	task.clear_ibuf [dreg:s7], $0x2FFFF;
	_ =	strace $0x9FFFFFFF  }
0xc3: {  	(tm) =	ssettm $0x7FFFFFFF  }
tec
execute0_lowered:
.L_overlay_start_1:
0x0: {  	(tag) =	ssettag $0x1  }
0x1: {  	s8 =	rddreg [dreg:$0x0]  }
0x2: {  	s2 =	rddreg [dreg:$0x1]  }
0x3: {  	s3 =	rddreg [dreg:$0x2];
	s4 =	simm.s32 $0x0  }
0x4: {  	s0 =	stileid.u32;
	s5 =	srdreg.scid;
	s20 =	simm.s32 $0x280  }
0x5: {  	s21 =	simm.s32 $0x1;
	s22 =	simm.s32 $0x5;
	s23 =	simm.s32 $0x78  }
0x6: {  	s28 =	simm.s32 $0x0;
	[smem:$0x7FF] =	sst s4;
	s7 =	smul.u32 $0x13C00, s0  }
0x7: {  	s9 =	sand.u32 $0x1, s5;
	s5 =	sadd.s32 $0x2B200, s8;
	s6 =	sadd.s32 $0x7A200, s8  }
0x8: {  	s24 =	sshll.u32 s0, $0x1;
	s13 =	smul.u32 $0x4F000, s0;
	s29 =	sshll.u32 s0, $0x6  }
0x9: {  	_ =	strace $0x80000050;
	s10 =	smul.u32 $0x13C000, s9;
	s12 =	ssub.s32 $0x2, s9  }
0xa: {  	s9 =	sor.u32 s9, s24;
	s24 =	simm.s32 $0x400;
	s11 =	sshrl.u32 s7, $0x3  }
0xb: {  	s14 =	sshrl.u32 s12, $0x1;
	s26 =	sshrl.u32 s13, $0x2;
	s11 =	sadd.s32 s11, s8  }
0xc: {  	s7 =	sadd.s32 s7, s10;
	s16 =	ssub.s32 s12, s14;
	s17 =	sadd.s32 s26, s3  }
0xd: {  	s26 =	simm.s32 $0xE;
	s25 =	sshrl.u32 s7, $0x3;
	s7 =	smul.u32 $0x2C00, s9  }
.Ltmp0:
0xe: {  	s9 =	sor.u32 $0x1C0F, s29;
	s15 =	sadd.s32 s25, s8;
	(pc) =	sbr.rel .LBB2_1-.Ltmp0, $4  }
0xf: {  	s8 =	sadd.s32 $0x3A00, s11;
	s25 =	simm.s32 $0xD;
	s30 =	sshrl.u32 s7, $0x3  }
0x10: {  	s14 =	sadd.s32 $0xACA00, s15;
	s15 =	smax.u32 s16, $0x1;
	s16 =	sshrl.u32 s17, $0x3  }
0x11: {  	s17 =	simm.s32 $0xF;
	s31 =	sor.u32 $0x10, s30;
	s10 =	sadd.s32 s6, s30  }
0x12: {  	s11 =	sadd.s32 s2, s30;
	s12 =	sadd.s32 s6, s31;
	s13 =	sadd.s32 s2, s31  }
.LBB2_8:
0x13: {  	_ =	swait.ge [sflag:s25], $0x3C00  }
0x14: {  	[sflag:s25] =	ssyncset.done $0x0  }
0x15: {  	[sflag:s25] =	ssyncadd.s32 $0xFFFFC400  }
0x16: {  	_ =	swait.ge [sflag:s26], $0x3C00  }
0x17: {  	s28 =	sadd.s32 $0x1, s28;
	[sflag:s26] =	ssyncset.done $0x0  }
0x18: {  	p0 =	sne.s32 s28, s15;
	[sflag:s26] =	ssyncadd.s32 $0xFFFFC400  }
.Ltmp1:
0x19: {  	[bflag:$0x0] =	sbarrier.arrive $0xFFFF;
	(pc) =	sbr.rel @!p0 .LBB2_9-.Ltmp1, $4  }
0x1a: {  	[hbm:s14], [sflag:s9] =	dma.local [spmem:s16], $0x2780  }
0x1b: {  	_ =	swait.ge [sflag:s17], $0x2780  }
0x1c: {  	[sflag:s17] =	ssyncset.done $0x0  }
0x1d: {  	[sflag:s17] =	ssyncadd.s32 $0xFFFFD880  }
.LBB2_1:
0x1e: {  	[spmem:s16], [sflag:s9] =	dma.local [hbm:s8], $0x2780  }
0x1f: {  	_ =	swait.ge [sflag:s17], $0x2780  }
0x20: {  	[sflag:s17] =	ssyncset.done $0x0  }
0x21: {  	[sflag:s17] =	ssyncadd.s32 $0xFFFFD880  }
0x22: {  	[bflag:$0x0] =	sbarrier.arrive $0xFFFF  }
0x23: {  	[tilespmem:s4], [sflag:$0x1] =	stream.linear.gather [hbm4b:s10+s4], $0x80, $0x38;
	[tilespmem:$0x1F400] =	vst v63  }
0x24: {  	s0 =	simm.s32 $0x200  }
0x25: {  	[tilespmem:s0], [sflag:$0x5] =	stream.linear.gather [hbm4b:s11+s4], $0x80, $0x38;
	[tilespmem:$0x1F400] =	vst v63  }
0x26: {  	s31 =	simm.s32 $0x80  }
0x27: {  	[tilespmem:s31], [sflag:$0x2] =	stream.linear.gather [hbm4b:s12+s4], $0x80, $0x38;
	[tilespmem:$0x1F400] =	vst v63  }
0x28: {  	_ = 	snop  }
0x29: {  	[tilespmem:s20], [sflag:$0x6] =	stream.linear.gather [hbm4b:s13+s4], $0x80, $0x38;
	[tilespmem:$0x1F400] =	vst v63  }
0x2a: {  	_ =	swait.ge [sflag:s21], $0x80  }
0x2b: {  	[sflag:s21] =	ssyncset.done $0x0  }
0x2c: {  	[sflag:s21] =	ssyncadd.s32 $0xFFFFFF80  }
.Ltmp2:
0x2d: {  	_ =	swait.ge [sflag:s22], $0x80;
	(pc) =	sbr.rel .LBB2_2-.Ltmp2, $4  }
0x2e: {  	[sflag:s22] =	ssyncset.done $0x0  }
0x2f: {  	[sflag:s22] =	ssyncadd.s32 $0xFFFFFF80;
	(ifvalue) =	ssetifvalue $0xFFFFFFFF  }
0x30: {  	s29 =	simm.s32 $0x0;
	(ifvalue) =	ssetifvalue $0xFFFFFFFF  }
0x31: {  	[tilespmem:s24], [sflag:$0x9] =	stream.indirect.gather [hbm4b:s5+s23], $0x80, s4, s23, $0x40b8;
	[tilespmem:$0x1F400] =	vst v63  }
.LBB2_6:
0x32: {  	s30 =	simm.s32 $0x54;
	s31 =	simm.s32 $0x2  }
.LBB2_7:
0x33: {  	s0 =	smul.u32 $0xF000, s31;
	s1 =	sadd.s32 $0x9, s31;
	p0 =	slt.u32 s30, $0x54  }
.Ltmp3:
0x34: {  	s18 =	sshll.u32 s29, $0x7;
	s31 =	sadd.s32 $0xC, s31;
	(pc) =	sbr.rel @!p0 .LBB2_8-.Ltmp3, $4  }
0x35: {  	s29 =	smov.u32 s30;
	_ =	swait.ge [sflag:s1], $0x3C00;
	s0 =	sshrl.u32 s0, $0x2  }
0x36: {  	s19 =	sand.u32 $0x180, s18;
	[sflag:s1] =	ssyncset.done $0x0;
	s0 =	sadd.s32 $0x400, s0  }
0x37: {  	[sflag:s1] =	ssyncadd.s32 $0xFFFFC400;
	s1 =	sor.u32 $0x200, s19;
	(ifvalue) =	ssetifvalue $0xFFFFFFFF  }
0x38: {  	[spmem:s3] =	stream.indirect.scatter.add.f32 [tilespmem:s0], [sflag:s31], $0x80, s1, s23, $0x40b8;
	[tilespmem:$0x1F400] =	vst v63  }
.LBB2_2:
0x39: {  	p0 =	slt.u32 s29, $0x2  }
0x3a: {  	s30 =	sadd.s32 @!p0 $0xFFFFFFFE, s29  }
0x3b: {  	s31 =	sand.u32 @!p0 $0xFF, s30  }
0x3c: {  	s31 =	smul.u32 @!p0 $0xAB, s31;
	_ =	sdelay $0x1  }
0x3d: {  	s31 =	sshrl.u32 @!p0 s31, $0x9  }
0x3e: {  	s31 =	smul.u32 @!p0 $0x3, s31  }
0x3f: {  	p1 =	sgt.u32 @!p0 s29, $0x51  }
0x40: {  	p1 =	por p0, !p1;
	s30 =	ssub.s32 @!p0 s30, s31  }
.Ltmp4:
0x41: {  	s30 =	sor.u32 @!p0 $0xC, s30;
	(pc) =	sbr.rel @!p1 .LBB2_5-.Ltmp4, $4  }
0x42: {  	s30 =	sand.u32 @!p0 $0xFF, s30  }
0x43: {  	_ =	swait.ge @!p0 [sflag:s30], $0x3C00  }
0x44: {  	[sflag:s30] =	ssyncset.done @!p0 $0x0  }
0x45: {  	[sflag:s30] =	ssyncadd.s32 @!p0 $0xFFFFC400  }
0x46: {  	s30 =	sadd.s32 $0x2, s29  }
0x47: {  	s31 =	sshll.u32 s30, $0x7  }
0x48: {  	s0 =	sand.u32 $0x7C00, s31  }
0x49: {  	s31 =	sand.u32 $0x380, s31;
	s0 =	sadd.s32 s7, s0  }
0x4a: {  	s0 =	sor.u32 s31, s0  }
0x4b: {  	s19 =	smul.u32 $0xAB, s29;
	s30 =	sand.u32 $0x3, s30;
	s0 =	sshrl.u32 s0, $0x3  }
0x4c: {  	s1 =	sadd.s32 $0x1, s30;
	s31 =	sshll.u32 s30, $0x7;
	s18 =	sadd.s32 s6, s0  }
0x4d: {  	[tilespmem:s31], [sflag:s1] =	stream.linear.gather [hbm4b:s18+s4], $0x80, $0x38;
	[tilespmem:$0x1F400] =	vst v63  }
0x4e: {  	s18 =	sshrl.u32 s19, $0x9  }
.Ltmp5:
0x4f: {  	s30 =	sadd.s32 $0x5, s30;
	s1 =	sand.u32 $0x7F, s18;
	(pc) =	sbr.rel .LBB2_4-.Ltmp5, $4  }
0x50: {  	s0 =	sadd.s32 s2, s0;
	s19 =	sor.u32 $0x200, s31;
	s1 =	smul.u32 $0x3, s1  }
0x51: {  	[tilespmem:s19], [sflag:s30] =	stream.linear.gather [hbm4b:s0+s4], $0x80, $0x38;
	[tilespmem:$0x1F400] =	vst v63  }
0x52: {  	s30 =	ssub.s32 s29, s1  }
0x53: {  	s31 =	sand.u32 $0xFF, s30  }
.LBB2_5:
0x54: {  	p0 =	seq.s32 s29, $0x53  }
.Ltmp6:
0x55: {  	_ = 	snop;
	(pc) =	sbr.rel @p0 .LBB2_6-.Ltmp6, $2  }
0x56: {  	_ =	sdelay $0x2  }
0x57: {  	s31 =	simm.s32 $0x1  }
.LBB2_4:
0x58: {  	s30 =	sadd.s32 $0x1, s29  }
0x59: {  	s0 =	smul.u32 $0xAB, s30;
	_ =	sdelay $0x1  }
0x5a: {  	s0 =	sshrl.u32 s0, $0x9  }
0x5b: {  	s0 =	sand.u32 $0x7F, s0  }
0x5c: {  	s1 =	sand.u32 $0x3, s30;
	s0 =	smul.u32 $0x3, s0  }
0x5d: {  	s18 =	sadd.s32 $0x1, s1  }
0x5e: {  	_ =	swait.ge [sflag:s18], $0x80;
	s0 =	ssub.s32 s30, s0  }
0x5f: {  	[sflag:s18] =	ssyncset.done $0x0;
	s0 =	sand.u32 $0xFF, s0  }
0x60: {  	[sflag:s18] =	ssyncadd.s32 $0xFFFFFF80;
	s18 =	sadd.s32 $0x5, s1;
	s19 =	smul.u32 $0xF000, s0  }
.Ltmp7:
0x61: {  	_ =	swait.ge [sflag:s18], $0x80;
	(pc) =	sbr.rel .LBB2_7-.Ltmp7, $4  }
0x62: {  	s1 =	sshll.u32 s1, $0x7;
	[sflag:s18] =	ssyncset.done $0x0  }
0x63: {  	[sflag:s18] =	ssyncadd.s32 $0xFFFFFF80;
	(ifvalue) =	ssetifvalue $0xFFFFFFFF;
	s19 =	sshrl.u32 s19, $0x2  }
0x64: {  	s0 =	sadd.s32 $0x9, s0;
	(ifvalue) =	ssetifvalue $0xFFFFFFFF;
	s18 =	sadd.s32 $0x400, s19  }
0x65: {  	[tilespmem:s18], [sflag:s0] =	stream.indirect.gather [hbm4b:s5+s23], $0x80, s1, s23, $0x40b8;
	[tilespmem:$0x1F400] =	vst v63  }
.LBB2_9:
0x66: {  	_ =	sfence.sel $0x180000  }
0x67: {  	[bflag:$0x0] =	sbarrier.arrive $0xFFFF  }
0x68: {  	_ =	strace $0x90000050  }
0x69: {  	s0 =	stileid.u32;
	[bflag:$0x2] =	sbarrier.arrive $0xFFFF  }
0x6a: {  	p0 =	sne.s32 s0, $0x0;
	s0 =	rddreg [dreg:$0x3]  }
0x6b: {  	s0 =	sadd.s32 @!p0 $0x100000, s0  }
0x6c: {  	[sflag:s0] =	ssyncadd.tile.s32 @!p0 $0x1;
	_ =	shalt  }
.Lfunc_end2:
_tile_overlayer_lowered:
.L_overlay_start_2:
0x6d: {  	(tag) =	ssettag $0x2  }
0x6e: {  	s0 =	rddreg [dreg:$0x0];
	s2 =	stileid.u32  }
0x6f: {  	s1 =	rddreg [dreg:$0x1];
	p0 =	sne.s32 s2, $0x0  }
0x70: {  	s3 =	rddreg [dreg:$0x2];
	[bflag:$0x3] =	sbarrier.arrive $0xFFFF;
	s2 =	simm.s32 @!p0 $0x1C0F  }
0x71: {  	[timem:s3], [sflag:s2] =	dma.local @!p0 [hbm:s0], s1  }
0x72: {  	s0 =	simm.s32 @!p0 $0xF  }
0x73: {  	_ =	swait.ge @!p0 [sflag:s0], s1  }
0x74: {  	s1 =	ssub.s32 @!p0 $0x0, s1;
	[sflag:s0] =	ssyncset.done @!p0 $0x0  }
0x75: {  	[sflag:s0] =	ssyncadd.s32 @!p0 s1  }
0x76: {  	[bflag:$0x3] =	sbarrier.arrive $0xFFFF  }
0x77: {  	_ =	shalt  }

</sc_bundles>
